<compile_context>
chip_gen: v7x
topology: tpu7x:2x2x1
jax: 0.10.2.dev20260603
libtpu: 0.0.44.dev20260713+nightly
codegen_flags: <defaults>
</compile_context>

<pallas_src>
import functools

import jax
import jax.numpy as jnp
from jax import lax
from jax.experimental import pallas as pl
from jax.experimental.pallas import tpu as pltpu
from jax.experimental.pallas import tpu_sc as plsc

_NBUF = 8
_AHEAD = 6


def _make_sc_kernel(B, S, V, D, NC=2, NS=16, L=16, interpret=False):
  NW = NC * NS
  SPW = B // NW
  mesh = plsc.VectorSubcoreMesh(core_axis_name="c", subcore_axis_name="s",
                                num_cores=NC, num_subcores=NS)

  @functools.partial(
      pl.kernel,
      out_type=jax.ShapeDtypeStruct((B, S, D), jnp.float32),
      mesh=mesh,
      scratch_types=[
          pltpu.VMEM((S, D), jnp.float32),
          pltpu.VMEM((S, SPW), jnp.int32),
          pltpu.VMEM((_NBUF, SPW, D), jnp.float32),
          pltpu.SemaphoreType.DMA((_NBUF,)),
          pltpu.SemaphoreType.DMA((_NBUF,)),
          pltpu.SemaphoreType.DMA,
      ],
      interpret=interpret,
  )
  def k(x_hbm, tok_hbm, pos_hbm, out_hbm, pos_v, idx_v, buf_v, gsem, osem, psem):
    wid = lax.axis_index("s") * NC + lax.axis_index("c")
    pltpu.sync_copy(x_hbm.at[wid], idx_v)
    pos_cp = pltpu.async_copy(pos_hbm, pos_v, psem)
    seq0 = wid * SPW

    def start_gather(s, b):
      pltpu.async_copy(tok_hbm.at[idx_v.at[s]], buf_v.at[b], gsem.at[b])

    def wait_gather(b):
      pltpu.make_async_copy(tok_hbm.at[pl.ds(0, SPW)], buf_v.at[b],
                            gsem.at[b]).wait()

    def start_scatter(s, b):
      pltpu.async_copy(buf_v.at[b], out_hbm.at[pl.ds(seq0, SPW), s],
                       osem.at[b])

    def wait_scatter(b):
      pltpu.make_async_copy(buf_v.at[b], out_hbm.at[pl.ds(0, SPW), 0],
                            osem.at[b]).wait()

    for s in range(_AHEAD):
      start_gather(s, s)
    pos_cp.wait()

    def body(g, carry):
      for bb in range(_NBUF):
        s = g * _NBUF + bb
        @pl.when(s + _AHEAD < S)
        def _():
          @pl.when(s + _AHEAD >= _NBUF)
          def _():
            wait_scatter((s + _AHEAD) % _NBUF)
          start_gather(s + _AHEAD, (s + _AHEAD) % _NBUF)
        wait_gather(bb)

        pos_regs = tuple(pos_v[s, pl.ds(l * L, L)] for l in range(D // L))

        def add_body(j, pregs):
          for l in range(D // L):
            sl = pl.ds(l * L, L)
            buf_v[bb, j, sl] = buf_v[bb, j, sl] + pregs[l]
          return pregs

        lax.fori_loop(0, SPW, add_body, pos_regs)
        start_scatter(s, bb)
      return carry

    lax.fori_loop(0, S // _NBUF, body, 0)
    for b in range(_NBUF):
      wait_scatter(b)

  return k


def kernel(x, token_table, pos_table):
  B, S = x.shape
  V, D = token_table.shape
  info = plsc.get_sparse_core_info()
  NC, NS, L = info.num_cores, info.num_subcores, info.num_lanes
  NW = NC * NS
  xw = jnp.swapaxes(x.astype(jnp.int32).reshape(NW, B // NW, S), 1, 2)
  k = _make_sc_kernel(B, S, V, D, NC=NC, NS=NS, L=L)
  return k(xw, token_table, pos_table)

# --- scband reference (transcript-rebuilt; emitter-appended) ---
"""Pipeline reference for scband-token-and-position-embedding-85109071938167 (READ-ONLY COPY).

The authoritative reference and input builder live on the scoring server;
editing this copy changes nothing except your own understanding.
"""

import jax, jax.numpy as jnp
import numpy as np

VOCAB = 100000
MAXLEN = 200
EMBED_DIM = 128
BATCH = 1024
SEQ = 200

def setup_inputs(seed: int = 0) -> dict:
    key = jax.random.key(seed)
    k1, k2, k3 = jax.random.split(key, 3)
    x = jax.random.randint(k1, (BATCH, SEQ), 0, VOCAB, dtype=jnp.int64 if jax.config.jax_enable_x64 else jnp.int32)
    token_table = jax.random.normal(k2, (VOCAB, EMBED_DIM), dtype=jnp.float32) * 0.02
    pos_table = jax.random.normal(k3, (MAXLEN, EMBED_DIM), dtype=jnp.float32) * 0.02
    return {"x": x, "token_table": token_table, "pos_table": pos_table}

def reference(x, token_table, pos_table):
    seq_len = x.shape[-1]
    positions = jnp.arange(0, seq_len)
    pos_embed = jnp.take(pos_table, positions, axis=0)  # [S, D]
    tok_embed = jnp.take(token_table, x, axis=0)        # [B, S, D]
    return tok_embed + pos_embed[None, :, :]

if __name__ == "__main__":
    import jax
    _d = setup_inputs()
    print(jax.jit(kernel)(*tuple(_d.values())))

</pallas_src>

<mosaic_0001>
#map = affine_map<(d0, d1) -> (0, 0, 0)>
#map1 = affine_map<(d0, d1) -> (0, 0)>
module attributes {stable_mosaic.version = 14 : i64} {
  func.func @k(%arg0: i32, %arg1: i32, %arg2: memref<32x200x32xi32, #tpu.memory_space<hbm>>, %arg3: memref<100000x128xf32, #tpu.memory_space<hbm>>, %arg4: memref<200x128xf32, #tpu.memory_space<hbm>>, %arg5: memref<1024x200x128xf32, #tpu.memory_space<hbm>>, %arg6: memref<200x128xf32, #tpu.memory_space<vmem>>, %arg7: memref<200x32xi32, #tpu.memory_space<vmem>>, %arg8: memref<8x32x128xf32, #tpu.memory_space<vmem>>, %arg9: memref<8x!tpu.dma_semaphore, #tpu.memory_space<semaphore_mem>>, %arg10: memref<8x!tpu.dma_semaphore, #tpu.memory_space<semaphore_mem>>, %arg11: memref<!tpu.dma_semaphore, #tpu.memory_space<semaphore_mem>>) attributes {dimension_semantics = [#tpu.dimension_semantics<core_parallel>, #tpu.dimension_semantics<subcore_parallel>], iteration_bounds = array<i64: 2, 16>, scalar_prefetch = 0 : i64, scratch_operands = 6 : i64, tpu.core_type = #tpu.core_type<sc_vector_subcore>, window_params = [{transform_indices = #map}, {transform_indices = #map1}, {transform_indices = #map1}, {transform_indices = #map}]} {
    %mul3A = arith.constant 2 : i32
    %mul3A_0 = arith.muli %arg1, %mul3A : i32
    %add3A = arith.addi %mul3A_0, %arg0 : i32
    "tpu.region"() ({
      %run_scoped3A = tpu.sem_alloc : memref<!tpu.dma_semaphore, #tpu.memory_space<semaphore_mem>>
      %dma_start3A_264 = arith.constant 0 : i32
      %dma_start3A_265 = arith.constant 0 : i32
      %dma_start3A_266 = tpu.memref_slice %arg2[%add3A, %dma_start3A_264, %dma_start3A_265] : memref<32x200x32xi32, #tpu.memory_space<hbm>> -> memref<1x200x32xi32, #tpu.memory_space<hbm>>
      %dma_start3A_267 = tpu.memref_squeeze %dma_start3A_266 : memref<1x200x32xi32, #tpu.memory_space<hbm>> -> memref<200x32xi32, #tpu.memory_space<hbm>>
      %dma_start3A_268 = arith.constant 0 : i32
      %dma_start3A_269 = arith.constant 0 : i32
      %dma_start3A_270 = tpu.memref_slice %arg2[%add3A, %dma_start3A_268, %dma_start3A_269] : memref<32x200x32xi32, #tpu.memory_space<hbm>> -> memref<1x200x32xi32, #tpu.memory_space<hbm>>
      %dma_start3A_271 = tpu.memref_squeeze %dma_start3A_270 : memref<1x200x32xi32, #tpu.memory_space<hbm>> -> memref<200x32xi32, #tpu.memory_space<hbm>>
      tpu.enqueue_dma source(%dma_start3A_271 : memref<200x32xi32, #tpu.memory_space<hbm>>) target(%arg7 : memref<200x32xi32, #tpu.memory_space<vmem>>) target_semaphore(%run_scoped3A : memref<!tpu.dma_semaphore, #tpu.memory_space<semaphore_mem>>)
      %dma_wait3A_272 = arith.constant 0 : i32
      %dma_wait3A_273 = arith.constant 0 : i32
      %dma_wait3A_274 = tpu.memref_slice %arg2[%add3A, %dma_wait3A_272, %dma_wait3A_273] : memref<32x200x32xi32, #tpu.memory_space<hbm>> -> memref<1x200x32xi32, #tpu.memory_space<hbm>>
      %dma_wait3A_275 = tpu.memref_squeeze %dma_wait3A_274 : memref<1x200x32xi32, #tpu.memory_space<hbm>> -> memref<200x32xi32, #tpu.memory_space<hbm>>
      %dma_wait3A_276 = arith.constant 0 : i32
      %dma_wait3A_277 = arith.constant 0 : i32
      %dma_wait3A_278 = tpu.memref_slice %arg2[%add3A, %dma_wait3A_276, %dma_wait3A_277] : memref<32x200x32xi32, #tpu.memory_space<hbm>> -> memref<1x200x32xi32, #tpu.memory_space<hbm>>
      %dma_wait3A_279 = tpu.memref_squeeze %dma_wait3A_278 : memref<1x200x32xi32, #tpu.memory_space<hbm>> -> memref<200x32xi32, #tpu.memory_space<hbm>>
      tpu.wait_dma2 semaphore(%run_scoped3A : memref<!tpu.dma_semaphore, #tpu.memory_space<semaphore_mem>>) src(%dma_wait3A_279 : memref<200x32xi32, #tpu.memory_space<hbm>>) dst(%arg7 : memref<200x32xi32, #tpu.memory_space<vmem>>)
      tpu.yield
    }) : () -> ()
    tpu.enqueue_dma source(%arg4 : memref<200x128xf32, #tpu.memory_space<hbm>>) target(%arg6 : memref<200x128xf32, #tpu.memory_space<vmem>>) target_semaphore(%arg11 : memref<!tpu.dma_semaphore, #tpu.memory_space<semaphore_mem>>)
    %mul3A_1 = arith.constant 32 : i32
    %mul3A_2 = arith.muli %add3A, %mul3A_1 : i32
    %dma_start3A = arith.constant 0 : i32
    %dma_start3A_3 = arith.constant 0 : i32
    %dma_start3A_4 = arith.constant 0 : i32
    %dma_start3A_5 = arith.constant 0 : i32
    %dma_start3A_6 = arith.constant 0 : i32
    %dma_start3A_7 = tpu.memref_slice %arg8[%dma_start3A_3, %dma_start3A_5, %dma_start3A_6] : memref<8x32x128xf32, #tpu.memory_space<vmem>> -> memref<1x32x128xf32, #tpu.memory_space<vmem>>
    %dma_start3A_8 = tpu.memref_squeeze %dma_start3A_7 : memref<1x32x128xf32, #tpu.memory_space<vmem>> -> memref<32x128xf32, #tpu.memory_space<vmem>>
    %dma_start3A_9 = arith.constant 0 : i32
    %dma_start3A_10 = tpu.memref_slice %arg7[%dma_start3A, %dma_start3A_9] : memref<200x32xi32, #tpu.memory_space<vmem>> -> memref<1x32xi32, #tpu.memory_space<vmem>>
    %dma_start3A_11 = tpu.memref_squeeze %dma_start3A_10 : memref<1x32xi32, #tpu.memory_space<vmem>> -> memref<32xi32, #tpu.memory_space<vmem>>
    %dma_start3A_12 = arith.constant 0 : i32
    %dma_start3A_13 = arith.constant 0 : i32
    %dma_start3A_14 = tpu.memref_slice %arg3[%dma_start3A_12, %dma_start3A_13] : memref<100000x128xf32, #tpu.memory_space<hbm>> -> memref<100000x128xf32, #tpu.memory_space<hbm>>
    %dma_start3A_15 = tpu.memref_slice %arg9[%dma_start3A_4] : memref<8x!tpu.dma_semaphore, #tpu.memory_space<semaphore_mem>> -> memref<1x!tpu.dma_semaphore, #tpu.memory_space<semaphore_mem>>
    %dma_start3A_16 = tpu.memref_squeeze %dma_start3A_15 : memref<1x!tpu.dma_semaphore, #tpu.memory_space<semaphore_mem>> -> memref<!tpu.dma_semaphore, #tpu.memory_space<semaphore_mem>>
    tpu.enqueue_indirect_dma source(%dma_start3A_14 : memref<100000x128xf32, #tpu.memory_space<hbm>>) target(%dma_start3A_8 : memref<32x128xf32, #tpu.memory_space<vmem>>) offsets(%dma_start3A_11 : memref<32xi32, #tpu.memory_space<vmem>>) semaphore(%dma_start3A_16 : memref<!tpu.dma_semaphore, #tpu.memory_space<semaphore_mem>>)
    %dma_start3A_17 = arith.constant 1 : i32
    %dma_start3A_18 = arith.constant 1 : i32
    %dma_start3A_19 = arith.constant 1 : i32
    %dma_start3A_20 = arith.constant 0 : i32
    %dma_start3A_21 = arith.constant 0 : i32
    %dma_start3A_22 = tpu.memref_slice %arg8[%dma_start3A_18, %dma_start3A_20, %dma_start3A_21] : memref<8x32x128xf32, #tpu.memory_space<vmem>> -> memref<1x32x128xf32, #tpu.memory_space<vmem>>
    %dma_start3A_23 = tpu.memref_squeeze %dma_start3A_22 : memref<1x32x128xf32, #tpu.memory_space<vmem>> -> memref<32x128xf32, #tpu.memory_space<vmem>>
    %dma_start3A_24 = arith.constant 0 : i32
    %dma_start3A_25 = tpu.memref_slice %arg7[%dma_start3A_17, %dma_start3A_24] : memref<200x32xi32, #tpu.memory_space<vmem>> -> memref<1x32xi32, #tpu.memory_space<vmem>>
    %dma_start3A_26 = tpu.memref_squeeze %dma_start3A_25 : memref<1x32xi32, #tpu.memory_space<vmem>> -> memref<32xi32, #tpu.memory_space<vmem>>
    %dma_start3A_27 = arith.constant 0 : i32
    %dma_start3A_28 = arith.constant 0 : i32
    %dma_start3A_29 = tpu.memref_slice %arg3[%dma_start3A_27, %dma_start3A_28] : memref<100000x128xf32, #tpu.memory_space<hbm>> -> memref<100000x128xf32, #tpu.memory_space<hbm>>
    %dma_start3A_30 = tpu.memref_slice %arg9[%dma_start3A_19] : memref<8x!tpu.dma_semaphore, #tpu.memory_space<semaphore_mem>> -> memref<1x!tpu.dma_semaphore, #tpu.memory_space<semaphore_mem>>
    %dma_start3A_31 = tpu.memref_squeeze %dma_start3A_30 : memref<1x!tpu.dma_semaphore, #tpu.memory_space<semaphore_mem>> -> memref<!tpu.dma_semaphore, #tpu.memory_space<semaphore_mem>>
    tpu.enqueue_indirect_dma source(%dma_start3A_29 : memref<100000x128xf32, #tpu.memory_space<hbm>>) target(%dma_start3A_23 : memref<32x128xf32, #tpu.memory_space<vmem>>) offsets(%dma_start3A_26 : memref<32xi32, #tpu.memory_space<vmem>>) semaphore(%dma_start3A_31 : memref<!tpu.dma_semaphore, #tpu.memory_space<semaphore_mem>>)
    %dma_start3A_32 = arith.constant 2 : i32
    %dma_start3A_33 = arith.constant 2 : i32
    %dma_start3A_34 = arith.constant 2 : i32
    %dma_start3A_35 = arith.constant 0 : i32
    %dma_start3A_36 = arith.constant 0 : i32
    %dma_start3A_37 = tpu.memref_slice %arg8[%dma_start3A_33, %dma_start3A_35, %dma_start3A_36] : memref<8x32x128xf32, #tpu.memory_space<vmem>> -> memref<1x32x128xf32, #tpu.memory_space<vmem>>
    %dma_start3A_38 = tpu.memref_squeeze %dma_start3A_37 : memref<1x32x128xf32, #tpu.memory_space<vmem>> -> memref<32x128xf32, #tpu.memory_space<vmem>>
    %dma_start3A_39 = arith.constant 0 : i32
    %dma_start3A_40 = tpu.memref_slice %arg7[%dma_start3A_32, %dma_start3A_39] : memref<200x32xi32, #tpu.memory_space<vmem>> -> memref<1x32xi32, #tpu.memory_space<vmem>>
    %dma_start3A_41 = tpu.memref_squeeze %dma_start3A_40 : memref<1x32xi32, #tpu.memory_space<vmem>> -> memref<32xi32, #tpu.memory_space<vmem>>
    %dma_start3A_42 = arith.constant 0 : i32
    %dma_start3A_43 = arith.constant 0 : i32
    %dma_start3A_44 = tpu.memref_slice %arg3[%dma_start3A_42, %dma_start3A_43] : memref<100000x128xf32, #tpu.memory_space<hbm>> -> memref<100000x128xf32, #tpu.memory_space<hbm>>
    %dma_start3A_45 = tpu.memref_slice %arg9[%dma_start3A_34] : memref<8x!tpu.dma_semaphore, #tpu.memory_space<semaphore_mem>> -> memref<1x!tpu.dma_semaphore, #tpu.memory_space<semaphore_mem>>
    %dma_start3A_46 = tpu.memref_squeeze %dma_start3A_45 : memref<1x!tpu.dma_semaphore, #tpu.memory_space<semaphore_mem>> -> memref<!tpu.dma_semaphore, #tpu.memory_space<semaphore_mem>>
    tpu.enqueue_indirect_dma source(%dma_start3A_44 : memref<100000x128xf32, #tpu.memory_space<hbm>>) target(%dma_start3A_38 : memref<32x128xf32, #tpu.memory_space<vmem>>) offsets(%dma_start3A_41 : memref<32xi32, #tpu.memory_space<vmem>>) semaphore(%dma_start3A_46 : memref<!tpu.dma_semaphore, #tpu.memory_space<semaphore_mem>>)
    %dma_start3A_47 = arith.constant 3 : i32
    %dma_start3A_48 = arith.constant 3 : i32
    %dma_start3A_49 = arith.constant 3 : i32
    %dma_start3A_50 = arith.constant 0 : i32
    %dma_start3A_51 = arith.constant 0 : i32
    %dma_start3A_52 = tpu.memref_slice %arg8[%dma_start3A_48, %dma_start3A_50, %dma_start3A_51] : memref<8x32x128xf32, #tpu.memory_space<vmem>> -> memref<1x32x128xf32, #tpu.memory_space<vmem>>
    %dma_start3A_53 = tpu.memref_squeeze %dma_start3A_52 : memref<1x32x128xf32, #tpu.memory_space<vmem>> -> memref<32x128xf32, #tpu.memory_space<vmem>>
    %dma_start3A_54 = arith.constant 0 : i32
    %dma_start3A_55 = tpu.memref_slice %arg7[%dma_start3A_47, %dma_start3A_54] : memref<200x32xi32, #tpu.memory_space<vmem>> -> memref<1x32xi32, #tpu.memory_space<vmem>>
    %dma_start3A_56 = tpu.memref_squeeze %dma_start3A_55 : memref<1x32xi32, #tpu.memory_space<vmem>> -> memref<32xi32, #tpu.memory_space<vmem>>
    %dma_start3A_57 = arith.constant 0 : i32
    %dma_start3A_58 = arith.constant 0 : i32
    %dma_start3A_59 = tpu.memref_slice %arg3[%dma_start3A_57, %dma_start3A_58] : memref<100000x128xf32, #tpu.memory_space<hbm>> -> memref<100000x128xf32, #tpu.memory_space<hbm>>
    %dma_start3A_60 = tpu.memref_slice %arg9[%dma_start3A_49] : memref<8x!tpu.dma_semaphore, #tpu.memory_space<semaphore_mem>> -> memref<1x!tpu.dma_semaphore, #tpu.memory_space<semaphore_mem>>
    %dma_start3A_61 = tpu.memref_squeeze %dma_start3A_60 : memref<1x!tpu.dma_semaphore, #tpu.memory_space<semaphore_mem>> -> memref<!tpu.dma_semaphore, #tpu.memory_space<semaphore_mem>>
    tpu.enqueue_indirect_dma source(%dma_start3A_59 : memref<100000x128xf32, #tpu.memory_space<hbm>>) target(%dma_start3A_53 : memref<32x128xf32, #tpu.memory_space<vmem>>) offsets(%dma_start3A_56 : memref<32xi32, #tpu.memory_space<vmem>>) semaphore(%dma_start3A_61 : memref<!tpu.dma_semaphore, #tpu.memory_space<semaphore_mem>>)
    %dma_start3A_62 = arith.constant 4 : i32
    %dma_start3A_63 = arith.constant 4 : i32
    %dma_start3A_64 = arith.constant 4 : i32
    %dma_start3A_65 = arith.constant 0 : i32
    %dma_start3A_66 = arith.constant 0 : i32
    %dma_start3A_67 = tpu.memref_slice %arg8[%dma_start3A_63, %dma_start3A_65, %dma_start3A_66] : memref<8x32x128xf32, #tpu.memory_space<vmem>> -> memref<1x32x128xf32, #tpu.memory_space<vmem>>
    %dma_start3A_68 = tpu.memref_squeeze %dma_start3A_67 : memref<1x32x128xf32, #tpu.memory_space<vmem>> -> memref<32x128xf32, #tpu.memory_space<vmem>>
    %dma_start3A_69 = arith.constant 0 : i32
    %dma_start3A_70 = tpu.memref_slice %arg7[%dma_start3A_62, %dma_start3A_69] : memref<200x32xi32, #tpu.memory_space<vmem>> -> memref<1x32xi32, #tpu.memory_space<vmem>>
    %dma_start3A_71 = tpu.memref_squeeze %dma_start3A_70 : memref<1x32xi32, #tpu.memory_space<vmem>> -> memref<32xi32, #tpu.memory_space<vmem>>
    %dma_start3A_72 = arith.constant 0 : i32
    %dma_start3A_73 = arith.constant 0 : i32
    %dma_start3A_74 = tpu.memref_slice %arg3[%dma_start3A_72, %dma_start3A_73] : memref<100000x128xf32, #tpu.memory_space<hbm>> -> memref<100000x128xf32, #tpu.memory_space<hbm>>
    %dma_start3A_75 = tpu.memref_slice %arg9[%dma_start3A_64] : memref<8x!tpu.dma_semaphore, #tpu.memory_space<semaphore_mem>> -> memref<1x!tpu.dma_semaphore, #tpu.memory_space<semaphore_mem>>
    %dma_start3A_76 = tpu.memref_squeeze %dma_start3A_75 : memref<1x!tpu.dma_semaphore, #tpu.memory_space<semaphore_mem>> -> memref<!tpu.dma_semaphore, #tpu.memory_space<semaphore_mem>>
    tpu.enqueue_indirect_dma source(%dma_start3A_74 : memref<100000x128xf32, #tpu.memory_space<hbm>>) target(%dma_start3A_68 : memref<32x128xf32, #tpu.memory_space<vmem>>) offsets(%dma_start3A_71 : memref<32xi32, #tpu.memory_space<vmem>>) semaphore(%dma_start3A_76 : memref<!tpu.dma_semaphore, #tpu.memory_space<semaphore_mem>>)
    %dma_start3A_77 = arith.constant 5 : i32
    %dma_start3A_78 = arith.constant 5 : i32
    %dma_start3A_79 = arith.constant 5 : i32
    %dma_start3A_80 = arith.constant 0 : i32
    %dma_start3A_81 = arith.constant 0 : i32
    %dma_start3A_82 = tpu.memref_slice %arg8[%dma_start3A_78, %dma_start3A_80, %dma_start3A_81] : memref<8x32x128xf32, #tpu.memory_space<vmem>> -> memref<1x32x128xf32, #tpu.memory_space<vmem>>
    %dma_start3A_83 = tpu.memref_squeeze %dma_start3A_82 : memref<1x32x128xf32, #tpu.memory_space<vmem>> -> memref<32x128xf32, #tpu.memory_space<vmem>>
    %dma_start3A_84 = arith.constant 0 : i32
    %dma_start3A_85 = tpu.memref_slice %arg7[%dma_start3A_77, %dma_start3A_84] : memref<200x32xi32, #tpu.memory_space<vmem>> -> memref<1x32xi32, #tpu.memory_space<vmem>>
    %dma_start3A_86 = tpu.memref_squeeze %dma_start3A_85 : memref<1x32xi32, #tpu.memory_space<vmem>> -> memref<32xi32, #tpu.memory_space<vmem>>
    %dma_start3A_87 = arith.constant 0 : i32
    %dma_start3A_88 = arith.constant 0 : i32
    %dma_start3A_89 = tpu.memref_slice %arg3[%dma_start3A_87, %dma_start3A_88] : memref<100000x128xf32, #tpu.memory_space<hbm>> -> memref<100000x128xf32, #tpu.memory_space<hbm>>
    %dma_start3A_90 = tpu.memref_slice %arg9[%dma_start3A_79] : memref<8x!tpu.dma_semaphore, #tpu.memory_space<semaphore_mem>> -> memref<1x!tpu.dma_semaphore, #tpu.memory_space<semaphore_mem>>
    %dma_start3A_91 = tpu.memref_squeeze %dma_start3A_90 : memref<1x!tpu.dma_semaphore, #tpu.memory_space<semaphore_mem>> -> memref<!tpu.dma_semaphore, #tpu.memory_space<semaphore_mem>>
    tpu.enqueue_indirect_dma source(%dma_start3A_89 : memref<100000x128xf32, #tpu.memory_space<hbm>>) target(%dma_start3A_83 : memref<32x128xf32, #tpu.memory_space<vmem>>) offsets(%dma_start3A_86 : memref<32xi32, #tpu.memory_space<vmem>>) semaphore(%dma_start3A_91 : memref<!tpu.dma_semaphore, #tpu.memory_space<semaphore_mem>>)
    tpu.wait_dma2 semaphore(%arg11 : memref<!tpu.dma_semaphore, #tpu.memory_space<semaphore_mem>>) src(%arg4 : memref<200x128xf32, #tpu.memory_space<hbm>>) dst(%arg6 : memref<200x128xf32, #tpu.memory_space<vmem>>)
    %scan3A = arith.constant 0 : i32
    %scan3A_92 = arith.constant 0 : i32
    %scan3A_93 = arith.constant 25 : i32
    %scan3A_94 = arith.addi %scan3A_92, %scan3A_93 : i32
    %scan3A_95 = arith.constant 1 : i32
    scf.for %scan3A_264 = %scan3A_92 to %scan3A_94 step %scan3A_95  : i32 {
      %mul3A_265 = arith.constant 8 : i32
      %mul3A_266 = arith.muli %scan3A_264, %mul3A_265 : i32
      %add3A_267 = arith.constant 0 : i32
      %add3A_268 = arith.addi %mul3A_266, %add3A_267 : i32
      %add3A_269 = arith.constant 6 : i32
      %add3A_270 = arith.addi %add3A_268, %add3A_269 : i32
      %lt3A = arith.constant 200 : i32
      %lt3A_271 = arith.cmpi slt, %add3A_270, %lt3A : i32
      %convert_element_type3A = arith.extui %lt3A_271 : i1 to i32
      %cond3A = arith.constant 0 : i32
      %cond3A_272 = arith.cmpi ne, %convert_element_type3A, %cond3A : i32
      scf.if %cond3A_272 {
        %add3A_933 = arith.constant 6 : i32
        %add3A_934 = arith.addi %add3A_268, %add3A_933 : i32
        %ge3A = arith.constant 8 : i32
        %ge3A_935 = arith.cmpi sge, %add3A_934, %ge3A : i32
        %convert_element_type3A_936 = arith.extui %ge3A_935 : i1 to i32
        %cond3A_937 = arith.constant 0 : i32
        %cond3A_938 = arith.cmpi ne, %convert_element_type3A_936, %cond3A_937 : i32
        scf.if %cond3A_938 {
          %add3A_965 = arith.constant 6 : i32
          %add3A_966 = arith.addi %add3A_268, %add3A_965 : i32
          %jit3A_967 = arith.constant 8 : i32
          %eq3A_968 = arith.constant 0 : i32
          %eq3A_969 = arith.cmpi eq, %jit3A_967, %eq3A_968 : i32
          %jit3A_970 = arith.constant 1 : i32
          %select_n3A_971 = arith.select %eq3A_969, %jit3A_970, %jit3A_967 : i32
          %rem3A_972 = arith.remsi %add3A_966, %select_n3A_971 : i32
          %ne3A_973 = arith.constant 0 : i32
          %ne3A_974 = arith.cmpi ne, %rem3A_972, %ne3A_973 : i32
          %lt3A_975 = arith.constant 0 : i32
          %lt3A_976 = arith.cmpi slt, %rem3A_972, %lt3A_975 : i32
          %lt3A_977 = arith.constant 0 : i32
          %lt3A_978 = arith.cmpi slt, %select_n3A_971, %lt3A_977 : i32
          %ne3A_979 = arith.xori %lt3A_976, %lt3A_978 : i1
          %and3A_980 = arith.andi %ne3A_979, %ne3A_974 : i1
          %add3A_981 = arith.addi %rem3A_972, %select_n3A_971 : i32
          %select_n3A_982 = arith.select %and3A_980, %add3A_981, %rem3A_972 : i32
          %dma_wait3A_983 = arith.constant 0 : i32
          %dma_wait3A_984 = arith.constant 0 : i32
          %dma_wait3A_985 = arith.constant 0 : i32
          %dma_wait3A_986 = tpu.memref_slice %arg8[%select_n3A_982, %dma_wait3A_984, %dma_wait3A_985] : memref<8x32x128xf32, #tpu.memory_space<vmem>> -> memref<1x32x128xf32, #tpu.memory_space<vmem>>
          %dma_wait3A_987 = tpu.memref_squeeze %dma_wait3A_986 : memref<1x32x128xf32, #tpu.memory_space<vmem>> -> memref<32x128xf32, #tpu.memory_space<vmem>>
          %dma_wait3A_988 = arith.constant 0 : i32
          %dma_wait3A_989 = arith.constant 0 : i32
          %dma_wait3A_990 = tpu.memref_slice %arg5[%dma_wait3A_988, %dma_wait3A_983, %dma_wait3A_989] : memref<1024x200x128xf32, #tpu.memory_space<hbm>> -> memref<32x1x128xf32, #tpu.memory_space<hbm>>
          %dma_wait3A_991 = tpu.memref_squeeze %dma_wait3A_990 : memref<32x1x128xf32, #tpu.memory_space<hbm>> -> memref<32x128xf32, #tpu.memory_space<hbm>>
          %dma_wait3A_992 = tpu.memref_slice %arg10[%select_n3A_982] : memref<8x!tpu.dma_semaphore, #tpu.memory_space<semaphore_mem>> -> memref<1x!tpu.dma_semaphore, #tpu.memory_space<semaphore_mem>>
          %dma_wait3A_993 = tpu.memref_squeeze %dma_wait3A_992 : memref<1x!tpu.dma_semaphore, #tpu.memory_space<semaphore_mem>> -> memref<!tpu.dma_semaphore, #tpu.memory_space<semaphore_mem>>
          %dma_wait3A_994 = arith.constant 0 : i32
          %dma_wait3A_995 = arith.constant 0 : i32
          %dma_wait3A_996 = tpu.memref_slice %arg5[%dma_wait3A_994, %dma_wait3A_983, %dma_wait3A_995] : memref<1024x200x128xf32, #tpu.memory_space<hbm>> -> memref<32x1x128xf32, #tpu.memory_space<hbm>>
          %dma_wait3A_997 = tpu.memref_squeeze %dma_wait3A_996 : memref<32x1x128xf32, #tpu.memory_space<hbm>> -> memref<32x128xf32, #tpu.memory_space<hbm>>
          %dma_wait3A_998 = arith.constant 0 : i32
          %dma_wait3A_999 = arith.constant 0 : i32
          %dma_wait3A_1000 = tpu.memref_slice %arg8[%select_n3A_982, %dma_wait3A_998, %dma_wait3A_999] : memref<8x32x128xf32, #tpu.memory_space<vmem>> -> memref<1x32x128xf32, #tpu.memory_space<vmem>>
          %dma_wait3A_1001 = tpu.memref_squeeze %dma_wait3A_1000 : memref<1x32x128xf32, #tpu.memory_space<vmem>> -> memref<32x128xf32, #tpu.memory_space<vmem>>
          tpu.wait_dma2 semaphore(%dma_wait3A_993 : memref<!tpu.dma_semaphore, #tpu.memory_space<semaphore_mem>>) src(%dma_wait3A_1001 : memref<32x128xf32, #tpu.memory_space<vmem>>) dst(%dma_wait3A_997 : memref<32x128xf32, #tpu.memory_space<hbm>>)
        } else {
        }
        %add3A_939 = arith.constant 6 : i32
        %add3A_940 = arith.addi %add3A_268, %add3A_939 : i32
        %add3A_941 = arith.constant 6 : i32
        %add3A_942 = arith.addi %add3A_268, %add3A_941 : i32
        %jit3A = arith.constant 8 : i32
        %eq3A = arith.constant 0 : i32
        %eq3A_943 = arith.cmpi eq, %jit3A, %eq3A : i32
        %jit3A_944 = arith.constant 1 : i32
        %select_n3A = arith.select %eq3A_943, %jit3A_944, %jit3A : i32
        %rem3A = arith.remsi %add3A_942, %select_n3A : i32
        %ne3A = arith.constant 0 : i32
        %ne3A_945 = arith.cmpi ne, %rem3A, %ne3A : i32
        %lt3A_946 = arith.constant 0 : i32
        %lt3A_947 = arith.cmpi slt, %rem3A, %lt3A_946 : i32
        %lt3A_948 = arith.constant 0 : i32
        %lt3A_949 = arith.cmpi slt, %select_n3A, %lt3A_948 : i32
        %ne3A_950 = arith.xori %lt3A_947, %lt3A_949 : i1
        %and3A = arith.andi %ne3A_950, %ne3A_945 : i1
        %add3A_951 = arith.addi %rem3A, %select_n3A : i32
        %select_n3A_952 = arith.select %and3A, %add3A_951, %rem3A : i32
        %dma_start3A_953 = arith.constant 0 : i32
        %dma_start3A_954 = arith.constant 0 : i32
        %dma_start3A_955 = tpu.memref_slice %arg8[%select_n3A_952, %dma_start3A_953, %dma_start3A_954] : memref<8x32x128xf32, #tpu.memory_space<vmem>> -> memref<1x32x128xf32, #tpu.memory_space<vmem>>
        %dma_start3A_956 = tpu.memref_squeeze %dma_start3A_955 : memref<1x32x128xf32, #tpu.memory_space<vmem>> -> memref<32x128xf32, #tpu.memory_space<vmem>>
        %dma_start3A_957 = arith.constant 0 : i32
        %dma_start3A_958 = tpu.memref_slice %arg7[%add3A_940, %dma_start3A_957] : memref<200x32xi32, #tpu.memory_space<vmem>> -> memref<1x32xi32, #tpu.memory_space<vmem>>
        %dma_start3A_959 = tpu.memref_squeeze %dma_start3A_958 : memref<1x32xi32, #tpu.memory_space<vmem>> -> memref<32xi32, #tpu.memory_space<vmem>>
        %dma_start3A_960 = arith.constant 0 : i32
        %dma_start3A_961 = arith.constant 0 : i32
        %dma_start3A_962 = tpu.memref_slice %arg3[%dma_start3A_960, %dma_start3A_961] : memref<100000x128xf32, #tpu.memory_space<hbm>> -> memref<100000x128xf32, #tpu.memory_space<hbm>>
        %dma_start3A_963 = tpu.memref_slice %arg9[%select_n3A_952] : memref<8x!tpu.dma_semaphore, #tpu.memory_space<semaphore_mem>> -> memref<1x!tpu.dma_semaphore, #tpu.memory_space<semaphore_mem>>
        %dma_start3A_964 = tpu.memref_squeeze %dma_start3A_963 : memref<1x!tpu.dma_semaphore, #tpu.memory_space<semaphore_mem>> -> memref<!tpu.dma_semaphore, #tpu.memory_space<semaphore_mem>>
        tpu.enqueue_indirect_dma source(%dma_start3A_962 : memref<100000x128xf32, #tpu.memory_space<hbm>>) target(%dma_start3A_956 : memref<32x128xf32, #tpu.memory_space<vmem>>) offsets(%dma_start3A_959 : memref<32xi32, #tpu.memory_space<vmem>>) semaphore(%dma_start3A_964 : memref<!tpu.dma_semaphore, #tpu.memory_space<semaphore_mem>>)
      } else {
      }
      %dma_wait3A_273 = arith.constant 0 : i32
      %dma_wait3A_274 = arith.constant 0 : i32
      %dma_wait3A_275 = arith.constant 0 : i32
      %dma_wait3A_276 = arith.constant 0 : i32
      %dma_wait3A_277 = tpu.memref_slice %arg8[%dma_wait3A_273, %dma_wait3A_275, %dma_wait3A_276] : memref<8x32x128xf32, #tpu.memory_space<vmem>> -> memref<1x32x128xf32, #tpu.memory_space<vmem>>
      %dma_wait3A_278 = tpu.memref_squeeze %dma_wait3A_277 : memref<1x32x128xf32, #tpu.memory_space<vmem>> -> memref<32x128xf32, #tpu.memory_space<vmem>>
      %dma_wait3A_279 = arith.constant 0 : i32
      %dma_wait3A_280 = arith.constant 0 : i32
      %dma_wait3A_281 = tpu.memref_slice %arg3[%dma_wait3A_279, %dma_wait3A_280] : memref<100000x128xf32, #tpu.memory_space<hbm>> -> memref<32x128xf32, #tpu.memory_space<hbm>>
      %dma_wait3A_282 = tpu.memref_slice %arg9[%dma_wait3A_274] : memref<8x!tpu.dma_semaphore, #tpu.memory_space<semaphore_mem>> -> memref<1x!tpu.dma_semaphore, #tpu.memory_space<semaphore_mem>>
      %dma_wait3A_283 = tpu.memref_squeeze %dma_wait3A_282 : memref<1x!tpu.dma_semaphore, #tpu.memory_space<semaphore_mem>> -> memref<!tpu.dma_semaphore, #tpu.memory_space<semaphore_mem>>
      %dma_wait3A_284 = arith.constant 0 : i32
      %dma_wait3A_285 = arith.constant 0 : i32
      %dma_wait3A_286 = tpu.memref_slice %arg8[%dma_wait3A_273, %dma_wait3A_284, %dma_wait3A_285] : memref<8x32x128xf32, #tpu.memory_space<vmem>> -> memref<1x32x128xf32, #tpu.memory_space<vmem>>
      %dma_wait3A_287 = tpu.memref_squeeze %dma_wait3A_286 : memref<1x32x128xf32, #tpu.memory_space<vmem>> -> memref<32x128xf32, #tpu.memory_space<vmem>>
      %dma_wait3A_288 = arith.constant 0 : i32
      %dma_wait3A_289 = arith.constant 0 : i32
      %dma_wait3A_290 = tpu.memref_slice %arg3[%dma_wait3A_288, %dma_wait3A_289] : memref<100000x128xf32, #tpu.memory_space<hbm>> -> memref<32x128xf32, #tpu.memory_space<hbm>>
      tpu.wait_dma2 semaphore(%dma_wait3A_283 : memref<!tpu.dma_semaphore, #tpu.memory_space<semaphore_mem>>) src(%dma_wait3A_290 : memref<32x128xf32, #tpu.memory_space<hbm>>) dst(%dma_wait3A_287 : memref<32x128xf32, #tpu.memory_space<vmem>>)
      %get3A = arith.index_cast %add3A_268 : i32 to index
      %get3A_291 = arith.constant 0 : index
      %get3A_292 = tpu.vector_load %arg6[%get3A, %get3A_291] {strides = array<i32>} : memref<200x128xf32, #tpu.memory_space<vmem>>, vector<1x16xf32>,
      %get3A_293 = vector.shape_cast %get3A_292 : vector<1x16xf32> to vector<16xf32>
      %get3A_294 = arith.index_cast %add3A_268 : i32 to index
      %get3A_295 = arith.constant 16 : index
      %get3A_296 = tpu.vector_load %arg6[%get3A_294, %get3A_295] {strides = array<i32>} : memref<200x128xf32, #tpu.memory_space<vmem>>, vector<1x16xf32>,
      %get3A_297 = vector.shape_cast %get3A_296 : vector<1x16xf32> to vector<16xf32>
      %get3A_298 = arith.index_cast %add3A_268 : i32 to index
      %get3A_299 = arith.constant 32 : index
      %get3A_300 = tpu.vector_load %arg6[%get3A_298, %get3A_299] {strides = array<i32>} : memref<200x128xf32, #tpu.memory_space<vmem>>, vector<1x16xf32>,
      %get3A_301 = vector.shape_cast %get3A_300 : vector<1x16xf32> to vector<16xf32>
      %get3A_302 = arith.index_cast %add3A_268 : i32 to index
      %get3A_303 = arith.constant 48 : index
      %get3A_304 = tpu.vector_load %arg6[%get3A_302, %get3A_303] {strides = array<i32>} : memref<200x128xf32, #tpu.memory_space<vmem>>, vector<1x16xf32>,
      %get3A_305 = vector.shape_cast %get3A_304 : vector<1x16xf32> to vector<16xf32>
      %get3A_306 = arith.index_cast %add3A_268 : i32 to index
      %get3A_307 = arith.constant 64 : index
      %get3A_308 = tpu.vector_load %arg6[%get3A_306, %get3A_307] {strides = array<i32>} : memref<200x128xf32, #tpu.memory_space<vmem>>, vector<1x16xf32>,
      %get3A_309 = vector.shape_cast %get3A_308 : vector<1x16xf32> to vector<16xf32>
      %get3A_310 = arith.index_cast %add3A_268 : i32 to index
      %get3A_311 = arith.constant 80 : index
      %get3A_312 = tpu.vector_load %arg6[%get3A_310, %get3A_311] {strides = array<i32>} : memref<200x128xf32, #tpu.memory_space<vmem>>, vector<1x16xf32>,
      %get3A_313 = vector.shape_cast %get3A_312 : vector<1x16xf32> to vector<16xf32>
      %get3A_314 = arith.index_cast %add3A_268 : i32 to index
      %get3A_315 = arith.constant 96 : index
      %get3A_316 = tpu.vector_load %arg6[%get3A_314, %get3A_315] {strides = array<i32>} : memref<200x128xf32, #tpu.memory_space<vmem>>, vector<1x16xf32>,
      %get3A_317 = vector.shape_cast %get3A_316 : vector<1x16xf32> to vector<16xf32>
      %get3A_318 = arith.index_cast %add3A_268 : i32 to index
      %get3A_319 = arith.constant 112 : index
      %get3A_320 = tpu.vector_load %arg6[%get3A_318, %get3A_319] {strides = array<i32>} : memref<200x128xf32, #tpu.memory_space<vmem>>, vector<1x16xf32>,
      %get3A_321 = vector.shape_cast %get3A_320 : vector<1x16xf32> to vector<16xf32>
      %scan3A_322 = arith.constant 0 : i32
      %scan3A_323 = arith.constant 32 : i32
      %scan3A_324 = arith.addi %scan3A_322, %scan3A_323 : i32
      %scan3A_325 = arith.constant 1 : i32
      scf.for %scan3A_933 = %scan3A_322 to %scan3A_324 step %scan3A_325  : i32 {
        %get3A_934 = arith.constant 0 : i32
        %get3A_935 = arith.index_cast %get3A_934 : i32 to index
        %get3A_936 = arith.index_cast %scan3A_933 : i32 to index
        %get3A_937 = arith.constant 0 : index
        %get3A_938 = tpu.vector_load %arg8[%get3A_935, %get3A_936, %get3A_937] {strides = array<i32>} : memref<8x32x128xf32, #tpu.memory_space<vmem>>, vector<1x1x16xf32>,
        %get3A_939 = vector.shape_cast %get3A_938 : vector<1x1x16xf32> to vector<16xf32>
        %add3A_940 = arith.addf %get3A_939, %get3A_293 : vector<16xf32>
        %swap3A = arith.constant 0 : i32
        %swap3A_941 = arith.index_cast %swap3A : i32 to index
        %swap3A_942 = arith.index_cast %scan3A_933 : i32 to index
        %swap3A_943 = arith.constant 0 : index
        %swap3A_944 = tpu.vector_load %arg8[%swap3A_941, %swap3A_942, %swap3A_943] {strides = array<i32>} : memref<8x32x128xf32, #tpu.memory_space<vmem>>, vector<1x1x16xf32>,
        %swap3A_945 = vector.shape_cast %swap3A_944 : vector<1x1x16xf32> to vector<16xf32>
        %swap3A_946 = vector.shape_cast %add3A_940 : vector<16xf32> to vector<1x1x16xf32>
        tpu.vector_store %arg8[%swap3A_941, %swap3A_942, %swap3A_943], %swap3A_946 {strides = array<i32>} : memref<8x32x128xf32, #tpu.memory_space<vmem>>, vector<1x1x16xf32>,
        %get3A_947 = arith.constant 0 : i32
        %get3A_948 = arith.index_cast %get3A_947 : i32 to index
        %get3A_949 = arith.index_cast %scan3A_933 : i32 to index
        %get3A_950 = arith.constant 16 : index
        %get3A_951 = tpu.vector_load %arg8[%get3A_948, %get3A_949, %get3A_950] {strides = array<i32>} : memref<8x32x128xf32, #tpu.memory_space<vmem>>, vector<1x1x16xf32>,
        %get3A_952 = vector.shape_cast %get3A_951 : vector<1x1x16xf32> to vector<16xf32>
        %add3A_953 = arith.addf %get3A_952, %get3A_297 : vector<16xf32>
        %swap3A_954 = arith.constant 0 : i32
        %swap3A_955 = arith.index_cast %swap3A_954 : i32 to index
        %swap3A_956 = arith.index_cast %scan3A_933 : i32 to index
        %swap3A_957 = arith.constant 16 : index
        %swap3A_958 = tpu.vector_load %arg8[%swap3A_955, %swap3A_956, %swap3A_957] {strides = array<i32>} : memref<8x32x128xf32, #tpu.memory_space<vmem>>, vector<1x1x16xf32>,
        %swap3A_959 = vector.shape_cast %swap3A_958 : vector<1x1x16xf32> to vector<16xf32>
        %swap3A_960 = vector.shape_cast %add3A_953 : vector<16xf32> to vector<1x1x16xf32>
        tpu.vector_store %arg8[%swap3A_955, %swap3A_956, %swap3A_957], %swap3A_960 {strides = array<i32>} : memref<8x32x128xf32, #tpu.memory_space<vmem>>, vector<1x1x16xf32>,
        %get3A_961 = arith.constant 0 : i32
        %get3A_962 = arith.index_cast %get3A_961 : i32 to index
        %get3A_963 = arith.index_cast %scan3A_933 : i32 to index
        %get3A_964 = arith.constant 32 : index
        %get3A_965 = tpu.vector_load %arg8[%get3A_962, %get3A_963, %get3A_964] {strides = array<i32>} : memref<8x32x128xf32, #tpu.memory_space<vmem>>, vector<1x1x16xf32>,
        %get3A_966 = vector.shape_cast %get3A_965 : vector<1x1x16xf32> to vector<16xf32>
        %add3A_967 = arith.addf %get3A_966, %get3A_301 : vector<16xf32>
        %swap3A_968 = arith.constant 0 : i32
        %swap3A_969 = arith.index_cast %swap3A_968 : i32 to index
        %swap3A_970 = arith.index_cast %scan3A_933 : i32 to index
        %swap3A_971 = arith.constant 32 : index
        %swap3A_972 = tpu.vector_load %arg8[%swap3A_969, %swap3A_970, %swap3A_971] {strides = array<i32>} : memref<8x32x128xf32, #tpu.memory_space<vmem>>, vector<1x1x16xf32>,
        %swap3A_973 = vector.shape_cast %swap3A_972 : vector<1x1x16xf32> to vector<16xf32>
        %swap3A_974 = vector.shape_cast %add3A_967 : vector<16xf32> to vector<1x1x16xf32>
        tpu.vector_store %arg8[%swap3A_969, %swap3A_970, %swap3A_971], %swap3A_974 {strides = array<i32>} : memref<8x32x128xf32, #tpu.memory_space<vmem>>, vector<1x1x16xf32>,
        %get3A_975 = arith.constant 0 : i32
        %get3A_976 = arith.index_cast %get3A_975 : i32 to index
        %get3A_977 = arith.index_cast %scan3A_933 : i32 to index
        %get3A_978 = arith.constant 48 : index
        %get3A_979 = tpu.vector_load %arg8[%get3A_976, %get3A_977, %get3A_978] {strides = array<i32>} : memref<8x32x128xf32, #tpu.memory_space<vmem>>, vector<1x1x16xf32>,
        %get3A_980 = vector.shape_cast %get3A_979 : vector<1x1x16xf32> to vector<16xf32>
        %add3A_981 = arith.addf %get3A_980, %get3A_305 : vector<16xf32>
        %swap3A_982 = arith.constant 0 : i32
        %swap3A_983 = arith.index_cast %swap3A_982 : i32 to index
        %swap3A_984 = arith.index_cast %scan3A_933 : i32 to index
        %swap3A_985 = arith.constant 48 : index
        %swap3A_986 = tpu.vector_load %arg8[%swap3A_983, %swap3A_984, %swap3A_985] {strides = array<i32>} : memref<8x32x128xf32, #tpu.memory_space<vmem>>, vector<1x1x16xf32>,
        %swap3A_987 = vector.shape_cast %swap3A_986 : vector<1x1x16xf32> to vector<16xf32>
        %swap3A_988 = vector.shape_cast %add3A_981 : vector<16xf32> to vector<1x1x16xf32>
        tpu.vector_store %arg8[%swap3A_983, %swap3A_984, %swap3A_985], %swap3A_988 {strides = array<i32>} : memref<8x32x128xf32, #tpu.memory_space<vmem>>, vector<1x1x16xf32>,
        %get3A_989 = arith.constant 0 : i32
        %get3A_990 = arith.index_cast %get3A_989 : i32 to index
        %get3A_991 = arith.index_cast %scan3A_933 : i32 to index
        %get3A_992 = arith.constant 64 : index
        %get3A_993 = tpu.vector_load %arg8[%get3A_990, %get3A_991, %get3A_992] {strides = array<i32>} : memref<8x32x128xf32, #tpu.memory_space<vmem>>, vector<1x1x16xf32>,
        %get3A_994 = vector.shape_cast %get3A_993 : vector<1x1x16xf32> to vector<16xf32>
        %add3A_995 = arith.addf %get3A_994, %get3A_309 : vector<16xf32>
        %swap3A_996 = arith.constant 0 : i32
        %swap3A_997 = arith.index_cast %swap3A_996 : i32 to index
        %swap3A_998 = arith.index_cast %scan3A_933 : i32 to index
        %swap3A_999 = arith.constant 64 : index
        %swap3A_1000 = tpu.vector_load %arg8[%swap3A_997, %swap3A_998, %swap3A_999] {strides = array<i32>} : memref<8x32x128xf32, #tpu.memory_space<vmem>>, vector<1x1x16xf32>,
        %swap3A_1001 = vector.shape_cast %swap3A_1000 : vector<1x1x16xf32> to vector<16xf32>
        %swap3A_1002 = vector.shape_cast %add3A_995 : vector<16xf32> to vector<1x1x16xf32>
        tpu.vector_store %arg8[%swap3A_997, %swap3A_998, %swap3A_999], %swap3A_1002 {strides = array<i32>} : memref<8x32x128xf32, #tpu.memory_space<vmem>>, vector<1x1x16xf32>,
        %get3A_1003 = arith.constant 0 : i32
        %get3A_1004 = arith.index_cast %get3A_1003 : i32 to index
        %get3A_1005 = arith.index_cast %scan3A_933 : i32 to index
        %get3A_1006 = arith.constant 80 : index
        %get3A_1007 = tpu.vector_load %arg8[%get3A_1004, %get3A_1005, %get3A_1006] {strides = array<i32>} : memref<8x32x128xf32, #tpu.memory_space<vmem>>, vector<1x1x16xf32>,
        %get3A_1008 = vector.shape_cast %get3A_1007 : vector<1x1x16xf32> to vector<16xf32>
        %add3A_1009 = arith.addf %get3A_1008, %get3A_313 : vector<16xf32>
        %swap3A_1010 = arith.constant 0 : i32
        %swap3A_1011 = arith.index_cast %swap3A_1010 : i32 to index
        %swap3A_1012 = arith.index_cast %scan3A_933 : i32 to index
        %swap3A_1013 = arith.constant 80 : index
        %swap3A_1014 = tpu.vector_load %arg8[%swap3A_1011, %swap3A_1012, %swap3A_1013] {strides = array<i32>} : memref<8x32x128xf32, #tpu.memory_space<vmem>>, vector<1x1x16xf32>,
        %swap3A_1015 = vector.shape_cast %swap3A_1014 : vector<1x1x16xf32> to vector<16xf32>
        %swap3A_1016 = vector.shape_cast %add3A_1009 : vector<16xf32> to vector<1x1x16xf32>
        tpu.vector_store %arg8[%swap3A_1011, %swap3A_1012, %swap3A_1013], %swap3A_1016 {strides = array<i32>} : memref<8x32x128xf32, #tpu.memory_space<vmem>>, vector<1x1x16xf32>,
        %get3A_1017 = arith.constant 0 : i32
        %get3A_1018 = arith.index_cast %get3A_1017 : i32 to index
        %get3A_1019 = arith.index_cast %scan3A_933 : i32 to index
        %get3A_1020 = arith.constant 96 : index
        %get3A_1021 = tpu.vector_load %arg8[%get3A_1018, %get3A_1019, %get3A_1020] {strides = array<i32>} : memref<8x32x128xf32, #tpu.memory_space<vmem>>, vector<1x1x16xf32>,
        %get3A_1022 = vector.shape_cast %get3A_1021 : vector<1x1x16xf32> to vector<16xf32>
        %add3A_1023 = arith.addf %get3A_1022, %get3A_317 : vector<16xf32>
        %swap3A_1024 = arith.constant 0 : i32
        %swap3A_1025 = arith.index_cast %swap3A_1024 : i32 to index
        %swap3A_1026 = arith.index_cast %scan3A_933 : i32 to index
        %swap3A_1027 = arith.constant 96 : index
        %swap3A_1028 = tpu.vector_load %arg8[%swap3A_1025, %swap3A_1026, %swap3A_1027] {strides = array<i32>} : memref<8x32x128xf32, #tpu.memory_space<vmem>>, vector<1x1x16xf32>,
        %swap3A_1029 = vector.shape_cast %swap3A_1028 : vector<1x1x16xf32> to vector<16xf32>
        %swap3A_1030 = vector.shape_cast %add3A_1023 : vector<16xf32> to vector<1x1x16xf32>
        tpu.vector_store %arg8[%swap3A_1025, %swap3A_1026, %swap3A_1027], %swap3A_1030 {strides = array<i32>} : memref<8x32x128xf32, #tpu.memory_space<vmem>>, vector<1x1x16xf32>,
        %get3A_1031 = arith.constant 0 : i32
        %get3A_1032 = arith.index_cast %get3A_1031 : i32 to index
        %get3A_1033 = arith.index_cast %scan3A_933 : i32 to index
        %get3A_1034 = arith.constant 112 : index
        %get3A_1035 = tpu.vector_load %arg8[%get3A_1032, %get3A_1033, %get3A_1034] {strides = array<i32>} : memref<8x32x128xf32, #tpu.memory_space<vmem>>, vector<1x1x16xf32>,
        %get3A_1036 = vector.shape_cast %get3A_1035 : vector<1x1x16xf32> to vector<16xf32>
        %add3A_1037 = arith.addf %get3A_1036, %get3A_321 : vector<16xf32>
        %swap3A_1038 = arith.constant 0 : i32
        %swap3A_1039 = arith.index_cast %swap3A_1038 : i32 to index
        %swap3A_1040 = arith.index_cast %scan3A_933 : i32 to index
        %swap3A_1041 = arith.constant 112 : index
        %swap3A_1042 = tpu.vector_load %arg8[%swap3A_1039, %swap3A_1040, %swap3A_1041] {strides = array<i32>} : memref<8x32x128xf32, #tpu.memory_space<vmem>>, vector<1x1x16xf32>,
        %swap3A_1043 = vector.shape_cast %swap3A_1042 : vector<1x1x16xf32> to vector<16xf32>
        %swap3A_1044 = vector.shape_cast %add3A_1037 : vector<16xf32> to vector<1x1x16xf32>
        tpu.vector_store %arg8[%swap3A_1039, %swap3A_1040, %swap3A_1041], %swap3A_1044 {strides = array<i32>} : memref<8x32x128xf32, #tpu.memory_space<vmem>>, vector<1x1x16xf32>,
      }
      %scan3A_326 = arith.constant 32 : i32
      %dma_start3A_327 = arith.constant 0 : i32
      %dma_start3A_328 = arith.constant 0 : i32
      %dma_start3A_329 = arith.constant 0 : i32
      %dma_start3A_330 = arith.constant 0 : i32
      %dma_start3A_331 = tpu.memref_slice %arg8[%dma_start3A_327, %dma_start3A_329, %dma_start3A_330] : memref<8x32x128xf32, #tpu.memory_space<vmem>> -> memref<1x32x128xf32, #tpu.memory_space<vmem>>
      %dma_start3A_332 = tpu.memref_squeeze %dma_start3A_331 : memref<1x32x128xf32, #tpu.memory_space<vmem>> -> memref<32x128xf32, #tpu.memory_space<vmem>>
      %dma_start3A_333 = arith.constant 0 : i32
      %dma_start3A_334 = tpu.memref_slice %arg5[%mul3A_2, %add3A_268, %dma_start3A_333] : memref<1024x200x128xf32, #tpu.memory_space<hbm>> -> memref<32x1x128xf32, #tpu.memory_space<hbm>>
      %dma_start3A_335 = tpu.memref_squeeze %dma_start3A_334 : memref<32x1x128xf32, #tpu.memory_space<hbm>> -> memref<32x128xf32, #tpu.memory_space<hbm>>
      %dma_start3A_336 = tpu.memref_slice %arg10[%dma_start3A_328] : memref<8x!tpu.dma_semaphore, #tpu.memory_space<semaphore_mem>> -> memref<1x!tpu.dma_semaphore, #tpu.memory_space<semaphore_mem>>
      %dma_start3A_337 = tpu.memref_squeeze %dma_start3A_336 : memref<1x!tpu.dma_semaphore, #tpu.memory_space<semaphore_mem>> -> memref<!tpu.dma_semaphore, #tpu.memory_space<semaphore_mem>>
      %dma_start3A_338 = arith.constant 0 : i32
      %dma_start3A_339 = tpu.memref_slice %arg5[%mul3A_2, %add3A_268, %dma_start3A_338] : memref<1024x200x128xf32, #tpu.memory_space<hbm>> -> memref<32x1x128xf32, #tpu.memory_space<hbm>>
      %dma_start3A_340 = tpu.memref_squeeze %dma_start3A_339 : memref<32x1x128xf32, #tpu.memory_space<hbm>> -> memref<32x128xf32, #tpu.memory_space<hbm>>
      %dma_start3A_341 = arith.constant 0 : i32
      %dma_start3A_342 = arith.constant 0 : i32
      %dma_start3A_343 = tpu.memref_slice %arg8[%dma_start3A_327, %dma_start3A_341, %dma_start3A_342] : memref<8x32x128xf32, #tpu.memory_space<vmem>> -> memref<1x32x128xf32, #tpu.memory_space<vmem>>
      %dma_start3A_344 = tpu.memref_squeeze %dma_start3A_343 : memref<1x32x128xf32, #tpu.memory_space<vmem>> -> memref<32x128xf32, #tpu.memory_space<vmem>>
      tpu.enqueue_dma source(%dma_start3A_344 : memref<32x128xf32, #tpu.memory_space<vmem>>) target(%dma_start3A_340 : memref<32x128xf32, #tpu.memory_space<hbm>>) target_semaphore(%dma_start3A_337 : memref<!tpu.dma_semaphore, #tpu.memory_space<semaphore_mem>>)
      %mul3A_345 = arith.constant 8 : i32
      %mul3A_346 = arith.muli %scan3A_264, %mul3A_345 : i32
      %add3A_347 = arith.constant 1 : i32
      %add3A_348 = arith.addi %mul3A_346, %add3A_347 : i32
      %add3A_349 = arith.constant 6 : i32
      %add3A_350 = arith.addi %add3A_348, %add3A_349 : i32
      %lt3A_351 = arith.constant 200 : i32
      %lt3A_352 = arith.cmpi slt, %add3A_350, %lt3A_351 : i32
      %convert_element_type3A_353 = arith.extui %lt3A_352 : i1 to i32
      %cond3A_354 = arith.constant 0 : i32
      %cond3A_355 = arith.cmpi ne, %convert_element_type3A_353, %cond3A_354 : i32
      scf.if %cond3A_355 {
        %add3A_933 = arith.constant 6 : i32
        %add3A_934 = arith.addi %add3A_348, %add3A_933 : i32
        %ge3A = arith.constant 8 : i32
        %ge3A_935 = arith.cmpi sge, %add3A_934, %ge3A : i32
        %convert_element_type3A_936 = arith.extui %ge3A_935 : i1 to i32
        %cond3A_937 = arith.constant 0 : i32
        %cond3A_938 = arith.cmpi ne, %convert_element_type3A_936, %cond3A_937 : i32
        scf.if %cond3A_938 {
          %add3A_965 = arith.constant 6 : i32
          %add3A_966 = arith.addi %add3A_348, %add3A_965 : i32
          %jit3A_967 = arith.constant 8 : i32
          %eq3A_968 = arith.constant 0 : i32
          %eq3A_969 = arith.cmpi eq, %jit3A_967, %eq3A_968 : i32
          %jit3A_970 = arith.constant 1 : i32
          %select_n3A_971 = arith.select %eq3A_969, %jit3A_970, %jit3A_967 : i32
          %rem3A_972 = arith.remsi %add3A_966, %select_n3A_971 : i32
          %ne3A_973 = arith.constant 0 : i32
          %ne3A_974 = arith.cmpi ne, %rem3A_972, %ne3A_973 : i32
          %lt3A_975 = arith.constant 0 : i32
          %lt3A_976 = arith.cmpi slt, %rem3A_972, %lt3A_975 : i32
          %lt3A_977 = arith.constant 0 : i32
          %lt3A_978 = arith.cmpi slt, %select_n3A_971, %lt3A_977 : i32
          %ne3A_979 = arith.xori %lt3A_976, %lt3A_978 : i1
          %and3A_980 = arith.andi %ne3A_979, %ne3A_974 : i1
          %add3A_981 = arith.addi %rem3A_972, %select_n3A_971 : i32
          %select_n3A_982 = arith.select %and3A_980, %add3A_981, %rem3A_972 : i32
          %dma_wait3A_983 = arith.constant 0 : i32
          %dma_wait3A_984 = arith.constant 0 : i32
          %dma_wait3A_985 = arith.constant 0 : i32
          %dma_wait3A_986 = tpu.memref_slice %arg8[%select_n3A_982, %dma_wait3A_984, %dma_wait3A_985] : memref<8x32x128xf32, #tpu.memory_space<vmem>> -> memref<1x32x128xf32, #tpu.memory_space<vmem>>
          %dma_wait3A_987 = tpu.memref_squeeze %dma_wait3A_986 : memref<1x32x128xf32, #tpu.memory_space<vmem>> -> memref<32x128xf32, #tpu.memory_space<vmem>>
          %dma_wait3A_988 = arith.constant 0 : i32
          %dma_wait3A_989 = arith.constant 0 : i32
          %dma_wait3A_990 = tpu.memref_slice %arg5[%dma_wait3A_988, %dma_wait3A_983, %dma_wait3A_989] : memref<1024x200x128xf32, #tpu.memory_space<hbm>> -> memref<32x1x128xf32, #tpu.memory_space<hbm>>
          %dma_wait3A_991 = tpu.memref_squeeze %dma_wait3A_990 : memref<32x1x128xf32, #tpu.memory_space<hbm>> -> memref<32x128xf32, #tpu.memory_space<hbm>>
          %dma_wait3A_992 = tpu.memref_slice %arg10[%select_n3A_982] : memref<8x!tpu.dma_semaphore, #tpu.memory_space<semaphore_mem>> -> memref<1x!tpu.dma_semaphore, #tpu.memory_space<semaphore_mem>>
          %dma_wait3A_993 = tpu.memref_squeeze %dma_wait3A_992 : memref<1x!tpu.dma_semaphore, #tpu.memory_space<semaphore_mem>> -> memref<!tpu.dma_semaphore, #tpu.memory_space<semaphore_mem>>
          %dma_wait3A_994 = arith.constant 0 : i32
          %dma_wait3A_995 = arith.constant 0 : i32
          %dma_wait3A_996 = tpu.memref_slice %arg5[%dma_wait3A_994, %dma_wait3A_983, %dma_wait3A_995] : memref<1024x200x128xf32, #tpu.memory_space<hbm>> -> memref<32x1x128xf32, #tpu.memory_space<hbm>>
          %dma_wait3A_997 = tpu.memref_squeeze %dma_wait3A_996 : memref<32x1x128xf32, #tpu.memory_space<hbm>> -> memref<32x128xf32, #tpu.memory_space<hbm>>
          %dma_wait3A_998 = arith.constant 0 : i32
          %dma_wait3A_999 = arith.constant 0 : i32
          %dma_wait3A_1000 = tpu.memref_slice %arg8[%select_n3A_982, %dma_wait3A_998, %dma_wait3A_999] : memref<8x32x128xf32, #tpu.memory_space<vmem>> -> memref<1x32x128xf32, #tpu.memory_space<vmem>>
          %dma_wait3A_1001 = tpu.memref_squeeze %dma_wait3A_1000 : memref<1x32x128xf32, #tpu.memory_space<vmem>> -> memref<32x128xf32, #tpu.memory_space<vmem>>
          tpu.wait_dma2 semaphore(%dma_wait3A_993 : memref<!tpu.dma_semaphore, #tpu.memory_space<semaphore_mem>>) src(%dma_wait3A_1001 : memref<32x128xf32, #tpu.memory_space<vmem>>) dst(%dma_wait3A_997 : memref<32x128xf32, #tpu.memory_space<hbm>>)
        } else {
        }
        %add3A_939 = arith.constant 6 : i32
        %add3A_940 = arith.addi %add3A_348, %add3A_939 : i32
        %add3A_941 = arith.constant 6 : i32
        %add3A_942 = arith.addi %add3A_348, %add3A_941 : i32
        %jit3A = arith.constant 8 : i32
        %eq3A = arith.constant 0 : i32
        %eq3A_943 = arith.cmpi eq, %jit3A, %eq3A : i32
        %jit3A_944 = arith.constant 1 : i32
        %select_n3A = arith.select %eq3A_943, %jit3A_944, %jit3A : i32
        %rem3A = arith.remsi %add3A_942, %select_n3A : i32
        %ne3A = arith.constant 0 : i32
        %ne3A_945 = arith.cmpi ne, %rem3A, %ne3A : i32
        %lt3A_946 = arith.constant 0 : i32
        %lt3A_947 = arith.cmpi slt, %rem3A, %lt3A_946 : i32
        %lt3A_948 = arith.constant 0 : i32
        %lt3A_949 = arith.cmpi slt, %select_n3A, %lt3A_948 : i32
        %ne3A_950 = arith.xori %lt3A_947, %lt3A_949 : i1
        %and3A = arith.andi %ne3A_950, %ne3A_945 : i1
        %add3A_951 = arith.addi %rem3A, %select_n3A : i32
        %select_n3A_952 = arith.select %and3A, %add3A_951, %rem3A : i32
        %dma_start3A_953 = arith.constant 0 : i32
        %dma_start3A_954 = arith.constant 0 : i32
        %dma_start3A_955 = tpu.memref_slice %arg8[%select_n3A_952, %dma_start3A_953, %dma_start3A_954] : memref<8x32x128xf32, #tpu.memory_space<vmem>> -> memref<1x32x128xf32, #tpu.memory_space<vmem>>
        %dma_start3A_956 = tpu.memref_squeeze %dma_start3A_955 : memref<1x32x128xf32, #tpu.memory_space<vmem>> -> memref<32x128xf32, #tpu.memory_space<vmem>>
        %dma_start3A_957 = arith.constant 0 : i32
        %dma_start3A_958 = tpu.memref_slice %arg7[%add3A_940, %dma_start3A_957] : memref<200x32xi32, #tpu.memory_space<vmem>> -> memref<1x32xi32, #tpu.memory_space<vmem>>
        %dma_start3A_959 = tpu.memref_squeeze %dma_start3A_958 : memref<1x32xi32, #tpu.memory_space<vmem>> -> memref<32xi32, #tpu.memory_space<vmem>>
        %dma_start3A_960 = arith.constant 0 : i32
        %dma_start3A_961 = arith.constant 0 : i32
        %dma_start3A_962 = tpu.memref_slice %arg3[%dma_start3A_960, %dma_start3A_961] : memref<100000x128xf32, #tpu.memory_space<hbm>> -> memref<100000x128xf32, #tpu.memory_space<hbm>>
        %dma_start3A_963 = tpu.memref_slice %arg9[%select_n3A_952] : memref<8x!tpu.dma_semaphore, #tpu.memory_space<semaphore_mem>> -> memref<1x!tpu.dma_semaphore, #tpu.memory_space<semaphore_mem>>
        %dma_start3A_964 = tpu.memref_squeeze %dma_start3A_963 : memref<1x!tpu.dma_semaphore, #tpu.memory_space<semaphore_mem>> -> memref<!tpu.dma_semaphore, #tpu.memory_space<semaphore_mem>>
        tpu.enqueue_indirect_dma source(%dma_start3A_962 : memref<100000x128xf32, #tpu.memory_space<hbm>>) target(%dma_start3A_956 : memref<32x128xf32, #tpu.memory_space<vmem>>) offsets(%dma_start3A_959 : memref<32xi32, #tpu.memory_space<vmem>>) semaphore(%dma_start3A_964 : memref<!tpu.dma_semaphore, #tpu.memory_space<semaphore_mem>>)
      } else {
      }
      %dma_wait3A_356 = arith.constant 1 : i32
      %dma_wait3A_357 = arith.constant 1 : i32
      %dma_wait3A_358 = arith.constant 0 : i32
      %dma_wait3A_359 = arith.constant 0 : i32
      %dma_wait3A_360 = tpu.memref_slice %arg8[%dma_wait3A_356, %dma_wait3A_358, %dma_wait3A_359] : memref<8x32x128xf32, #tpu.memory_space<vmem>> -> memref<1x32x128xf32, #tpu.memory_space<vmem>>
      %dma_wait3A_361 = tpu.memref_squeeze %dma_wait3A_360 : memref<1x32x128xf32, #tpu.memory_space<vmem>> -> memref<32x128xf32, #tpu.memory_space<vmem>>
      %dma_wait3A_362 = arith.constant 0 : i32
      %dma_wait3A_363 = arith.constant 0 : i32
      %dma_wait3A_364 = tpu.memref_slice %arg3[%dma_wait3A_362, %dma_wait3A_363] : memref<100000x128xf32, #tpu.memory_space<hbm>> -> memref<32x128xf32, #tpu.memory_space<hbm>>
      %dma_wait3A_365 = tpu.memref_slice %arg9[%dma_wait3A_357] : memref<8x!tpu.dma_semaphore, #tpu.memory_space<semaphore_mem>> -> memref<1x!tpu.dma_semaphore, #tpu.memory_space<semaphore_mem>>
      %dma_wait3A_366 = tpu.memref_squeeze %dma_wait3A_365 : memref<1x!tpu.dma_semaphore, #tpu.memory_space<semaphore_mem>> -> memref<!tpu.dma_semaphore, #tpu.memory_space<semaphore_mem>>
      %dma_wait3A_367 = arith.constant 0 : i32
      %dma_wait3A_368 = arith.constant 0 : i32
      %dma_wait3A_369 = tpu.memref_slice %arg8[%dma_wait3A_356, %dma_wait3A_367, %dma_wait3A_368] : memref<8x32x128xf32, #tpu.memory_space<vmem>> -> memref<1x32x128xf32, #tpu.memory_space<vmem>>
      %dma_wait3A_370 = tpu.memref_squeeze %dma_wait3A_369 : memref<1x32x128xf32, #tpu.memory_space<vmem>> -> memref<32x128xf32, #tpu.memory_space<vmem>>
      %dma_wait3A_371 = arith.constant 0 : i32
      %dma_wait3A_372 = arith.constant 0 : i32
      %dma_wait3A_373 = tpu.memref_slice %arg3[%dma_wait3A_371, %dma_wait3A_372] : memref<100000x128xf32, #tpu.memory_space<hbm>> -> memref<32x128xf32, #tpu.memory_space<hbm>>
      tpu.wait_dma2 semaphore(%dma_wait3A_366 : memref<!tpu.dma_semaphore, #tpu.memory_space<semaphore_mem>>) src(%dma_wait3A_373 : memref<32x128xf32, #tpu.memory_space<hbm>>) dst(%dma_wait3A_370 : memref<32x128xf32, #tpu.memory_space<vmem>>)
      %get3A_374 = arith.index_cast %add3A_348 : i32 to index
      %get3A_375 = arith.constant 0 : index
      %get3A_376 = tpu.vector_load %arg6[%get3A_374, %get3A_375] {strides = array<i32>} : memref<200x128xf32, #tpu.memory_space<vmem>>, vector<1x16xf32>,
      %get3A_377 = vector.shape_cast %get3A_376 : vector<1x16xf32> to vector<16xf32>
      %get3A_378 = arith.index_cast %add3A_348 : i32 to index
      %get3A_379 = arith.constant 16 : index
      %get3A_380 = tpu.vector_load %arg6[%get3A_378, %get3A_379] {strides = array<i32>} : memref<200x128xf32, #tpu.memory_space<vmem>>, vector<1x16xf32>,
      %get3A_381 = vector.shape_cast %get3A_380 : vector<1x16xf32> to vector<16xf32>
      %get3A_382 = arith.index_cast %add3A_348 : i32 to index
      %get3A_383 = arith.constant 32 : index
      %get3A_384 = tpu.vector_load %arg6[%get3A_382, %get3A_383] {strides = array<i32>} : memref<200x128xf32, #tpu.memory_space<vmem>>, vector<1x16xf32>,
      %get3A_385 = vector.shape_cast %get3A_384 : vector<1x16xf32> to vector<16xf32>
      %get3A_386 = arith.index_cast %add3A_348 : i32 to index
      %get3A_387 = arith.constant 48 : index
      %get3A_388 = tpu.vector_load %arg6[%get3A_386, %get3A_387] {strides = array<i32>} : memref<200x128xf32, #tpu.memory_space<vmem>>, vector<1x16xf32>,
      %get3A_389 = vector.shape_cast %get3A_388 : vector<1x16xf32> to vector<16xf32>
      %get3A_390 = arith.index_cast %add3A_348 : i32 to index
      %get3A_391 = arith.constant 64 : index
      %get3A_392 = tpu.vector_load %arg6[%get3A_390, %get3A_391] {strides = array<i32>} : memref<200x128xf32, #tpu.memory_space<vmem>>, vector<1x16xf32>,
      %get3A_393 = vector.shape_cast %get3A_392 : vector<1x16xf32> to vector<16xf32>
      %get3A_394 = arith.index_cast %add3A_348 : i32 to index
      %get3A_395 = arith.constant 80 : index
      %get3A_396 = tpu.vector_load %arg6[%get3A_394, %get3A_395] {strides = array<i32>} : memref<200x128xf32, #tpu.memory_space<vmem>>, vector<1x16xf32>,
      %get3A_397 = vector.shape_cast %get3A_396 : vector<1x16xf32> to vector<16xf32>
      %get3A_398 = arith.index_cast %add3A_348 : i32 to index
      %get3A_399 = arith.constant 96 : index
      %get3A_400 = tpu.vector_load %arg6[%get3A_398, %get3A_399] {strides = array<i32>} : memref<200x128xf32, #tpu.memory_space<vmem>>, vector<1x16xf32>,
      %get3A_401 = vector.shape_cast %get3A_400 : vector<1x16xf32> to vector<16xf32>
      %get3A_402 = arith.index_cast %add3A_348 : i32 to index
      %get3A_403 = arith.constant 112 : index
      %get3A_404 = tpu.vector_load %arg6[%get3A_402, %get3A_403] {strides = array<i32>} : memref<200x128xf32, #tpu.memory_space<vmem>>, vector<1x16xf32>,
      %get3A_405 = vector.shape_cast %get3A_404 : vector<1x16xf32> to vector<16xf32>
      %scan3A_406 = arith.constant 0 : i32
      %scan3A_407 = arith.constant 32 : i32
      %scan3A_408 = arith.addi %scan3A_406, %scan3A_407 : i32
      %scan3A_409 = arith.constant 1 : i32
      scf.for %scan3A_933 = %scan3A_406 to %scan3A_408 step %scan3A_409  : i32 {
        %get3A_934 = arith.constant 1 : i32
        %get3A_935 = arith.index_cast %get3A_934 : i32 to index
        %get3A_936 = arith.index_cast %scan3A_933 : i32 to index
        %get3A_937 = arith.constant 0 : index
        %get3A_938 = tpu.vector_load %arg8[%get3A_935, %get3A_936, %get3A_937] {strides = array<i32>} : memref<8x32x128xf32, #tpu.memory_space<vmem>>, vector<1x1x16xf32>,
        %get3A_939 = vector.shape_cast %get3A_938 : vector<1x1x16xf32> to vector<16xf32>
        %add3A_940 = arith.addf %get3A_939, %get3A_377 : vector<16xf32>
        %swap3A = arith.constant 1 : i32
        %swap3A_941 = arith.index_cast %swap3A : i32 to index
        %swap3A_942 = arith.index_cast %scan3A_933 : i32 to index
        %swap3A_943 = arith.constant 0 : index
        %swap3A_944 = tpu.vector_load %arg8[%swap3A_941, %swap3A_942, %swap3A_943] {strides = array<i32>} : memref<8x32x128xf32, #tpu.memory_space<vmem>>, vector<1x1x16xf32>,
        %swap3A_945 = vector.shape_cast %swap3A_944 : vector<1x1x16xf32> to vector<16xf32>
        %swap3A_946 = vector.shape_cast %add3A_940 : vector<16xf32> to vector<1x1x16xf32>
        tpu.vector_store %arg8[%swap3A_941, %swap3A_942, %swap3A_943], %swap3A_946 {strides = array<i32>} : memref<8x32x128xf32, #tpu.memory_space<vmem>>, vector<1x1x16xf32>,
        %get3A_947 = arith.constant 1 : i32
        %get3A_948 = arith.index_cast %get3A_947 : i32 to index
        %get3A_949 = arith.index_cast %scan3A_933 : i32 to index
        %get3A_950 = arith.constant 16 : index
        %get3A_951 = tpu.vector_load %arg8[%get3A_948, %get3A_949, %get3A_950] {strides = array<i32>} : memref<8x32x128xf32, #tpu.memory_space<vmem>>, vector<1x1x16xf32>,
        %get3A_952 = vector.shape_cast %get3A_951 : vector<1x1x16xf32> to vector<16xf32>
        %add3A_953 = arith.addf %get3A_952, %get3A_381 : vector<16xf32>
        %swap3A_954 = arith.constant 1 : i32
        %swap3A_955 = arith.index_cast %swap3A_954 : i32 to index
        %swap3A_956 = arith.index_cast %scan3A_933 : i32 to index
        %swap3A_957 = arith.constant 16 : index
        %swap3A_958 = tpu.vector_load %arg8[%swap3A_955, %swap3A_956, %swap3A_957] {strides = array<i32>} : memref<8x32x128xf32, #tpu.memory_space<vmem>>, vector<1x1x16xf32>,
        %swap3A_959 = vector.shape_cast %swap3A_958 : vector<1x1x16xf32> to vector<16xf32>
        %swap3A_960 = vector.shape_cast %add3A_953 : vector<16xf32> to vector<1x1x16xf32>
        tpu.vector_store %arg8[%swap3A_955, %swap3A_956, %swap3A_957], %swap3A_960 {strides = array<i32>} : memref<8x32x128xf32, #tpu.memory_space<vmem>>, vector<1x1x16xf32>,
        %get3A_961 = arith.constant 1 : i32
        %get3A_962 = arith.index_cast %get3A_961 : i32 to index
        %get3A_963 = arith.index_cast %scan3A_933 : i32 to index
        %get3A_964 = arith.constant 32 : index
        %get3A_965 = tpu.vector_load %arg8[%get3A_962, %get3A_963, %get3A_964] {strides = array<i32>} : memref<8x32x128xf32, #tpu.memory_space<vmem>>, vector<1x1x16xf32>,
        %get3A_966 = vector.shape_cast %get3A_965 : vector<1x1x16xf32> to vector<16xf32>
        %add3A_967 = arith.addf %get3A_966, %get3A_385 : vector<16xf32>
        %swap3A_968 = arith.constant 1 : i32
        %swap3A_969 = arith.index_cast %swap3A_968 : i32 to index
        %swap3A_970 = arith.index_cast %scan3A_933 : i32 to index
        %swap3A_971 = arith.constant 32 : index
        %swap3A_972 = tpu.vector_load %arg8[%swap3A_969, %swap3A_970, %swap3A_971] {strides = array<i32>} : memref<8x32x128xf32, #tpu.memory_space<vmem>>, vector<1x1x16xf32>,
        %swap3A_973 = vector.shape_cast %swap3A_972 : vector<1x1x16xf32> to vector<16xf32>
        %swap3A_974 = vector.shape_cast %add3A_967 : vector<16xf32> to vector<1x1x16xf32>
        tpu.vector_store %arg8[%swap3A_969, %swap3A_970, %swap3A_971], %swap3A_974 {strides = array<i32>} : memref<8x32x128xf32, #tpu.memory_space<vmem>>, vector<1x1x16xf32>,
        %get3A_975 = arith.constant 1 : i32
        %get3A_976 = arith.index_cast %get3A_975 : i32 to index
        %get3A_977 = arith.index_cast %scan3A_933 : i32 to index
        %get3A_978 = arith.constant 48 : index
        %get3A_979 = tpu.vector_load %arg8[%get3A_976, %get3A_977, %get3A_978] {strides = array<i32>} : memref<8x32x128xf32, #tpu.memory_space<vmem>>, vector<1x1x16xf32>,
        %get3A_980 = vector.shape_cast %get3A_979 : vector<1x1x16xf32> to vector<16xf32>
        %add3A_981 = arith.addf %get3A_980, %get3A_389 : vector<16xf32>
        %swap3A_982 = arith.constant 1 : i32
        %swap3A_983 = arith.index_cast %swap3A_982 : i32 to index
        %swap3A_984 = arith.index_cast %scan3A_933 : i32 to index
        %swap3A_985 = arith.constant 48 : index
        %swap3A_986 = tpu.vector_load %arg8[%swap3A_983, %swap3A_984, %swap3A_985] {strides = array<i32>} : memref<8x32x128xf32, #tpu.memory_space<vmem>>, vector<1x1x16xf32>,
        %swap3A_987 = vector.shape_cast %swap3A_986 : vector<1x1x16xf32> to vector<16xf32>
        %swap3A_988 = vector.shape_cast %add3A_981 : vector<16xf32> to vector<1x1x16xf32>
        tpu.vector_store %arg8[%swap3A_983, %swap3A_984, %swap3A_985], %swap3A_988 {strides = array<i32>} : memref<8x32x128xf32, #tpu.memory_space<vmem>>, vector<1x1x16xf32>,
        %get3A_989 = arith.constant 1 : i32
        %get3A_990 = arith.index_cast %get3A_989 : i32 to index
        %get3A_991 = arith.index_cast %scan3A_933 : i32 to index
        %get3A_992 = arith.constant 64 : index
        %get3A_993 = tpu.vector_load %arg8[%get3A_990, %get3A_991, %get3A_992] {strides = array<i32>} : memref<8x32x128xf32, #tpu.memory_space<vmem>>, vector<1x1x16xf32>,
        %get3A_994 = vector.shape_cast %get3A_993 : vector<1x1x16xf32> to vector<16xf32>
        %add3A_995 = arith.addf %get3A_994, %get3A_393 : vector<16xf32>
        %swap3A_996 = arith.constant 1 : i32
        %swap3A_997 = arith.index_cast %swap3A_996 : i32 to index
        %swap3A_998 = arith.index_cast %scan3A_933 : i32 to index
        %swap3A_999 = arith.constant 64 : index
        %swap3A_1000 = tpu.vector_load %arg8[%swap3A_997, %swap3A_998, %swap3A_999] {strides = array<i32>} : memref<8x32x128xf32, #tpu.memory_space<vmem>>, vector<1x1x16xf32>,
        %swap3A_1001 = vector.shape_cast %swap3A_1000 : vector<1x1x16xf32> to vector<16xf32>
        %swap3A_1002 = vector.shape_cast %add3A_995 : vector<16xf32> to vector<1x1x16xf32>
        tpu.vector_store %arg8[%swap3A_997, %swap3A_998, %swap3A_999], %swap3A_1002 {strides = array<i32>} : memref<8x32x128xf32, #tpu.memory_space<vmem>>, vector<1x1x16xf32>,
        %get3A_1003 = arith.constant 1 : i32
        %get3A_1004 = arith.index_cast %get3A_1003 : i32 to index
        %get3A_1005 = arith.index_cast %scan3A_933 : i32 to index
        %get3A_1006 = arith.constant 80 : index
        %get3A_1007 = tpu.vector_load %arg8[%get3A_1004, %get3A_1005, %get3A_1006] {strides = array<i32>} : memref<8x32x128xf32, #tpu.memory_space<vmem>>, vector<1x1x16xf32>,
        %get3A_1008 = vector.shape_cast %get3A_1007 : vector<1x1x16xf32> to vector<16xf32>
        %add3A_1009 = arith.addf %get3A_1008, %get3A_397 : vector<16xf32>
        %swap3A_1010 = arith.constant 1 : i32
        %swap3A_1011 = arith.index_cast %swap3A_1010 : i32 to index
        %swap3A_1012 = arith.index_cast %scan3A_933 : i32 to index
        %swap3A_1013 = arith.constant 80 : index
        %swap3A_1014 = tpu.vector_load %arg8[%swap3A_1011, %swap3A_1012, %swap3A_1013] {strides = array<i32>} : memref<8x32x128xf32, #tpu.memory_space<vmem>>, vector<1x1x16xf32>,
        %swap3A_1015 = vector.shape_cast %swap3A_1014 : vector<1x1x16xf32> to vector<16xf32>
        %swap3A_1016 = vector.shape_cast %add3A_1009 : vector<16xf32> to vector<1x1x16xf32>
        tpu.vector_store %arg8[%swap3A_1011, %swap3A_1012, %swap3A_1013], %swap3A_1016 {strides = array<i32>} : memref<8x32x128xf32, #tpu.memory_space<vmem>>, vector<1x1x16xf32>,
        %get3A_1017 = arith.constant 1 : i32
        %get3A_1018 = arith.index_cast %get3A_1017 : i32 to index
        %get3A_1019 = arith.index_cast %scan3A_933 : i32 to index
        %get3A_1020 = arith.constant 96 : index
        %get3A_1021 = tpu.vector_load %arg8[%get3A_1018, %get3A_1019, %get3A_1020] {strides = array<i32>} : memref<8x32x128xf32, #tpu.memory_space<vmem>>, vector<1x1x16xf32>,
        %get3A_1022 = vector.shape_cast %get3A_1021 : vector<1x1x16xf32> to vector<16xf32>
        %add3A_1023 = arith.addf %get3A_1022, %get3A_401 : vector<16xf32>
        %swap3A_1024 = arith.constant 1 : i32
        %swap3A_1025 = arith.index_cast %swap3A_1024 : i32 to index
        %swap3A_1026 = arith.index_cast %scan3A_933 : i32 to index
        %swap3A_1027 = arith.constant 96 : index
        %swap3A_1028 = tpu.vector_load %arg8[%swap3A_1025, %swap3A_1026, %swap3A_1027] {strides = array<i32>} : memref<8x32x128xf32, #tpu.memory_space<vmem>>, vector<1x1x16xf32>,
        %swap3A_1029 = vector.shape_cast %swap3A_1028 : vector<1x1x16xf32> to vector<16xf32>
        %swap3A_1030 = vector.shape_cast %add3A_1023 : vector<16xf32> to vector<1x1x16xf32>
        tpu.vector_store %arg8[%swap3A_1025, %swap3A_1026, %swap3A_1027], %swap3A_1030 {strides = array<i32>} : memref<8x32x128xf32, #tpu.memory_space<vmem>>, vector<1x1x16xf32>,
        %get3A_1031 = arith.constant 1 : i32
        %get3A_1032 = arith.index_cast %get3A_1031 : i32 to index
        %get3A_1033 = arith.index_cast %scan3A_933 : i32 to index
        %get3A_1034 = arith.constant 112 : index
        %get3A_1035 = tpu.vector_load %arg8[%get3A_1032, %get3A_1033, %get3A_1034] {strides = array<i32>} : memref<8x32x128xf32, #tpu.memory_space<vmem>>, vector<1x1x16xf32>,
        %get3A_1036 = vector.shape_cast %get3A_1035 : vector<1x1x16xf32> to vector<16xf32>
        %add3A_1037 = arith.addf %get3A_1036, %get3A_405 : vector<16xf32>
        %swap3A_1038 = arith.constant 1 : i32
        %swap3A_1039 = arith.index_cast %swap3A_1038 : i32 to index
        %swap3A_1040 = arith.index_cast %scan3A_933 : i32 to index
        %swap3A_1041 = arith.constant 112 : index
        %swap3A_1042 = tpu.vector_load %arg8[%swap3A_1039, %swap3A_1040, %swap3A_1041] {strides = array<i32>} : memref<8x32x128xf32, #tpu.memory_space<vmem>>, vector<1x1x16xf32>,
        %swap3A_1043 = vector.shape_cast %swap3A_1042 : vector<1x1x16xf32> to vector<16xf32>
        %swap3A_1044 = vector.shape_cast %add3A_1037 : vector<16xf32> to vector<1x1x16xf32>
        tpu.vector_store %arg8[%swap3A_1039, %swap3A_1040, %swap3A_1041], %swap3A_1044 {strides = array<i32>} : memref<8x32x128xf32, #tpu.memory_space<vmem>>, vector<1x1x16xf32>,
      }
      %scan3A_410 = arith.constant 32 : i32
      %dma_start3A_411 = arith.constant 1 : i32
      %dma_start3A_412 = arith.constant 1 : i32
      %dma_start3A_413 = arith.constant 0 : i32
      %dma_start3A_414 = arith.constant 0 : i32
      %dma_start3A_415 = tpu.memref_slice %arg8[%dma_start3A_411, %dma_start3A_413, %dma_start3A_414] : memref<8x32x128xf32, #tpu.memory_space<vmem>> -> memref<1x32x128xf32, #tpu.memory_space<vmem>>
      %dma_start3A_416 = tpu.memref_squeeze %dma_start3A_415 : memref<1x32x128xf32, #tpu.memory_space<vmem>> -> memref<32x128xf32, #tpu.memory_space<vmem>>
      %dma_start3A_417 = arith.constant 0 : i32
      %dma_start3A_418 = tpu.memref_slice %arg5[%mul3A_2, %add3A_348, %dma_start3A_417] : memref<1024x200x128xf32, #tpu.memory_space<hbm>> -> memref<32x1x128xf32, #tpu.memory_space<hbm>>
      %dma_start3A_419 = tpu.memref_squeeze %dma_start3A_418 : memref<32x1x128xf32, #tpu.memory_space<hbm>> -> memref<32x128xf32, #tpu.memory_space<hbm>>
      %dma_start3A_420 = tpu.memref_slice %arg10[%dma_start3A_412] : memref<8x!tpu.dma_semaphore, #tpu.memory_space<semaphore_mem>> -> memref<1x!tpu.dma_semaphore, #tpu.memory_space<semaphore_mem>>
      %dma_start3A_421 = tpu.memref_squeeze %dma_start3A_420 : memref<1x!tpu.dma_semaphore, #tpu.memory_space<semaphore_mem>> -> memref<!tpu.dma_semaphore, #tpu.memory_space<semaphore_mem>>
      %dma_start3A_422 = arith.constant 0 : i32
      %dma_start3A_423 = tpu.memref_slice %arg5[%mul3A_2, %add3A_348, %dma_start3A_422] : memref<1024x200x128xf32, #tpu.memory_space<hbm>> -> memref<32x1x128xf32, #tpu.memory_space<hbm>>
      %dma_start3A_424 = tpu.memref_squeeze %dma_start3A_423 : memref<32x1x128xf32, #tpu.memory_space<hbm>> -> memref<32x128xf32, #tpu.memory_space<hbm>>
      %dma_start3A_425 = arith.constant 0 : i32
      %dma_start3A_426 = arith.constant 0 : i32
      %dma_start3A_427 = tpu.memref_slice %arg8[%dma_start3A_411, %dma_start3A_425, %dma_start3A_426] : memref<8x32x128xf32, #tpu.memory_space<vmem>> -> memref<1x32x128xf32, #tpu.memory_space<vmem>>
      %dma_start3A_428 = tpu.memref_squeeze %dma_start3A_427 : memref<1x32x128xf32, #tpu.memory_space<vmem>> -> memref<32x128xf32, #tpu.memory_space<vmem>>
      tpu.enqueue_dma source(%dma_start3A_428 : memref<32x128xf32, #tpu.memory_space<vmem>>) target(%dma_start3A_424 : memref<32x128xf32, #tpu.memory_space<hbm>>) target_semaphore(%dma_start3A_421 : memref<!tpu.dma_semaphore, #tpu.memory_space<semaphore_mem>>)
      %mul3A_429 = arith.constant 8 : i32
      %mul3A_430 = arith.muli %scan3A_264, %mul3A_429 : i32
      %add3A_431 = arith.constant 2 : i32
      %add3A_432 = arith.addi %mul3A_430, %add3A_431 : i32
      %add3A_433 = arith.constant 6 : i32
      %add3A_434 = arith.addi %add3A_432, %add3A_433 : i32
      %lt3A_435 = arith.constant 200 : i32
      %lt3A_436 = arith.cmpi slt, %add3A_434, %lt3A_435 : i32
      %convert_element_type3A_437 = arith.extui %lt3A_436 : i1 to i32
      %cond3A_438 = arith.constant 0 : i32
      %cond3A_439 = arith.cmpi ne, %convert_element_type3A_437, %cond3A_438 : i32
      scf.if %cond3A_439 {
        %add3A_933 = arith.constant 6 : i32
        %add3A_934 = arith.addi %add3A_432, %add3A_933 : i32
        %ge3A = arith.constant 8 : i32
        %ge3A_935 = arith.cmpi sge, %add3A_934, %ge3A : i32
        %convert_element_type3A_936 = arith.extui %ge3A_935 : i1 to i32
        %cond3A_937 = arith.constant 0 : i32
        %cond3A_938 = arith.cmpi ne, %convert_element_type3A_936, %cond3A_937 : i32
        scf.if %cond3A_938 {
          %add3A_965 = arith.constant 6 : i32
          %add3A_966 = arith.addi %add3A_432, %add3A_965 : i32
          %jit3A_967 = arith.constant 8 : i32
          %eq3A_968 = arith.constant 0 : i32
          %eq3A_969 = arith.cmpi eq, %jit3A_967, %eq3A_968 : i32
          %jit3A_970 = arith.constant 1 : i32
          %select_n3A_971 = arith.select %eq3A_969, %jit3A_970, %jit3A_967 : i32
          %rem3A_972 = arith.remsi %add3A_966, %select_n3A_971 : i32
          %ne3A_973 = arith.constant 0 : i32
          %ne3A_974 = arith.cmpi ne, %rem3A_972, %ne3A_973 : i32
          %lt3A_975 = arith.constant 0 : i32
          %lt3A_976 = arith.cmpi slt, %rem3A_972, %lt3A_975 : i32
          %lt3A_977 = arith.constant 0 : i32
          %lt3A_978 = arith.cmpi slt, %select_n3A_971, %lt3A_977 : i32
          %ne3A_979 = arith.xori %lt3A_976, %lt3A_978 : i1
          %and3A_980 = arith.andi %ne3A_979, %ne3A_974 : i1
          %add3A_981 = arith.addi %rem3A_972, %select_n3A_971 : i32
          %select_n3A_982 = arith.select %and3A_980, %add3A_981, %rem3A_972 : i32
          %dma_wait3A_983 = arith.constant 0 : i32
          %dma_wait3A_984 = arith.constant 0 : i32
          %dma_wait3A_985 = arith.constant 0 : i32
          %dma_wait3A_986 = tpu.memref_slice %arg8[%select_n3A_982, %dma_wait3A_984, %dma_wait3A_985] : memref<8x32x128xf32, #tpu.memory_space<vmem>> -> memref<1x32x128xf32, #tpu.memory_space<vmem>>
          %dma_wait3A_987 = tpu.memref_squeeze %dma_wait3A_986 : memref<1x32x128xf32, #tpu.memory_space<vmem>> -> memref<32x128xf32, #tpu.memory_space<vmem>>
          %dma_wait3A_988 = arith.constant 0 : i32
          %dma_wait3A_989 = arith.constant 0 : i32
          %dma_wait3A_990 = tpu.memref_slice %arg5[%dma_wait3A_988, %dma_wait3A_983, %dma_wait3A_989] : memref<1024x200x128xf32, #tpu.memory_space<hbm>> -> memref<32x1x128xf32, #tpu.memory_space<hbm>>
          %dma_wait3A_991 = tpu.memref_squeeze %dma_wait3A_990 : memref<32x1x128xf32, #tpu.memory_space<hbm>> -> memref<32x128xf32, #tpu.memory_space<hbm>>
          %dma_wait3A_992 = tpu.memref_slice %arg10[%select_n3A_982] : memref<8x!tpu.dma_semaphore, #tpu.memory_space<semaphore_mem>> -> memref<1x!tpu.dma_semaphore, #tpu.memory_space<semaphore_mem>>
          %dma_wait3A_993 = tpu.memref_squeeze %dma_wait3A_992 : memref<1x!tpu.dma_semaphore, #tpu.memory_space<semaphore_mem>> -> memref<!tpu.dma_semaphore, #tpu.memory_space<semaphore_mem>>
          %dma_wait3A_994 = arith.constant 0 : i32
          %dma_wait3A_995 = arith.constant 0 : i32
          %dma_wait3A_996 = tpu.memref_slice %arg5[%dma_wait3A_994, %dma_wait3A_983, %dma_wait3A_995] : memref<1024x200x128xf32, #tpu.memory_space<hbm>> -> memref<32x1x128xf32, #tpu.memory_space<hbm>>
          %dma_wait3A_997 = tpu.memref_squeeze %dma_wait3A_996 : memref<32x1x128xf32, #tpu.memory_space<hbm>> -> memref<32x128xf32, #tpu.memory_space<hbm>>
          %dma_wait3A_998 = arith.constant 0 : i32
          %dma_wait3A_999 = arith.constant 0 : i32
          %dma_wait3A_1000 = tpu.memref_slice %arg8[%select_n3A_982, %dma_wait3A_998, %dma_wait3A_999] : memref<8x32x128xf32, #tpu.memory_space<vmem>> -> memref<1x32x128xf32, #tpu.memory_space<vmem>>
          %dma_wait3A_1001 = tpu.memref_squeeze %dma_wait3A_1000 : memref<1x32x128xf32, #tpu.memory_space<vmem>> -> memref<32x128xf32, #tpu.memory_space<vmem>>
          tpu.wait_dma2 semaphore(%dma_wait3A_993 : memref<!tpu.dma_semaphore, #tpu.memory_space<semaphore_mem>>) src(%dma_wait3A_1001 : memref<32x128xf32, #tpu.memory_space<vmem>>) dst(%dma_wait3A_997 : memref<32x128xf32, #tpu.memory_space<hbm>>)
        } else {
        }
        %add3A_939 = arith.constant 6 : i32
        %add3A_940 = arith.addi %add3A_432, %add3A_939 : i32
        %add3A_941 = arith.constant 6 : i32
        %add3A_942 = arith.addi %add3A_432, %add3A_941 : i32
        %jit3A = arith.constant 8 : i32
        %eq3A = arith.constant 0 : i32
        %eq3A_943 = arith.cmpi eq, %jit3A, %eq3A : i32
        %jit3A_944 = arith.constant 1 : i32
        %select_n3A = arith.select %eq3A_943, %jit3A_944, %jit3A : i32
        %rem3A = arith.remsi %add3A_942, %select_n3A : i32
        %ne3A = arith.constant 0 : i32
        %ne3A_945 = arith.cmpi ne, %rem3A, %ne3A : i32
        %lt3A_946 = arith.constant 0 : i32
        %lt3A_947 = arith.cmpi slt, %rem3A, %lt3A_946 : i32
        %lt3A_948 = arith.constant 0 : i32
        %lt3A_949 = arith.cmpi slt, %select_n3A, %lt3A_948 : i32
        %ne3A_950 = arith.xori %lt3A_947, %lt3A_949 : i1
        %and3A = arith.andi %ne3A_950, %ne3A_945 : i1
        %add3A_951 = arith.addi %rem3A, %select_n3A : i32
        %select_n3A_952 = arith.select %and3A, %add3A_951, %rem3A : i32
        %dma_start3A_953 = arith.constant 0 : i32
        %dma_start3A_954 = arith.constant 0 : i32
        %dma_start3A_955 = tpu.memref_slice %arg8[%select_n3A_952, %dma_start3A_953, %dma_start3A_954] : memref<8x32x128xf32, #tpu.memory_space<vmem>> -> memref<1x32x128xf32, #tpu.memory_space<vmem>>
        %dma_start3A_956 = tpu.memref_squeeze %dma_start3A_955 : memref<1x32x128xf32, #tpu.memory_space<vmem>> -> memref<32x128xf32, #tpu.memory_space<vmem>>
        %dma_start3A_957 = arith.constant 0 : i32
        %dma_start3A_958 = tpu.memref_slice %arg7[%add3A_940, %dma_start3A_957] : memref<200x32xi32, #tpu.memory_space<vmem>> -> memref<1x32xi32, #tpu.memory_space<vmem>>
        %dma_start3A_959 = tpu.memref_squeeze %dma_start3A_958 : memref<1x32xi32, #tpu.memory_space<vmem>> -> memref<32xi32, #tpu.memory_space<vmem>>
        %dma_start3A_960 = arith.constant 0 : i32
        %dma_start3A_961 = arith.constant 0 : i32
        %dma_start3A_962 = tpu.memref_slice %arg3[%dma_start3A_960, %dma_start3A_961] : memref<100000x128xf32, #tpu.memory_space<hbm>> -> memref<100000x128xf32, #tpu.memory_space<hbm>>
        %dma_start3A_963 = tpu.memref_slice %arg9[%select_n3A_952] : memref<8x!tpu.dma_semaphore, #tpu.memory_space<semaphore_mem>> -> memref<1x!tpu.dma_semaphore, #tpu.memory_space<semaphore_mem>>
        %dma_start3A_964 = tpu.memref_squeeze %dma_start3A_963 : memref<1x!tpu.dma_semaphore, #tpu.memory_space<semaphore_mem>> -> memref<!tpu.dma_semaphore, #tpu.memory_space<semaphore_mem>>
        tpu.enqueue_indirect_dma source(%dma_start3A_962 : memref<100000x128xf32, #tpu.memory_space<hbm>>) target(%dma_start3A_956 : memref<32x128xf32, #tpu.memory_space<vmem>>) offsets(%dma_start3A_959 : memref<32xi32, #tpu.memory_space<vmem>>) semaphore(%dma_start3A_964 : memref<!tpu.dma_semaphore, #tpu.memory_space<semaphore_mem>>)
      } else {
      }
      %dma_wait3A_440 = arith.constant 2 : i32
      %dma_wait3A_441 = arith.constant 2 : i32
      %dma_wait3A_442 = arith.constant 0 : i32
      %dma_wait3A_443 = arith.constant 0 : i32
      %dma_wait3A_444 = tpu.memref_slice %arg8[%dma_wait3A_440, %dma_wait3A_442, %dma_wait3A_443] : memref<8x32x128xf32, #tpu.memory_space<vmem>> -> memref<1x32x128xf32, #tpu.memory_space<vmem>>
      %dma_wait3A_445 = tpu.memref_squeeze %dma_wait3A_444 : memref<1x32x128xf32, #tpu.memory_space<vmem>> -> memref<32x128xf32, #tpu.memory_space<vmem>>
      %dma_wait3A_446 = arith.constant 0 : i32
      %dma_wait3A_447 = arith.constant 0 : i32
      %dma_wait3A_448 = tpu.memref_slice %arg3[%dma_wait3A_446, %dma_wait3A_447] : memref<100000x128xf32, #tpu.memory_space<hbm>> -> memref<32x128xf32, #tpu.memory_space<hbm>>
      %dma_wait3A_449 = tpu.memref_slice %arg9[%dma_wait3A_441] : memref<8x!tpu.dma_semaphore, #tpu.memory_space<semaphore_mem>> -> memref<1x!tpu.dma_semaphore, #tpu.memory_space<semaphore_mem>>
      %dma_wait3A_450 = tpu.memref_squeeze %dma_wait3A_449 : memref<1x!tpu.dma_semaphore, #tpu.memory_space<semaphore_mem>> -> memref<!tpu.dma_semaphore, #tpu.memory_space<semaphore_mem>>
      %dma_wait3A_451 = arith.constant 0 : i32
      %dma_wait3A_452 = arith.constant 0 : i32
      %dma_wait3A_453 = tpu.memref_slice %arg8[%dma_wait3A_440, %dma_wait3A_451, %dma_wait3A_452] : memref<8x32x128xf32, #tpu.memory_space<vmem>> -> memref<1x32x128xf32, #tpu.memory_space<vmem>>
      %dma_wait3A_454 = tpu.memref_squeeze %dma_wait3A_453 : memref<1x32x128xf32, #tpu.memory_space<vmem>> -> memref<32x128xf32, #tpu.memory_space<vmem>>
      %dma_wait3A_455 = arith.constant 0 : i32
      %dma_wait3A_456 = arith.constant 0 : i32
      %dma_wait3A_457 = tpu.memref_slice %arg3[%dma_wait3A_455, %dma_wait3A_456] : memref<100000x128xf32, #tpu.memory_space<hbm>> -> memref<32x128xf32, #tpu.memory_space<hbm>>
      tpu.wait_dma2 semaphore(%dma_wait3A_450 : memref<!tpu.dma_semaphore, #tpu.memory_space<semaphore_mem>>) src(%dma_wait3A_457 : memref<32x128xf32, #tpu.memory_space<hbm>>) dst(%dma_wait3A_454 : memref<32x128xf32, #tpu.memory_space<vmem>>)
      %get3A_458 = arith.index_cast %add3A_432 : i32 to index
      %get3A_459 = arith.constant 0 : index
      %get3A_460 = tpu.vector_load %arg6[%get3A_458, %get3A_459] {strides = array<i32>} : memref<200x128xf32, #tpu.memory_space<vmem>>, vector<1x16xf32>,
      %get3A_461 = vector.shape_cast %get3A_460 : vector<1x16xf32> to vector<16xf32>
      %get3A_462 = arith.index_cast %add3A_432 : i32 to index
      %get3A_463 = arith.constant 16 : index
      %get3A_464 = tpu.vector_load %arg6[%get3A_462, %get3A_463] {strides = array<i32>} : memref<200x128xf32, #tpu.memory_space<vmem>>, vector<1x16xf32>,
      %get3A_465 = vector.shape_cast %get3A_464 : vector<1x16xf32> to vector<16xf32>
      %get3A_466 = arith.index_cast %add3A_432 : i32 to index
      %get3A_467 = arith.constant 32 : index
      %get3A_468 = tpu.vector_load %arg6[%get3A_466, %get3A_467] {strides = array<i32>} : memref<200x128xf32, #tpu.memory_space<vmem>>, vector<1x16xf32>,
      %get3A_469 = vector.shape_cast %get3A_468 : vector<1x16xf32> to vector<16xf32>
      %get3A_470 = arith.index_cast %add3A_432 : i32 to index
      %get3A_471 = arith.constant 48 : index
      %get3A_472 = tpu.vector_load %arg6[%get3A_470, %get3A_471] {strides = array<i32>} : memref<200x128xf32, #tpu.memory_space<vmem>>, vector<1x16xf32>,
      %get3A_473 = vector.shape_cast %get3A_472 : vector<1x16xf32> to vector<16xf32>
      %get3A_474 = arith.index_cast %add3A_432 : i32 to index
      %get3A_475 = arith.constant 64 : index
      %get3A_476 = tpu.vector_load %arg6[%get3A_474, %get3A_475] {strides = array<i32>} : memref<200x128xf32, #tpu.memory_space<vmem>>, vector<1x16xf32>,
      %get3A_477 = vector.shape_cast %get3A_476 : vector<1x16xf32> to vector<16xf32>
      %get3A_478 = arith.index_cast %add3A_432 : i32 to index
      %get3A_479 = arith.constant 80 : index
      %get3A_480 = tpu.vector_load %arg6[%get3A_478, %get3A_479] {strides = array<i32>} : memref<200x128xf32, #tpu.memory_space<vmem>>, vector<1x16xf32>,
      %get3A_481 = vector.shape_cast %get3A_480 : vector<1x16xf32> to vector<16xf32>
      %get3A_482 = arith.index_cast %add3A_432 : i32 to index
      %get3A_483 = arith.constant 96 : index
      %get3A_484 = tpu.vector_load %arg6[%get3A_482, %get3A_483] {strides = array<i32>} : memref<200x128xf32, #tpu.memory_space<vmem>>, vector<1x16xf32>,
      %get3A_485 = vector.shape_cast %get3A_484 : vector<1x16xf32> to vector<16xf32>
      %get3A_486 = arith.index_cast %add3A_432 : i32 to index
      %get3A_487 = arith.constant 112 : index
      %get3A_488 = tpu.vector_load %arg6[%get3A_486, %get3A_487] {strides = array<i32>} : memref<200x128xf32, #tpu.memory_space<vmem>>, vector<1x16xf32>,
      %get3A_489 = vector.shape_cast %get3A_488 : vector<1x16xf32> to vector<16xf32>
      %scan3A_490 = arith.constant 0 : i32
      %scan3A_491 = arith.constant 32 : i32
      %scan3A_492 = arith.addi %scan3A_490, %scan3A_491 : i32
      %scan3A_493 = arith.constant 1 : i32
      scf.for %scan3A_933 = %scan3A_490 to %scan3A_492 step %scan3A_493  : i32 {
        %get3A_934 = arith.constant 2 : i32
        %get3A_935 = arith.index_cast %get3A_934 : i32 to index
        %get3A_936 = arith.index_cast %scan3A_933 : i32 to index
        %get3A_937 = arith.constant 0 : index
        %get3A_938 = tpu.vector_load %arg8[%get3A_935, %get3A_936, %get3A_937] {strides = array<i32>} : memref<8x32x128xf32, #tpu.memory_space<vmem>>, vector<1x1x16xf32>,
        %get3A_939 = vector.shape_cast %get3A_938 : vector<1x1x16xf32> to vector<16xf32>
        %add3A_940 = arith.addf %get3A_939, %get3A_461 : vector<16xf32>
        %swap3A = arith.constant 2 : i32
        %swap3A_941 = arith.index_cast %swap3A : i32 to index
        %swap3A_942 = arith.index_cast %scan3A_933 : i32 to index
        %swap3A_943 = arith.constant 0 : index
        %swap3A_944 = tpu.vector_load %arg8[%swap3A_941, %swap3A_942, %swap3A_943] {strides = array<i32>} : memref<8x32x128xf32, #tpu.memory_space<vmem>>, vector<1x1x16xf32>,
        %swap3A_945 = vector.shape_cast %swap3A_944 : vector<1x1x16xf32> to vector<16xf32>
        %swap3A_946 = vector.shape_cast %add3A_940 : vector<16xf32> to vector<1x1x16xf32>
        tpu.vector_store %arg8[%swap3A_941, %swap3A_942, %swap3A_943], %swap3A_946 {strides = array<i32>} : memref<8x32x128xf32, #tpu.memory_space<vmem>>, vector<1x1x16xf32>,
        %get3A_947 = arith.constant 2 : i32
        %get3A_948 = arith.index_cast %get3A_947 : i32 to index
        %get3A_949 = arith.index_cast %scan3A_933 : i32 to index
        %get3A_950 = arith.constant 16 : index
        %get3A_951 = tpu.vector_load %arg8[%get3A_948, %get3A_949, %get3A_950] {strides = array<i32>} : memref<8x32x128xf32, #tpu.memory_space<vmem>>, vector<1x1x16xf32>,
        %get3A_952 = vector.shape_cast %get3A_951 : vector<1x1x16xf32> to vector<16xf32>
        %add3A_953 = arith.addf %get3A_952, %get3A_465 : vector<16xf32>
        %swap3A_954 = arith.constant 2 : i32
        %swap3A_955 = arith.index_cast %swap3A_954 : i32 to index
        %swap3A_956 = arith.index_cast %scan3A_933 : i32 to index
        %swap3A_957 = arith.constant 16 : index
        %swap3A_958 = tpu.vector_load %arg8[%swap3A_955, %swap3A_956, %swap3A_957] {strides = array<i32>} : memref<8x32x128xf32, #tpu.memory_space<vmem>>, vector<1x1x16xf32>,
        %swap3A_959 = vector.shape_cast %swap3A_958 : vector<1x1x16xf32> to vector<16xf32>
        %swap3A_960 = vector.shape_cast %add3A_953 : vector<16xf32> to vector<1x1x16xf32>
        tpu.vector_store %arg8[%swap3A_955, %swap3A_956, %swap3A_957], %swap3A_960 {strides = array<i32>} : memref<8x32x128xf32, #tpu.memory_space<vmem>>, vector<1x1x16xf32>,
        %get3A_961 = arith.constant 2 : i32
        %get3A_962 = arith.index_cast %get3A_961 : i32 to index
        %get3A_963 = arith.index_cast %scan3A_933 : i32 to index
        %get3A_964 = arith.constant 32 : index
        %get3A_965 = tpu.vector_load %arg8[%get3A_962, %get3A_963, %get3A_964] {strides = array<i32>} : memref<8x32x128xf32, #tpu.memory_space<vmem>>, vector<1x1x16xf32>,
        %get3A_966 = vector.shape_cast %get3A_965 : vector<1x1x16xf32> to vector<16xf32>
        %add3A_967 = arith.addf %get3A_966, %get3A_469 : vector<16xf32>
        %swap3A_968 = arith.constant 2 : i32
        %swap3A_969 = arith.index_cast %swap3A_968 : i32 to index
        %swap3A_970 = arith.index_cast %scan3A_933 : i32 to index
        %swap3A_971 = arith.constant 32 : index
        %swap3A_972 = tpu.vector_load %arg8[%swap3A_969, %swap3A_970, %swap3A_971] {strides = array<i32>} : memref<8x32x128xf32, #tpu.memory_space<vmem>>, vector<1x1x16xf32>,
        %swap3A_973 = vector.shape_cast %swap3A_972 : vector<1x1x16xf32> to vector<16xf32>
        %swap3A_974 = vector.shape_cast %add3A_967 : vector<16xf32> to vector<1x1x16xf32>
        tpu.vector_store %arg8[%swap3A_969, %swap3A_970, %swap3A_971], %swap3A_974 {strides = array<i32>} : memref<8x32x128xf32, #tpu.memory_space<vmem>>, vector<1x1x16xf32>,
        %get3A_975 = arith.constant 2 : i32
        %get3A_976 = arith.index_cast %get3A_975 : i32 to index
        %get3A_977 = arith.index_cast %scan3A_933 : i32 to index
        %get3A_978 = arith.constant 48 : index
        %get3A_979 = tpu.vector_load %arg8[%get3A_976, %get3A_977, %get3A_978] {strides = array<i32>} : memref<8x32x128xf32, #tpu.memory_space<vmem>>, vector<1x1x16xf32>,
        %get3A_980 = vector.shape_cast %get3A_979 : vector<1x1x16xf32> to vector<16xf32>
        %add3A_981 = arith.addf %get3A_980, %get3A_473 : vector<16xf32>
        %swap3A_982 = arith.constant 2 : i32
        %swap3A_983 = arith.index_cast %swap3A_982 : i32 to index
        %swap3A_984 = arith.index_cast %scan3A_933 : i32 to index
        %swap3A_985 = arith.constant 48 : index
        %swap3A_986 = tpu.vector_load %arg8[%swap3A_983, %swap3A_984, %swap3A_985] {strides = array<i32>} : memref<8x32x128xf32, #tpu.memory_space<vmem>>, vector<1x1x16xf32>,
        %swap3A_987 = vector.shape_cast %swap3A_986 : vector<1x1x16xf32> to vector<16xf32>
        %swap3A_988 = vector.shape_cast %add3A_981 : vector<16xf32> to vector<1x1x16xf32>
        tpu.vector_store %arg8[%swap3A_983, %swap3A_984, %swap3A_985], %swap3A_988 {strides = array<i32>} : memref<8x32x128xf32, #tpu.memory_space<vmem>>, vector<1x1x16xf32>,
        %get3A_989 = arith.constant 2 : i32
        %get3A_990 = arith.index_cast %get3A_989 : i32 to index
        %get3A_991 = arith.index_cast %scan3A_933 : i32 to index
        %get3A_992 = arith.constant 64 : index
        %get3A_993 = tpu.vector_load %arg8[%get3A_990, %get3A_991, %get3A_992] {strides = array<i32>} : memref<8x32x128xf32, #tpu.memory_space<vmem>>, vector<1x1x16xf32>,
        %get3A_994 = vector.shape_cast %get3A_993 : vector<1x1x16xf32> to vector<16xf32>
        %add3A_995 = arith.addf %get3A_994, %get3A_477 : vector<16xf32>
        %swap3A_996 = arith.constant 2 : i32
        %swap3A_997 = arith.index_cast %swap3A_996 : i32 to index
        %swap3A_998 = arith.index_cast %scan3A_933 : i32 to index
        %swap3A_999 = arith.constant 64 : index
        %swap3A_1000 = tpu.vector_load %arg8[%swap3A_997, %swap3A_998, %swap3A_999] {strides = array<i32>} : memref<8x32x128xf32, #tpu.memory_space<vmem>>, vector<1x1x16xf32>,
        %swap3A_1001 = vector.shape_cast %swap3A_1000 : vector<1x1x16xf32> to vector<16xf32>
        %swap3A_1002 = vector.shape_cast %add3A_995 : vector<16xf32> to vector<1x1x16xf32>
        tpu.vector_store %arg8[%swap3A_997, %swap3A_998, %swap3A_999], %swap3A_1002 {strides = array<i32>} : memref<8x32x128xf32, #tpu.memory_space<vmem>>, vector<1x1x16xf32>,
        %get3A_1003 = arith.constant 2 : i32
        %get3A_1004 = arith.index_cast %get3A_1003 : i32 to index
        %get3A_1005 = arith.index_cast %scan3A_933 : i32 to index
        %get3A_1006 = arith.constant 80 : index
        %get3A_1007 = tpu.vector_load %arg8[%get3A_1004, %get3A_1005, %get3A_1006] {strides = array<i32>} : memref<8x32x128xf32, #tpu.memory_space<vmem>>, vector<1x1x16xf32>,
        %get3A_1008 = vector.shape_cast %get3A_1007 : vector<1x1x16xf32> to vector<16xf32>
        %add3A_1009 = arith.addf %get3A_1008, %get3A_481 : vector<16xf32>
        %swap3A_1010 = arith.constant 2 : i32
        %swap3A_1011 = arith.index_cast %swap3A_1010 : i32 to index
        %swap3A_1012 = arith.index_cast %scan3A_933 : i32 to index
        %swap3A_1013 = arith.constant 80 : index
        %swap3A_1014 = tpu.vector_load %arg8[%swap3A_1011, %swap3A_1012, %swap3A_1013] {strides = array<i32>} : memref<8x32x128xf32, #tpu.memory_space<vmem>>, vector<1x1x16xf32>,
        %swap3A_1015 = vector.shape_cast %swap3A_1014 : vector<1x1x16xf32> to vector<16xf32>
        %swap3A_1016 = vector.shape_cast %add3A_1009 : vector<16xf32> to vector<1x1x16xf32>
        tpu.vector_store %arg8[%swap3A_1011, %swap3A_1012, %swap3A_1013], %swap3A_1016 {strides = array<i32>} : memref<8x32x128xf32, #tpu.memory_space<vmem>>, vector<1x1x16xf32>,
        %get3A_1017 = arith.constant 2 : i32
        %get3A_1018 = arith.index_cast %get3A_1017 : i32 to index
        %get3A_1019 = arith.index_cast %scan3A_933 : i32 to index
        %get3A_1020 = arith.constant 96 : index
        %get3A_1021 = tpu.vector_load %arg8[%get3A_1018, %get3A_1019, %get3A_1020] {strides = array<i32>} : memref<8x32x128xf32, #tpu.memory_space<vmem>>, vector<1x1x16xf32>,
        %get3A_1022 = vector.shape_cast %get3A_1021 : vector<1x1x16xf32> to vector<16xf32>
        %add3A_1023 = arith.addf %get3A_1022, %get3A_485 : vector<16xf32>
        %swap3A_1024 = arith.constant 2 : i32
        %swap3A_1025 = arith.index_cast %swap3A_1024 : i32 to index
        %swap3A_1026 = arith.index_cast %scan3A_933 : i32 to index
        %swap3A_1027 = arith.constant 96 : index
        %swap3A_1028 = tpu.vector_load %arg8[%swap3A_1025, %swap3A_1026, %swap3A_1027] {strides = array<i32>} : memref<8x32x128xf32, #tpu.memory_space<vmem>>, vector<1x1x16xf32>,
        %swap3A_1029 = vector.shape_cast %swap3A_1028 : vector<1x1x16xf32> to vector<16xf32>
        %swap3A_1030 = vector.shape_cast %add3A_1023 : vector<16xf32> to vector<1x1x16xf32>
        tpu.vector_store %arg8[%swap3A_1025, %swap3A_1026, %swap3A_1027], %swap3A_1030 {strides = array<i32>} : memref<8x32x128xf32, #tpu.memory_space<vmem>>, vector<1x1x16xf32>,
        %get3A_1031 = arith.constant 2 : i32
        %get3A_1032 = arith.index_cast %get3A_1031 : i32 to index
        %get3A_1033 = arith.index_cast %scan3A_933 : i32 to index
        %get3A_1034 = arith.constant 112 : index
        %get3A_1035 = tpu.vector_load %arg8[%get3A_1032, %get3A_1033, %get3A_1034] {strides = array<i32>} : memref<8x32x128xf32, #tpu.memory_space<vmem>>, vector<1x1x16xf32>,
        %get3A_1036 = vector.shape_cast %get3A_1035 : vector<1x1x16xf32> to vector<16xf32>
        %add3A_1037 = arith.addf %get3A_1036, %get3A_489 : vector<16xf32>
        %swap3A_1038 = arith.constant 2 : i32
        %swap3A_1039 = arith.index_cast %swap3A_1038 : i32 to index
        %swap3A_1040 = arith.index_cast %scan3A_933 : i32 to index
        %swap3A_1041 = arith.constant 112 : index
        %swap3A_1042 = tpu.vector_load %arg8[%swap3A_1039, %swap3A_1040, %swap3A_1041] {strides = array<i32>} : memref<8x32x128xf32, #tpu.memory_space<vmem>>, vector<1x1x16xf32>,
        %swap3A_1043 = vector.shape_cast %swap3A_1042 : vector<1x1x16xf32> to vector<16xf32>
        %swap3A_1044 = vector.shape_cast %add3A_1037 : vector<16xf32> to vector<1x1x16xf32>
        tpu.vector_store %arg8[%swap3A_1039, %swap3A_1040, %swap3A_1041], %swap3A_1044 {strides = array<i32>} : memref<8x32x128xf32, #tpu.memory_space<vmem>>, vector<1x1x16xf32>,
      }
      %scan3A_494 = arith.constant 32 : i32
      %dma_start3A_495 = arith.constant 2 : i32
      %dma_start3A_496 = arith.constant 2 : i32
      %dma_start3A_497 = arith.constant 0 : i32
      %dma_start3A_498 = arith.constant 0 : i32
      %dma_start3A_499 = tpu.memref_slice %arg8[%dma_start3A_495, %dma_start3A_497, %dma_start3A_498] : memref<8x32x128xf32, #tpu.memory_space<vmem>> -> memref<1x32x128xf32, #tpu.memory_space<vmem>>
      %dma_start3A_500 = tpu.memref_squeeze %dma_start3A_499 : memref<1x32x128xf32, #tpu.memory_space<vmem>> -> memref<32x128xf32, #tpu.memory_space<vmem>>
      %dma_start3A_501 = arith.constant 0 : i32
      %dma_start3A_502 = tpu.memref_slice %arg5[%mul3A_2, %add3A_432, %dma_start3A_501] : memref<1024x200x128xf32, #tpu.memory_space<hbm>> -> memref<32x1x128xf32, #tpu.memory_space<hbm>>
      %dma_start3A_503 = tpu.memref_squeeze %dma_start3A_502 : memref<32x1x128xf32, #tpu.memory_space<hbm>> -> memref<32x128xf32, #tpu.memory_space<hbm>>
      %dma_start3A_504 = tpu.memref_slice %arg10[%dma_start3A_496] : memref<8x!tpu.dma_semaphore, #tpu.memory_space<semaphore_mem>> -> memref<1x!tpu.dma_semaphore, #tpu.memory_space<semaphore_mem>>
      %dma_start3A_505 = tpu.memref_squeeze %dma_start3A_504 : memref<1x!tpu.dma_semaphore, #tpu.memory_space<semaphore_mem>> -> memref<!tpu.dma_semaphore, #tpu.memory_space<semaphore_mem>>
      %dma_start3A_506 = arith.constant 0 : i32
      %dma_start3A_507 = tpu.memref_slice %arg5[%mul3A_2, %add3A_432, %dma_start3A_506] : memref<1024x200x128xf32, #tpu.memory_space<hbm>> -> memref<32x1x128xf32, #tpu.memory_space<hbm>>
      %dma_start3A_508 = tpu.memref_squeeze %dma_start3A_507 : memref<32x1x128xf32, #tpu.memory_space<hbm>> -> memref<32x128xf32, #tpu.memory_space<hbm>>
      %dma_start3A_509 = arith.constant 0 : i32
      %dma_start3A_510 = arith.constant 0 : i32
      %dma_start3A_511 = tpu.memref_slice %arg8[%dma_start3A_495, %dma_start3A_509, %dma_start3A_510] : memref<8x32x128xf32, #tpu.memory_space<vmem>> -> memref<1x32x128xf32, #tpu.memory_space<vmem>>
      %dma_start3A_512 = tpu.memref_squeeze %dma_start3A_511 : memref<1x32x128xf32, #tpu.memory_space<vmem>> -> memref<32x128xf32, #tpu.memory_space<vmem>>
      tpu.enqueue_dma source(%dma_start3A_512 : memref<32x128xf32, #tpu.memory_space<vmem>>) target(%dma_start3A_508 : memref<32x128xf32, #tpu.memory_space<hbm>>) target_semaphore(%dma_start3A_505 : memref<!tpu.dma_semaphore, #tpu.memory_space<semaphore_mem>>)
      %mul3A_513 = arith.constant 8 : i32
      %mul3A_514 = arith.muli %scan3A_264, %mul3A_513 : i32
      %add3A_515 = arith.constant 3 : i32
      %add3A_516 = arith.addi %mul3A_514, %add3A_515 : i32
      %add3A_517 = arith.constant 6 : i32
      %add3A_518 = arith.addi %add3A_516, %add3A_517 : i32
      %lt3A_519 = arith.constant 200 : i32
      %lt3A_520 = arith.cmpi slt, %add3A_518, %lt3A_519 : i32
      %convert_element_type3A_521 = arith.extui %lt3A_520 : i1 to i32
      %cond3A_522 = arith.constant 0 : i32
      %cond3A_523 = arith.cmpi ne, %convert_element_type3A_521, %cond3A_522 : i32
      scf.if %cond3A_523 {
        %add3A_933 = arith.constant 6 : i32
        %add3A_934 = arith.addi %add3A_516, %add3A_933 : i32
        %ge3A = arith.constant 8 : i32
        %ge3A_935 = arith.cmpi sge, %add3A_934, %ge3A : i32
        %convert_element_type3A_936 = arith.extui %ge3A_935 : i1 to i32
        %cond3A_937 = arith.constant 0 : i32
        %cond3A_938 = arith.cmpi ne, %convert_element_type3A_936, %cond3A_937 : i32
        scf.if %cond3A_938 {
          %add3A_965 = arith.constant 6 : i32
          %add3A_966 = arith.addi %add3A_516, %add3A_965 : i32
          %jit3A_967 = arith.constant 8 : i32
          %eq3A_968 = arith.constant 0 : i32
          %eq3A_969 = arith.cmpi eq, %jit3A_967, %eq3A_968 : i32
          %jit3A_970 = arith.constant 1 : i32
          %select_n3A_971 = arith.select %eq3A_969, %jit3A_970, %jit3A_967 : i32
          %rem3A_972 = arith.remsi %add3A_966, %select_n3A_971 : i32
          %ne3A_973 = arith.constant 0 : i32
          %ne3A_974 = arith.cmpi ne, %rem3A_972, %ne3A_973 : i32
          %lt3A_975 = arith.constant 0 : i32
          %lt3A_976 = arith.cmpi slt, %rem3A_972, %lt3A_975 : i32
          %lt3A_977 = arith.constant 0 : i32
          %lt3A_978 = arith.cmpi slt, %select_n3A_971, %lt3A_977 : i32
          %ne3A_979 = arith.xori %lt3A_976, %lt3A_978 : i1
          %and3A_980 = arith.andi %ne3A_979, %ne3A_974 : i1
          %add3A_981 = arith.addi %rem3A_972, %select_n3A_971 : i32
          %select_n3A_982 = arith.select %and3A_980, %add3A_981, %rem3A_972 : i32
          %dma_wait3A_983 = arith.constant 0 : i32
          %dma_wait3A_984 = arith.constant 0 : i32
          %dma_wait3A_985 = arith.constant 0 : i32
          %dma_wait3A_986 = tpu.memref_slice %arg8[%select_n3A_982, %dma_wait3A_984, %dma_wait3A_985] : memref<8x32x128xf32, #tpu.memory_space<vmem>> -> memref<1x32x128xf32, #tpu.memory_space<vmem>>
          %dma_wait3A_987 = tpu.memref_squeeze %dma_wait3A_986 : memref<1x32x128xf32, #tpu.memory_space<vmem>> -> memref<32x128xf32, #tpu.memory_space<vmem>>
          %dma_wait3A_988 = arith.constant 0 : i32
          %dma_wait3A_989 = arith.constant 0 : i32
          %dma_wait3A_990 = tpu.memref_slice %arg5[%dma_wait3A_988, %dma_wait3A_983, %dma_wait3A_989] : memref<1024x200x128xf32, #tpu.memory_space<hbm>> -> memref<32x1x128xf32, #tpu.memory_space<hbm>>
          %dma_wait3A_991 = tpu.memref_squeeze %dma_wait3A_990 : memref<32x1x128xf32, #tpu.memory_space<hbm>> -> memref<32x128xf32, #tpu.memory_space<hbm>>
          %dma_wait3A_992 = tpu.memref_slice %arg10[%select_n3A_982] : memref<8x!tpu.dma_semaphore, #tpu.memory_space<semaphore_mem>> -> memref<1x!tpu.dma_semaphore, #tpu.memory_space<semaphore_mem>>
          %dma_wait3A_993 = tpu.memref_squeeze %dma_wait3A_992 : memref<1x!tpu.dma_semaphore, #tpu.memory_space<semaphore_mem>> -> memref<!tpu.dma_semaphore, #tpu.memory_space<semaphore_mem>>
          %dma_wait3A_994 = arith.constant 0 : i32
          %dma_wait3A_995 = arith.constant 0 : i32
          %dma_wait3A_996 = tpu.memref_slice %arg5[%dma_wait3A_994, %dma_wait3A_983, %dma_wait3A_995] : memref<1024x200x128xf32, #tpu.memory_space<hbm>> -> memref<32x1x128xf32, #tpu.memory_space<hbm>>
          %dma_wait3A_997 = tpu.memref_squeeze %dma_wait3A_996 : memref<32x1x128xf32, #tpu.memory_space<hbm>> -> memref<32x128xf32, #tpu.memory_space<hbm>>
          %dma_wait3A_998 = arith.constant 0 : i32
          %dma_wait3A_999 = arith.constant 0 : i32
          %dma_wait3A_1000 = tpu.memref_slice %arg8[%select_n3A_982, %dma_wait3A_998, %dma_wait3A_999] : memref<8x32x128xf32, #tpu.memory_space<vmem>> -> memref<1x32x128xf32, #tpu.memory_space<vmem>>
          %dma_wait3A_1001 = tpu.memref_squeeze %dma_wait3A_1000 : memref<1x32x128xf32, #tpu.memory_space<vmem>> -> memref<32x128xf32, #tpu.memory_space<vmem>>
          tpu.wait_dma2 semaphore(%dma_wait3A_993 : memref<!tpu.dma_semaphore, #tpu.memory_space<semaphore_mem>>) src(%dma_wait3A_1001 : memref<32x128xf32, #tpu.memory_space<vmem>>) dst(%dma_wait3A_997 : memref<32x128xf32, #tpu.memory_space<hbm>>)
        } else {
        }
        %add3A_939 = arith.constant 6 : i32
        %add3A_940 = arith.addi %add3A_516, %add3A_939 : i32
        %add3A_941 = arith.constant 6 : i32
        %add3A_942 = arith.addi %add3A_516, %add3A_941 : i32
        %jit3A = arith.constant 8 : i32
        %eq3A = arith.constant 0 : i32
        %eq3A_943 = arith.cmpi eq, %jit3A, %eq3A : i32
        %jit3A_944 = arith.constant 1 : i32
        %select_n3A = arith.select %eq3A_943, %jit3A_944, %jit3A : i32
        %rem3A = arith.remsi %add3A_942, %select_n3A : i32
        %ne3A = arith.constant 0 : i32
        %ne3A_945 = arith.cmpi ne, %rem3A, %ne3A : i32
        %lt3A_946 = arith.constant 0 : i32
        %lt3A_947 = arith.cmpi slt, %rem3A, %lt3A_946 : i32
        %lt3A_948 = arith.constant 0 : i32
        %lt3A_949 = arith.cmpi slt, %select_n3A, %lt3A_948 : i32
        %ne3A_950 = arith.xori %lt3A_947, %lt3A_949 : i1
        %and3A = arith.andi %ne3A_950, %ne3A_945 : i1
        %add3A_951 = arith.addi %rem3A, %select_n3A : i32
        %select_n3A_952 = arith.select %and3A, %add3A_951, %rem3A : i32
        %dma_start3A_953 = arith.constant 0 : i32
        %dma_start3A_954 = arith.constant 0 : i32
        %dma_start3A_955 = tpu.memref_slice %arg8[%select_n3A_952, %dma_start3A_953, %dma_start3A_954] : memref<8x32x128xf32, #tpu.memory_space<vmem>> -> memref<1x32x128xf32, #tpu.memory_space<vmem>>
        %dma_start3A_956 = tpu.memref_squeeze %dma_start3A_955 : memref<1x32x128xf32, #tpu.memory_space<vmem>> -> memref<32x128xf32, #tpu.memory_space<vmem>>
        %dma_start3A_957 = arith.constant 0 : i32
        %dma_start3A_958 = tpu.memref_slice %arg7[%add3A_940, %dma_start3A_957] : memref<200x32xi32, #tpu.memory_space<vmem>> -> memref<1x32xi32, #tpu.memory_space<vmem>>
        %dma_start3A_959 = tpu.memref_squeeze %dma_start3A_958 : memref<1x32xi32, #tpu.memory_space<vmem>> -> memref<32xi32, #tpu.memory_space<vmem>>
        %dma_start3A_960 = arith.constant 0 : i32
        %dma_start3A_961 = arith.constant 0 : i32
        %dma_start3A_962 = tpu.memref_slice %arg3[%dma_start3A_960, %dma_start3A_961] : memref<100000x128xf32, #tpu.memory_space<hbm>> -> memref<100000x128xf32, #tpu.memory_space<hbm>>
        %dma_start3A_963 = tpu.memref_slice %arg9[%select_n3A_952] : memref<8x!tpu.dma_semaphore, #tpu.memory_space<semaphore_mem>> -> memref<1x!tpu.dma_semaphore, #tpu.memory_space<semaphore_mem>>
        %dma_start3A_964 = tpu.memref_squeeze %dma_start3A_963 : memref<1x!tpu.dma_semaphore, #tpu.memory_space<semaphore_mem>> -> memref<!tpu.dma_semaphore, #tpu.memory_space<semaphore_mem>>
        tpu.enqueue_indirect_dma source(%dma_start3A_962 : memref<100000x128xf32, #tpu.memory_space<hbm>>) target(%dma_start3A_956 : memref<32x128xf32, #tpu.memory_space<vmem>>) offsets(%dma_start3A_959 : memref<32xi32, #tpu.memory_space<vmem>>) semaphore(%dma_start3A_964 : memref<!tpu.dma_semaphore, #tpu.memory_space<semaphore_mem>>)
      } else {
      }
      %dma_wait3A_524 = arith.constant 3 : i32
      %dma_wait3A_525 = arith.constant 3 : i32
      %dma_wait3A_526 = arith.constant 0 : i32
      %dma_wait3A_527 = arith.constant 0 : i32
      %dma_wait3A_528 = tpu.memref_slice %arg8[%dma_wait3A_524, %dma_wait3A_526, %dma_wait3A_527] : memref<8x32x128xf32, #tpu.memory_space<vmem>> -> memref<1x32x128xf32, #tpu.memory_space<vmem>>
      %dma_wait3A_529 = tpu.memref_squeeze %dma_wait3A_528 : memref<1x32x128xf32, #tpu.memory_space<vmem>> -> memref<32x128xf32, #tpu.memory_space<vmem>>
      %dma_wait3A_530 = arith.constant 0 : i32
      %dma_wait3A_531 = arith.constant 0 : i32
      %dma_wait3A_532 = tpu.memref_slice %arg3[%dma_wait3A_530, %dma_wait3A_531] : memref<100000x128xf32, #tpu.memory_space<hbm>> -> memref<32x128xf32, #tpu.memory_space<hbm>>
      %dma_wait3A_533 = tpu.memref_slice %arg9[%dma_wait3A_525] : memref<8x!tpu.dma_semaphore, #tpu.memory_space<semaphore_mem>> -> memref<1x!tpu.dma_semaphore, #tpu.memory_space<semaphore_mem>>
      %dma_wait3A_534 = tpu.memref_squeeze %dma_wait3A_533 : memref<1x!tpu.dma_semaphore, #tpu.memory_space<semaphore_mem>> -> memref<!tpu.dma_semaphore, #tpu.memory_space<semaphore_mem>>
      %dma_wait3A_535 = arith.constant 0 : i32
      %dma_wait3A_536 = arith.constant 0 : i32
      %dma_wait3A_537 = tpu.memref_slice %arg8[%dma_wait3A_524, %dma_wait3A_535, %dma_wait3A_536] : memref<8x32x128xf32, #tpu.memory_space<vmem>> -> memref<1x32x128xf32, #tpu.memory_space<vmem>>
      %dma_wait3A_538 = tpu.memref_squeeze %dma_wait3A_537 : memref<1x32x128xf32, #tpu.memory_space<vmem>> -> memref<32x128xf32, #tpu.memory_space<vmem>>
      %dma_wait3A_539 = arith.constant 0 : i32
      %dma_wait3A_540 = arith.constant 0 : i32
      %dma_wait3A_541 = tpu.memref_slice %arg3[%dma_wait3A_539, %dma_wait3A_540] : memref<100000x128xf32, #tpu.memory_space<hbm>> -> memref<32x128xf32, #tpu.memory_space<hbm>>
      tpu.wait_dma2 semaphore(%dma_wait3A_534 : memref<!tpu.dma_semaphore, #tpu.memory_space<semaphore_mem>>) src(%dma_wait3A_541 : memref<32x128xf32, #tpu.memory_space<hbm>>) dst(%dma_wait3A_538 : memref<32x128xf32, #tpu.memory_space<vmem>>)
      %get3A_542 = arith.index_cast %add3A_516 : i32 to index
      %get3A_543 = arith.constant 0 : index
      %get3A_544 = tpu.vector_load %arg6[%get3A_542, %get3A_543] {strides = array<i32>} : memref<200x128xf32, #tpu.memory_space<vmem>>, vector<1x16xf32>,
      %get3A_545 = vector.shape_cast %get3A_544 : vector<1x16xf32> to vector<16xf32>
      %get3A_546 = arith.index_cast %add3A_516 : i32 to index
      %get3A_547 = arith.constant 16 : index
      %get3A_548 = tpu.vector_load %arg6[%get3A_546, %get3A_547] {strides = array<i32>} : memref<200x128xf32, #tpu.memory_space<vmem>>, vector<1x16xf32>,
      %get3A_549 = vector.shape_cast %get3A_548 : vector<1x16xf32> to vector<16xf32>
      %get3A_550 = arith.index_cast %add3A_516 : i32 to index
      %get3A_551 = arith.constant 32 : index
      %get3A_552 = tpu.vector_load %arg6[%get3A_550, %get3A_551] {strides = array<i32>} : memref<200x128xf32, #tpu.memory_space<vmem>>, vector<1x16xf32>,
      %get3A_553 = vector.shape_cast %get3A_552 : vector<1x16xf32> to vector<16xf32>
      %get3A_554 = arith.index_cast %add3A_516 : i32 to index
      %get3A_555 = arith.constant 48 : index
      %get3A_556 = tpu.vector_load %arg6[%get3A_554, %get3A_555] {strides = array<i32>} : memref<200x128xf32, #tpu.memory_space<vmem>>, vector<1x16xf32>,
      %get3A_557 = vector.shape_cast %get3A_556 : vector<1x16xf32> to vector<16xf32>
      %get3A_558 = arith.index_cast %add3A_516 : i32 to index
      %get3A_559 = arith.constant 64 : index
      %get3A_560 = tpu.vector_load %arg6[%get3A_558, %get3A_559] {strides = array<i32>} : memref<200x128xf32, #tpu.memory_space<vmem>>, vector<1x16xf32>,
      %get3A_561 = vector.shape_cast %get3A_560 : vector<1x16xf32> to vector<16xf32>
      %get3A_562 = arith.index_cast %add3A_516 : i32 to index
      %get3A_563 = arith.constant 80 : index
      %get3A_564 = tpu.vector_load %arg6[%get3A_562, %get3A_563] {strides = array<i32>} : memref<200x128xf32, #tpu.memory_space<vmem>>, vector<1x16xf32>,
      %get3A_565 = vector.shape_cast %get3A_564 : vector<1x16xf32> to vector<16xf32>
      %get3A_566 = arith.index_cast %add3A_516 : i32 to index
      %get3A_567 = arith.constant 96 : index
      %get3A_568 = tpu.vector_load %arg6[%get3A_566, %get3A_567] {strides = array<i32>} : memref<200x128xf32, #tpu.memory_space<vmem>>, vector<1x16xf32>,
      %get3A_569 = vector.shape_cast %get3A_568 : vector<1x16xf32> to vector<16xf32>
      %get3A_570 = arith.index_cast %add3A_516 : i32 to index
      %get3A_571 = arith.constant 112 : index
      %get3A_572 = tpu.vector_load %arg6[%get3A_570, %get3A_571] {strides = array<i32>} : memref<200x128xf32, #tpu.memory_space<vmem>>, vector<1x16xf32>,
      %get3A_573 = vector.shape_cast %get3A_572 : vector<1x16xf32> to vector<16xf32>
      %scan3A_574 = arith.constant 0 : i32
      %scan3A_575 = arith.constant 32 : i32
      %scan3A_576 = arith.addi %scan3A_574, %scan3A_575 : i32
      %scan3A_577 = arith.constant 1 : i32
      scf.for %scan3A_933 = %scan3A_574 to %scan3A_576 step %scan3A_577  : i32 {
        %get3A_934 = arith.constant 3 : i32
        %get3A_935 = arith.index_cast %get3A_934 : i32 to index
        %get3A_936 = arith.index_cast %scan3A_933 : i32 to index
        %get3A_937 = arith.constant 0 : index
        %get3A_938 = tpu.vector_load %arg8[%get3A_935, %get3A_936, %get3A_937] {strides = array<i32>} : memref<8x32x128xf32, #tpu.memory_space<vmem>>, vector<1x1x16xf32>,
        %get3A_939 = vector.shape_cast %get3A_938 : vector<1x1x16xf32> to vector<16xf32>
        %add3A_940 = arith.addf %get3A_939, %get3A_545 : vector<16xf32>
        %swap3A = arith.constant 3 : i32
        %swap3A_941 = arith.index_cast %swap3A : i32 to index
        %swap3A_942 = arith.index_cast %scan3A_933 : i32 to index
        %swap3A_943 = arith.constant 0 : index
        %swap3A_944 = tpu.vector_load %arg8[%swap3A_941, %swap3A_942, %swap3A_943] {strides = array<i32>} : memref<8x32x128xf32, #tpu.memory_space<vmem>>, vector<1x1x16xf32>,
        %swap3A_945 = vector.shape_cast %swap3A_944 : vector<1x1x16xf32> to vector<16xf32>
        %swap3A_946 = vector.shape_cast %add3A_940 : vector<16xf32> to vector<1x1x16xf32>
        tpu.vector_store %arg8[%swap3A_941, %swap3A_942, %swap3A_943], %swap3A_946 {strides = array<i32>} : memref<8x32x128xf32, #tpu.memory_space<vmem>>, vector<1x1x16xf32>,
        %get3A_947 = arith.constant 3 : i32
        %get3A_948 = arith.index_cast %get3A_947 : i32 to index
        %get3A_949 = arith.index_cast %scan3A_933 : i32 to index
        %get3A_950 = arith.constant 16 : index
        %get3A_951 = tpu.vector_load %arg8[%get3A_948, %get3A_949, %get3A_950] {strides = array<i32>} : memref<8x32x128xf32, #tpu.memory_space<vmem>>, vector<1x1x16xf32>,
        %get3A_952 = vector.shape_cast %get3A_951 : vector<1x1x16xf32> to vector<16xf32>
        %add3A_953 = arith.addf %get3A_952, %get3A_549 : vector<16xf32>
        %swap3A_954 = arith.constant 3 : i32
        %swap3A_955 = arith.index_cast %swap3A_954 : i32 to index
        %swap3A_956 = arith.index_cast %scan3A_933 : i32 to index
        %swap3A_957 = arith.constant 16 : index
        %swap3A_958 = tpu.vector_load %arg8[%swap3A_955, %swap3A_956, %swap3A_957] {strides = array<i32>} : memref<8x32x128xf32, #tpu.memory_space<vmem>>, vector<1x1x16xf32>,
        %swap3A_959 = vector.shape_cast %swap3A_958 : vector<1x1x16xf32> to vector<16xf32>
        %swap3A_960 = vector.shape_cast %add3A_953 : vector<16xf32> to vector<1x1x16xf32>
        tpu.vector_store %arg8[%swap3A_955, %swap3A_956, %swap3A_957], %swap3A_960 {strides = array<i32>} : memref<8x32x128xf32, #tpu.memory_space<vmem>>, vector<1x1x16xf32>,
        %get3A_961 = arith.constant 3 : i32
        %get3A_962 = arith.index_cast %get3A_961 : i32 to index
        %get3A_963 = arith.index_cast %scan3A_933 : i32 to index
        %get3A_964 = arith.constant 32 : index
        %get3A_965 = tpu.vector_load %arg8[%get3A_962, %get3A_963, %get3A_964] {strides = array<i32>} : memref<8x32x128xf32, #tpu.memory_space<vmem>>, vector<1x1x16xf32>,
        %get3A_966 = vector.shape_cast %get3A_965 : vector<1x1x16xf32> to vector<16xf32>
        %add3A_967 = arith.addf %get3A_966, %get3A_553 : vector<16xf32>
        %swap3A_968 = arith.constant 3 : i32
        %swap3A_969 = arith.index_cast %swap3A_968 : i32 to index
        %swap3A_970 = arith.index_cast %scan3A_933 : i32 to index
        %swap3A_971 = arith.constant 32 : index
        %swap3A_972 = tpu.vector_load %arg8[%swap3A_969, %swap3A_970, %swap3A_971] {strides = array<i32>} : memref<8x32x128xf32, #tpu.memory_space<vmem>>, vector<1x1x16xf32>,
        %swap3A_973 = vector.shape_cast %swap3A_972 : vector<1x1x16xf32> to vector<16xf32>
        %swap3A_974 = vector.shape_cast %add3A_967 : vector<16xf32> to vector<1x1x16xf32>
        tpu.vector_store %arg8[%swap3A_969, %swap3A_970, %swap3A_971], %swap3A_974 {strides = array<i32>} : memref<8x32x128xf32, #tpu.memory_space<vmem>>, vector<1x1x16xf32>,
        %get3A_975 = arith.constant 3 : i32
        %get3A_976 = arith.index_cast %get3A_975 : i32 to index
        %get3A_977 = arith.index_cast %scan3A_933 : i32 to index
        %get3A_978 = arith.constant 48 : index
        %get3A_979 = tpu.vector_load %arg8[%get3A_976, %get3A_977, %get3A_978] {strides = array<i32>} : memref<8x32x128xf32, #tpu.memory_space<vmem>>, vector<1x1x16xf32>,
        %get3A_980 = vector.shape_cast %get3A_979 : vector<1x1x16xf32> to vector<16xf32>
        %add3A_981 = arith.addf %get3A_980, %get3A_557 : vector<16xf32>
        %swap3A_982 = arith.constant 3 : i32
        %swap3A_983 = arith.index_cast %swap3A_982 : i32 to index
        %swap3A_984 = arith.index_cast %scan3A_933 : i32 to index
        %swap3A_985 = arith.constant 48 : index
        %swap3A_986 = tpu.vector_load %arg8[%swap3A_983, %swap3A_984, %swap3A_985] {strides = array<i32>} : memref<8x32x128xf32, #tpu.memory_space<vmem>>, vector<1x1x16xf32>,
        %swap3A_987 = vector.shape_cast %swap3A_986 : vector<1x1x16xf32> to vector<16xf32>
        %swap3A_988 = vector.shape_cast %add3A_981 : vector<16xf32> to vector<1x1x16xf32>
        tpu.vector_store %arg8[%swap3A_983, %swap3A_984, %swap3A_985], %swap3A_988 {strides = array<i32>} : memref<8x32x128xf32, #tpu.memory_space<vmem>>, vector<1x1x16xf32>,
        %get3A_989 = arith.constant 3 : i32
        %get3A_990 = arith.index_cast %get3A_989 : i32 to index
        %get3A_991 = arith.index_cast %scan3A_933 : i32 to index
        %get3A_992 = arith.constant 64 : index
        %get3A_993 = tpu.vector_load %arg8[%get3A_990, %get3A_991, %get3A_992] {strides = array<i32>} : memref<8x32x128xf32, #tpu.memory_space<vmem>>, vector<1x1x16xf32>,
        %get3A_994 = vector.shape_cast %get3A_993 : vector<1x1x16xf32> to vector<16xf32>
        %add3A_995 = arith.addf %get3A_994, %get3A_561 : vector<16xf32>
        %swap3A_996 = arith.constant 3 : i32
        %swap3A_997 = arith.index_cast %swap3A_996 : i32 to index
        %swap3A_998 = arith.index_cast %scan3A_933 : i32 to index
        %swap3A_999 = arith.constant 64 : index
        %swap3A_1000 = tpu.vector_load %arg8[%swap3A_997, %swap3A_998, %swap3A_999] {strides = array<i32>} : memref<8x32x128xf32, #tpu.memory_space<vmem>>, vector<1x1x16xf32>,
        %swap3A_1001 = vector.shape_cast %swap3A_1000 : vector<1x1x16xf32> to vector<16xf32>
        %swap3A_1002 = vector.shape_cast %add3A_995 : vector<16xf32> to vector<1x1x16xf32>
        tpu.vector_store %arg8[%swap3A_997, %swap3A_998, %swap3A_999], %swap3A_1002 {strides = array<i32>} : memref<8x32x128xf32, #tpu.memory_space<vmem>>, vector<1x1x16xf32>,
        %get3A_1003 = arith.constant 3 : i32
        %get3A_1004 = arith.index_cast %get3A_1003 : i32 to index
        %get3A_1005 = arith.index_cast %scan3A_933 : i32 to index
        %get3A_1006 = arith.constant 80 : index
        %get3A_1007 = tpu.vector_load %arg8[%get3A_1004, %get3A_1005, %get3A_1006] {strides = array<i32>} : memref<8x32x128xf32, #tpu.memory_space<vmem>>, vector<1x1x16xf32>,
        %get3A_1008 = vector.shape_cast %get3A_1007 : vector<1x1x16xf32> to vector<16xf32>
        %add3A_1009 = arith.addf %get3A_1008, %get3A_565 : vector<16xf32>
        %swap3A_1010 = arith.constant 3 : i32
        %swap3A_1011 = arith.index_cast %swap3A_1010 : i32 to index
        %swap3A_1012 = arith.index_cast %scan3A_933 : i32 to index
        %swap3A_1013 = arith.constant 80 : index
        %swap3A_1014 = tpu.vector_load %arg8[%swap3A_1011, %swap3A_1012, %swap3A_1013] {strides = array<i32>} : memref<8x32x128xf32, #tpu.memory_space<vmem>>, vector<1x1x16xf32>,
        %swap3A_1015 = vector.shape_cast %swap3A_1014 : vector<1x1x16xf32> to vector<16xf32>
        %swap3A_1016 = vector.shape_cast %add3A_1009 : vector<16xf32> to vector<1x1x16xf32>
        tpu.vector_store %arg8[%swap3A_1011, %swap3A_1012, %swap3A_1013], %swap3A_1016 {strides = array<i32>} : memref<8x32x128xf32, #tpu.memory_space<vmem>>, vector<1x1x16xf32>,
        %get3A_1017 = arith.constant 3 : i32
        %get3A_1018 = arith.index_cast %get3A_1017 : i32 to index
        %get3A_1019 = arith.index_cast %scan3A_933 : i32 to index
        %get3A_1020 = arith.constant 96 : index
        %get3A_1021 = tpu.vector_load %arg8[%get3A_1018, %get3A_1019, %get3A_1020] {strides = array<i32>} : memref<8x32x128xf32, #tpu.memory_space<vmem>>, vector<1x1x16xf32>,
        %get3A_1022 = vector.shape_cast %get3A_1021 : vector<1x1x16xf32> to vector<16xf32>
        %add3A_1023 = arith.addf %get3A_1022, %get3A_569 : vector<16xf32>
        %swap3A_1024 = arith.constant 3 : i32
        %swap3A_1025 = arith.index_cast %swap3A_1024 : i32 to index
        %swap3A_1026 = arith.index_cast %scan3A_933 : i32 to index
        %swap3A_1027 = arith.constant 96 : index
        %swap3A_1028 = tpu.vector_load %arg8[%swap3A_1025, %swap3A_1026, %swap3A_1027] {strides = array<i32>} : memref<8x32x128xf32, #tpu.memory_space<vmem>>, vector<1x1x16xf32>,
        %swap3A_1029 = vector.shape_cast %swap3A_1028 : vector<1x1x16xf32> to vector<16xf32>
        %swap3A_1030 = vector.shape_cast %add3A_1023 : vector<16xf32> to vector<1x1x16xf32>
        tpu.vector_store %arg8[%swap3A_1025, %swap3A_1026, %swap3A_1027], %swap3A_1030 {strides = array<i32>} : memref<8x32x128xf32, #tpu.memory_space<vmem>>, vector<1x1x16xf32>,
        %get3A_1031 = arith.constant 3 : i32
        %get3A_1032 = arith.index_cast %get3A_1031 : i32 to index
        %get3A_1033 = arith.index_cast %scan3A_933 : i32 to index
        %get3A_1034 = arith.constant 112 : index
        %get3A_1035 = tpu.vector_load %arg8[%get3A_1032, %get3A_1033, %get3A_1034] {strides = array<i32>} : memref<8x32x128xf32, #tpu.memory_space<vmem>>, vector<1x1x16xf32>,
        %get3A_1036 = vector.shape_cast %get3A_1035 : vector<1x1x16xf32> to vector<16xf32>
        %add3A_1037 = arith.addf %get3A_1036, %get3A_573 : vector<16xf32>
        %swap3A_1038 = arith.constant 3 : i32
        %swap3A_1039 = arith.index_cast %swap3A_1038 : i32 to index
        %swap3A_1040 = arith.index_cast %scan3A_933 : i32 to index
        %swap3A_1041 = arith.constant 112 : index
        %swap3A_1042 = tpu.vector_load %arg8[%swap3A_1039, %swap3A_1040, %swap3A_1041] {strides = array<i32>} : memref<8x32x128xf32, #tpu.memory_space<vmem>>, vector<1x1x16xf32>,
        %swap3A_1043 = vector.shape_cast %swap3A_1042 : vector<1x1x16xf32> to vector<16xf32>
        %swap3A_1044 = vector.shape_cast %add3A_1037 : vector<16xf32> to vector<1x1x16xf32>
        tpu.vector_store %arg8[%swap3A_1039, %swap3A_1040, %swap3A_1041], %swap3A_1044 {strides = array<i32>} : memref<8x32x128xf32, #tpu.memory_space<vmem>>, vector<1x1x16xf32>,
      }
      %scan3A_578 = arith.constant 32 : i32
      %dma_start3A_579 = arith.constant 3 : i32
      %dma_start3A_580 = arith.constant 3 : i32
      %dma_start3A_581 = arith.constant 0 : i32
      %dma_start3A_582 = arith.constant 0 : i32
      %dma_start3A_583 = tpu.memref_slice %arg8[%dma_start3A_579, %dma_start3A_581, %dma_start3A_582] : memref<8x32x128xf32, #tpu.memory_space<vmem>> -> memref<1x32x128xf32, #tpu.memory_space<vmem>>
      %dma_start3A_584 = tpu.memref_squeeze %dma_start3A_583 : memref<1x32x128xf32, #tpu.memory_space<vmem>> -> memref<32x128xf32, #tpu.memory_space<vmem>>
      %dma_start3A_585 = arith.constant 0 : i32
      %dma_start3A_586 = tpu.memref_slice %arg5[%mul3A_2, %add3A_516, %dma_start3A_585] : memref<1024x200x128xf32, #tpu.memory_space<hbm>> -> memref<32x1x128xf32, #tpu.memory_space<hbm>>
      %dma_start3A_587 = tpu.memref_squeeze %dma_start3A_586 : memref<32x1x128xf32, #tpu.memory_space<hbm>> -> memref<32x128xf32, #tpu.memory_space<hbm>>
      %dma_start3A_588 = tpu.memref_slice %arg10[%dma_start3A_580] : memref<8x!tpu.dma_semaphore, #tpu.memory_space<semaphore_mem>> -> memref<1x!tpu.dma_semaphore, #tpu.memory_space<semaphore_mem>>
      %dma_start3A_589 = tpu.memref_squeeze %dma_start3A_588 : memref<1x!tpu.dma_semaphore, #tpu.memory_space<semaphore_mem>> -> memref<!tpu.dma_semaphore, #tpu.memory_space<semaphore_mem>>
      %dma_start3A_590 = arith.constant 0 : i32
      %dma_start3A_591 = tpu.memref_slice %arg5[%mul3A_2, %add3A_516, %dma_start3A_590] : memref<1024x200x128xf32, #tpu.memory_space<hbm>> -> memref<32x1x128xf32, #tpu.memory_space<hbm>>
      %dma_start3A_592 = tpu.memref_squeeze %dma_start3A_591 : memref<32x1x128xf32, #tpu.memory_space<hbm>> -> memref<32x128xf32, #tpu.memory_space<hbm>>
      %dma_start3A_593 = arith.constant 0 : i32
      %dma_start3A_594 = arith.constant 0 : i32
      %dma_start3A_595 = tpu.memref_slice %arg8[%dma_start3A_579, %dma_start3A_593, %dma_start3A_594] : memref<8x32x128xf32, #tpu.memory_space<vmem>> -> memref<1x32x128xf32, #tpu.memory_space<vmem>>
      %dma_start3A_596 = tpu.memref_squeeze %dma_start3A_595 : memref<1x32x128xf32, #tpu.memory_space<vmem>> -> memref<32x128xf32, #tpu.memory_space<vmem>>
      tpu.enqueue_dma source(%dma_start3A_596 : memref<32x128xf32, #tpu.memory_space<vmem>>) target(%dma_start3A_592 : memref<32x128xf32, #tpu.memory_space<hbm>>) target_semaphore(%dma_start3A_589 : memref<!tpu.dma_semaphore, #tpu.memory_space<semaphore_mem>>)
      %mul3A_597 = arith.constant 8 : i32
      %mul3A_598 = arith.muli %scan3A_264, %mul3A_597 : i32
      %add3A_599 = arith.constant 4 : i32
      %add3A_600 = arith.addi %mul3A_598, %add3A_599 : i32
      %add3A_601 = arith.constant 6 : i32
      %add3A_602 = arith.addi %add3A_600, %add3A_601 : i32
      %lt3A_603 = arith.constant 200 : i32
      %lt3A_604 = arith.cmpi slt, %add3A_602, %lt3A_603 : i32
      %convert_element_type3A_605 = arith.extui %lt3A_604 : i1 to i32
      %cond3A_606 = arith.constant 0 : i32
      %cond3A_607 = arith.cmpi ne, %convert_element_type3A_605, %cond3A_606 : i32
      scf.if %cond3A_607 {
        %add3A_933 = arith.constant 6 : i32
        %add3A_934 = arith.addi %add3A_600, %add3A_933 : i32
        %ge3A = arith.constant 8 : i32
        %ge3A_935 = arith.cmpi sge, %add3A_934, %ge3A : i32
        %convert_element_type3A_936 = arith.extui %ge3A_935 : i1 to i32
        %cond3A_937 = arith.constant 0 : i32
        %cond3A_938 = arith.cmpi ne, %convert_element_type3A_936, %cond3A_937 : i32
        scf.if %cond3A_938 {
          %add3A_965 = arith.constant 6 : i32
          %add3A_966 = arith.addi %add3A_600, %add3A_965 : i32
          %jit3A_967 = arith.constant 8 : i32
          %eq3A_968 = arith.constant 0 : i32
          %eq3A_969 = arith.cmpi eq, %jit3A_967, %eq3A_968 : i32
          %jit3A_970 = arith.constant 1 : i32
          %select_n3A_971 = arith.select %eq3A_969, %jit3A_970, %jit3A_967 : i32
          %rem3A_972 = arith.remsi %add3A_966, %select_n3A_971 : i32
          %ne3A_973 = arith.constant 0 : i32
          %ne3A_974 = arith.cmpi ne, %rem3A_972, %ne3A_973 : i32
          %lt3A_975 = arith.constant 0 : i32
          %lt3A_976 = arith.cmpi slt, %rem3A_972, %lt3A_975 : i32
          %lt3A_977 = arith.constant 0 : i32
          %lt3A_978 = arith.cmpi slt, %select_n3A_971, %lt3A_977 : i32
          %ne3A_979 = arith.xori %lt3A_976, %lt3A_978 : i1
          %and3A_980 = arith.andi %ne3A_979, %ne3A_974 : i1
          %add3A_981 = arith.addi %rem3A_972, %select_n3A_971 : i32
          %select_n3A_982 = arith.select %and3A_980, %add3A_981, %rem3A_972 : i32
          %dma_wait3A_983 = arith.constant 0 : i32
          %dma_wait3A_984 = arith.constant 0 : i32
          %dma_wait3A_985 = arith.constant 0 : i32
          %dma_wait3A_986 = tpu.memref_slice %arg8[%select_n3A_982, %dma_wait3A_984, %dma_wait3A_985] : memref<8x32x128xf32, #tpu.memory_space<vmem>> -> memref<1x32x128xf32, #tpu.memory_space<vmem>>
          %dma_wait3A_987 = tpu.memref_squeeze %dma_wait3A_986 : memref<1x32x128xf32, #tpu.memory_space<vmem>> -> memref<32x128xf32, #tpu.memory_space<vmem>>
          %dma_wait3A_988 = arith.constant 0 : i32
          %dma_wait3A_989 = arith.constant 0 : i32
          %dma_wait3A_990 = tpu.memref_slice %arg5[%dma_wait3A_988, %dma_wait3A_983, %dma_wait3A_989] : memref<1024x200x128xf32, #tpu.memory_space<hbm>> -> memref<32x1x128xf32, #tpu.memory_space<hbm>>
          %dma_wait3A_991 = tpu.memref_squeeze %dma_wait3A_990 : memref<32x1x128xf32, #tpu.memory_space<hbm>> -> memref<32x128xf32, #tpu.memory_space<hbm>>
          %dma_wait3A_992 = tpu.memref_slice %arg10[%select_n3A_982] : memref<8x!tpu.dma_semaphore, #tpu.memory_space<semaphore_mem>> -> memref<1x!tpu.dma_semaphore, #tpu.memory_space<semaphore_mem>>
          %dma_wait3A_993 = tpu.memref_squeeze %dma_wait3A_992 : memref<1x!tpu.dma_semaphore, #tpu.memory_space<semaphore_mem>> -> memref<!tpu.dma_semaphore, #tpu.memory_space<semaphore_mem>>
          %dma_wait3A_994 = arith.constant 0 : i32
          %dma_wait3A_995 = arith.constant 0 : i32
          %dma_wait3A_996 = tpu.memref_slice %arg5[%dma_wait3A_994, %dma_wait3A_983, %dma_wait3A_995] : memref<1024x200x128xf32, #tpu.memory_space<hbm>> -> memref<32x1x128xf32, #tpu.memory_space<hbm>>
          %dma_wait3A_997 = tpu.memref_squeeze %dma_wait3A_996 : memref<32x1x128xf32, #tpu.memory_space<hbm>> -> memref<32x128xf32, #tpu.memory_space<hbm>>
          %dma_wait3A_998 = arith.constant 0 : i32
          %dma_wait3A_999 = arith.constant 0 : i32
          %dma_wait3A_1000 = tpu.memref_slice %arg8[%select_n3A_982, %dma_wait3A_998, %dma_wait3A_999] : memref<8x32x128xf32, #tpu.memory_space<vmem>> -> memref<1x32x128xf32, #tpu.memory_space<vmem>>
          %dma_wait3A_1001 = tpu.memref_squeeze %dma_wait3A_1000 : memref<1x32x128xf32, #tpu.memory_space<vmem>> -> memref<32x128xf32, #tpu.memory_space<vmem>>
          tpu.wait_dma2 semaphore(%dma_wait3A_993 : memref<!tpu.dma_semaphore, #tpu.memory_space<semaphore_mem>>) src(%dma_wait3A_1001 : memref<32x128xf32, #tpu.memory_space<vmem>>) dst(%dma_wait3A_997 : memref<32x128xf32, #tpu.memory_space<hbm>>)
        } else {
        }
        %add3A_939 = arith.constant 6 : i32
        %add3A_940 = arith.addi %add3A_600, %add3A_939 : i32
        %add3A_941 = arith.constant 6 : i32
        %add3A_942 = arith.addi %add3A_600, %add3A_941 : i32
        %jit3A = arith.constant 8 : i32
        %eq3A = arith.constant 0 : i32
        %eq3A_943 = arith.cmpi eq, %jit3A, %eq3A : i32
        %jit3A_944 = arith.constant 1 : i32
        %select_n3A = arith.select %eq3A_943, %jit3A_944, %jit3A : i32
        %rem3A = arith.remsi %add3A_942, %select_n3A : i32
        %ne3A = arith.constant 0 : i32
        %ne3A_945 = arith.cmpi ne, %rem3A, %ne3A : i32
        %lt3A_946 = arith.constant 0 : i32
        %lt3A_947 = arith.cmpi slt, %rem3A, %lt3A_946 : i32
        %lt3A_948 = arith.constant 0 : i32
        %lt3A_949 = arith.cmpi slt, %select_n3A, %lt3A_948 : i32
        %ne3A_950 = arith.xori %lt3A_947, %lt3A_949 : i1
        %and3A = arith.andi %ne3A_950, %ne3A_945 : i1
        %add3A_951 = arith.addi %rem3A, %select_n3A : i32
        %select_n3A_952 = arith.select %and3A, %add3A_951, %rem3A : i32
        %dma_start3A_953 = arith.constant 0 : i32
        %dma_start3A_954 = arith.constant 0 : i32
        %dma_start3A_955 = tpu.memref_slice %arg8[%select_n3A_952, %dma_start3A_953, %dma_start3A_954] : memref<8x32x128xf32, #tpu.memory_space<vmem>> -> memref<1x32x128xf32, #tpu.memory_space<vmem>>
        %dma_start3A_956 = tpu.memref_squeeze %dma_start3A_955 : memref<1x32x128xf32, #tpu.memory_space<vmem>> -> memref<32x128xf32, #tpu.memory_space<vmem>>
        %dma_start3A_957 = arith.constant 0 : i32
        %dma_start3A_958 = tpu.memref_slice %arg7[%add3A_940, %dma_start3A_957] : memref<200x32xi32, #tpu.memory_space<vmem>> -> memref<1x32xi32, #tpu.memory_space<vmem>>
        %dma_start3A_959 = tpu.memref_squeeze %dma_start3A_958 : memref<1x32xi32, #tpu.memory_space<vmem>> -> memref<32xi32, #tpu.memory_space<vmem>>
        %dma_start3A_960 = arith.constant 0 : i32
        %dma_start3A_961 = arith.constant 0 : i32
        %dma_start3A_962 = tpu.memref_slice %arg3[%dma_start3A_960, %dma_start3A_961] : memref<100000x128xf32, #tpu.memory_space<hbm>> -> memref<100000x128xf32, #tpu.memory_space<hbm>>
        %dma_start3A_963 = tpu.memref_slice %arg9[%select_n3A_952] : memref<8x!tpu.dma_semaphore, #tpu.memory_space<semaphore_mem>> -> memref<1x!tpu.dma_semaphore, #tpu.memory_space<semaphore_mem>>
        %dma_start3A_964 = tpu.memref_squeeze %dma_start3A_963 : memref<1x!tpu.dma_semaphore, #tpu.memory_space<semaphore_mem>> -> memref<!tpu.dma_semaphore, #tpu.memory_space<semaphore_mem>>
        tpu.enqueue_indirect_dma source(%dma_start3A_962 : memref<100000x128xf32, #tpu.memory_space<hbm>>) target(%dma_start3A_956 : memref<32x128xf32, #tpu.memory_space<vmem>>) offsets(%dma_start3A_959 : memref<32xi32, #tpu.memory_space<vmem>>) semaphore(%dma_start3A_964 : memref<!tpu.dma_semaphore, #tpu.memory_space<semaphore_mem>>)
      } else {
      }
      %dma_wait3A_608 = arith.constant 4 : i32
      %dma_wait3A_609 = arith.constant 4 : i32
      %dma_wait3A_610 = arith.constant 0 : i32
      %dma_wait3A_611 = arith.constant 0 : i32
      %dma_wait3A_612 = tpu.memref_slice %arg8[%dma_wait3A_608, %dma_wait3A_610, %dma_wait3A_611] : memref<8x32x128xf32, #tpu.memory_space<vmem>> -> memref<1x32x128xf32, #tpu.memory_space<vmem>>
      %dma_wait3A_613 = tpu.memref_squeeze %dma_wait3A_612 : memref<1x32x128xf32, #tpu.memory_space<vmem>> -> memref<32x128xf32, #tpu.memory_space<vmem>>
      %dma_wait3A_614 = arith.constant 0 : i32
      %dma_wait3A_615 = arith.constant 0 : i32
      %dma_wait3A_616 = tpu.memref_slice %arg3[%dma_wait3A_614, %dma_wait3A_615] : memref<100000x128xf32, #tpu.memory_space<hbm>> -> memref<32x128xf32, #tpu.memory_space<hbm>>
      %dma_wait3A_617 = tpu.memref_slice %arg9[%dma_wait3A_609] : memref<8x!tpu.dma_semaphore, #tpu.memory_space<semaphore_mem>> -> memref<1x!tpu.dma_semaphore, #tpu.memory_space<semaphore_mem>>
      %dma_wait3A_618 = tpu.memref_squeeze %dma_wait3A_617 : memref<1x!tpu.dma_semaphore, #tpu.memory_space<semaphore_mem>> -> memref<!tpu.dma_semaphore, #tpu.memory_space<semaphore_mem>>
      %dma_wait3A_619 = arith.constant 0 : i32
      %dma_wait3A_620 = arith.constant 0 : i32
      %dma_wait3A_621 = tpu.memref_slice %arg8[%dma_wait3A_608, %dma_wait3A_619, %dma_wait3A_620] : memref<8x32x128xf32, #tpu.memory_space<vmem>> -> memref<1x32x128xf32, #tpu.memory_space<vmem>>
      %dma_wait3A_622 = tpu.memref_squeeze %dma_wait3A_621 : memref<1x32x128xf32, #tpu.memory_space<vmem>> -> memref<32x128xf32, #tpu.memory_space<vmem>>
      %dma_wait3A_623 = arith.constant 0 : i32
      %dma_wait3A_624 = arith.constant 0 : i32
      %dma_wait3A_625 = tpu.memref_slice %arg3[%dma_wait3A_623, %dma_wait3A_624] : memref<100000x128xf32, #tpu.memory_space<hbm>> -> memref<32x128xf32, #tpu.memory_space<hbm>>
      tpu.wait_dma2 semaphore(%dma_wait3A_618 : memref<!tpu.dma_semaphore, #tpu.memory_space<semaphore_mem>>) src(%dma_wait3A_625 : memref<32x128xf32, #tpu.memory_space<hbm>>) dst(%dma_wait3A_622 : memref<32x128xf32, #tpu.memory_space<vmem>>)
      %get3A_626 = arith.index_cast %add3A_600 : i32 to index
      %get3A_627 = arith.constant 0 : index
      %get3A_628 = tpu.vector_load %arg6[%get3A_626, %get3A_627] {strides = array<i32>} : memref<200x128xf32, #tpu.memory_space<vmem>>, vector<1x16xf32>,
      %get3A_629 = vector.shape_cast %get3A_628 : vector<1x16xf32> to vector<16xf32>
      %get3A_630 = arith.index_cast %add3A_600 : i32 to index
      %get3A_631 = arith.constant 16 : index
      %get3A_632 = tpu.vector_load %arg6[%get3A_630, %get3A_631] {strides = array<i32>} : memref<200x128xf32, #tpu.memory_space<vmem>>, vector<1x16xf32>,
      %get3A_633 = vector.shape_cast %get3A_632 : vector<1x16xf32> to vector<16xf32>
      %get3A_634 = arith.index_cast %add3A_600 : i32 to index
      %get3A_635 = arith.constant 32 : index
      %get3A_636 = tpu.vector_load %arg6[%get3A_634, %get3A_635] {strides = array<i32>} : memref<200x128xf32, #tpu.memory_space<vmem>>, vector<1x16xf32>,
      %get3A_637 = vector.shape_cast %get3A_636 : vector<1x16xf32> to vector<16xf32>
      %get3A_638 = arith.index_cast %add3A_600 : i32 to index
      %get3A_639 = arith.constant 48 : index
      %get3A_640 = tpu.vector_load %arg6[%get3A_638, %get3A_639] {strides = array<i32>} : memref<200x128xf32, #tpu.memory_space<vmem>>, vector<1x16xf32>,
      %get3A_641 = vector.shape_cast %get3A_640 : vector<1x16xf32> to vector<16xf32>
      %get3A_642 = arith.index_cast %add3A_600 : i32 to index
      %get3A_643 = arith.constant 64 : index
      %get3A_644 = tpu.vector_load %arg6[%get3A_642, %get3A_643] {strides = array<i32>} : memref<200x128xf32, #tpu.memory_space<vmem>>, vector<1x16xf32>,
      %get3A_645 = vector.shape_cast %get3A_644 : vector<1x16xf32> to vector<16xf32>
      %get3A_646 = arith.index_cast %add3A_600 : i32 to index
      %get3A_647 = arith.constant 80 : index
      %get3A_648 = tpu.vector_load %arg6[%get3A_646, %get3A_647] {strides = array<i32>} : memref<200x128xf32, #tpu.memory_space<vmem>>, vector<1x16xf32>,
      %get3A_649 = vector.shape_cast %get3A_648 : vector<1x16xf32> to vector<16xf32>
      %get3A_650 = arith.index_cast %add3A_600 : i32 to index
      %get3A_651 = arith.constant 96 : index
      %get3A_652 = tpu.vector_load %arg6[%get3A_650, %get3A_651] {strides = array<i32>} : memref<200x128xf32, #tpu.memory_space<vmem>>, vector<1x16xf32>,
      %get3A_653 = vector.shape_cast %get3A_652 : vector<1x16xf32> to vector<16xf32>
      %get3A_654 = arith.index_cast %add3A_600 : i32 to index
      %get3A_655 = arith.constant 112 : index
      %get3A_656 = tpu.vector_load %arg6[%get3A_654, %get3A_655] {strides = array<i32>} : memref<200x128xf32, #tpu.memory_space<vmem>>, vector<1x16xf32>,
      %get3A_657 = vector.shape_cast %get3A_656 : vector<1x16xf32> to vector<16xf32>
      %scan3A_658 = arith.constant 0 : i32
      %scan3A_659 = arith.constant 32 : i32
      %scan3A_660 = arith.addi %scan3A_658, %scan3A_659 : i32
      %scan3A_661 = arith.constant 1 : i32
      scf.for %scan3A_933 = %scan3A_658 to %scan3A_660 step %scan3A_661  : i32 {
        %get3A_934 = arith.constant 4 : i32
        %get3A_935 = arith.index_cast %get3A_934 : i32 to index
        %get3A_936 = arith.index_cast %scan3A_933 : i32 to index
        %get3A_937 = arith.constant 0 : index
        %get3A_938 = tpu.vector_load %arg8[%get3A_935, %get3A_936, %get3A_937] {strides = array<i32>} : memref<8x32x128xf32, #tpu.memory_space<vmem>>, vector<1x1x16xf32>,
        %get3A_939 = vector.shape_cast %get3A_938 : vector<1x1x16xf32> to vector<16xf32>
        %add3A_940 = arith.addf %get3A_939, %get3A_629 : vector<16xf32>
        %swap3A = arith.constant 4 : i32
        %swap3A_941 = arith.index_cast %swap3A : i32 to index
        %swap3A_942 = arith.index_cast %scan3A_933 : i32 to index
        %swap3A_943 = arith.constant 0 : index
        %swap3A_944 = tpu.vector_load %arg8[%swap3A_941, %swap3A_942, %swap3A_943] {strides = array<i32>} : memref<8x32x128xf32, #tpu.memory_space<vmem>>, vector<1x1x16xf32>,
        %swap3A_945 = vector.shape_cast %swap3A_944 : vector<1x1x16xf32> to vector<16xf32>
        %swap3A_946 = vector.shape_cast %add3A_940 : vector<16xf32> to vector<1x1x16xf32>
        tpu.vector_store %arg8[%swap3A_941, %swap3A_942, %swap3A_943], %swap3A_946 {strides = array<i32>} : memref<8x32x128xf32, #tpu.memory_space<vmem>>, vector<1x1x16xf32>,
        %get3A_947 = arith.constant 4 : i32
        %get3A_948 = arith.index_cast %get3A_947 : i32 to index
        %get3A_949 = arith.index_cast %scan3A_933 : i32 to index
        %get3A_950 = arith.constant 16 : index
        %get3A_951 = tpu.vector_load %arg8[%get3A_948, %get3A_949, %get3A_950] {strides = array<i32>} : memref<8x32x128xf32, #tpu.memory_space<vmem>>, vector<1x1x16xf32>,
        %get3A_952 = vector.shape_cast %get3A_951 : vector<1x1x16xf32> to vector<16xf32>
        %add3A_953 = arith.addf %get3A_952, %get3A_633 : vector<16xf32>
        %swap3A_954 = arith.constant 4 : i32
        %swap3A_955 = arith.index_cast %swap3A_954 : i32 to index
        %swap3A_956 = arith.index_cast %scan3A_933 : i32 to index
        %swap3A_957 = arith.constant 16 : index
        %swap3A_958 = tpu.vector_load %arg8[%swap3A_955, %swap3A_956, %swap3A_957] {strides = array<i32>} : memref<8x32x128xf32, #tpu.memory_space<vmem>>, vector<1x1x16xf32>,
        %swap3A_959 = vector.shape_cast %swap3A_958 : vector<1x1x16xf32> to vector<16xf32>
        %swap3A_960 = vector.shape_cast %add3A_953 : vector<16xf32> to vector<1x1x16xf32>
        tpu.vector_store %arg8[%swap3A_955, %swap3A_956, %swap3A_957], %swap3A_960 {strides = array<i32>} : memref<8x32x128xf32, #tpu.memory_space<vmem>>, vector<1x1x16xf32>,
        %get3A_961 = arith.constant 4 : i32
        %get3A_962 = arith.index_cast %get3A_961 : i32 to index
        %get3A_963 = arith.index_cast %scan3A_933 : i32 to index
        %get3A_964 = arith.constant 32 : index
        %get3A_965 = tpu.vector_load %arg8[%get3A_962, %get3A_963, %get3A_964] {strides = array<i32>} : memref<8x32x128xf32, #tpu.memory_space<vmem>>, vector<1x1x16xf32>,
        %get3A_966 = vector.shape_cast %get3A_965 : vector<1x1x16xf32> to vector<16xf32>
        %add3A_967 = arith.addf %get3A_966, %get3A_637 : vector<16xf32>
        %swap3A_968 = arith.constant 4 : i32
        %swap3A_969 = arith.index_cast %swap3A_968 : i32 to index
        %swap3A_970 = arith.index_cast %scan3A_933 : i32 to index
        %swap3A_971 = arith.constant 32 : index
        %swap3A_972 = tpu.vector_load %arg8[%swap3A_969, %swap3A_970, %swap3A_971] {strides = array<i32>} : memref<8x32x128xf32, #tpu.memory_space<vmem>>, vector<1x1x16xf32>,
        %swap3A_973 = vector.shape_cast %swap3A_972 : vector<1x1x16xf32> to vector<16xf32>
        %swap3A_974 = vector.shape_cast %add3A_967 : vector<16xf32> to vector<1x1x16xf32>
        tpu.vector_store %arg8[%swap3A_969, %swap3A_970, %swap3A_971], %swap3A_974 {strides = array<i32>} : memref<8x32x128xf32, #tpu.memory_space<vmem>>, vector<1x1x16xf32>,
        %get3A_975 = arith.constant 4 : i32
        %get3A_976 = arith.index_cast %get3A_975 : i32 to index
        %get3A_977 = arith.index_cast %scan3A_933 : i32 to index
        %get3A_978 = arith.constant 48 : index
        %get3A_979 = tpu.vector_load %arg8[%get3A_976, %get3A_977, %get3A_978] {strides = array<i32>} : memref<8x32x128xf32, #tpu.memory_space<vmem>>, vector<1x1x16xf32>,
        %get3A_980 = vector.shape_cast %get3A_979 : vector<1x1x16xf32> to vector<16xf32>
        %add3A_981 = arith.addf %get3A_980, %get3A_641 : vector<16xf32>
        %swap3A_982 = arith.constant 4 : i32
        %swap3A_983 = arith.index_cast %swap3A_982 : i32 to index
        %swap3A_984 = arith.index_cast %scan3A_933 : i32 to index
        %swap3A_985 = arith.constant 48 : index
        %swap3A_986 = tpu.vector_load %arg8[%swap3A_983, %swap3A_984, %swap3A_985] {strides = array<i32>} : memref<8x32x128xf32, #tpu.memory_space<vmem>>, vector<1x1x16xf32>,
        %swap3A_987 = vector.shape_cast %swap3A_986 : vector<1x1x16xf32> to vector<16xf32>
        %swap3A_988 = vector.shape_cast %add3A_981 : vector<16xf32> to vector<1x1x16xf32>
        tpu.vector_store %arg8[%swap3A_983, %swap3A_984, %swap3A_985], %swap3A_988 {strides = array<i32>} : memref<8x32x128xf32, #tpu.memory_space<vmem>>, vector<1x1x16xf32>,
        %get3A_989 = arith.constant 4 : i32
        %get3A_990 = arith.index_cast %get3A_989 : i32 to index
        %get3A_991 = arith.index_cast %scan3A_933 : i32 to index
        %get3A_992 = arith.constant 64 : index
        %get3A_993 = tpu.vector_load %arg8[%get3A_990, %get3A_991, %get3A_992] {strides = array<i32>} : memref<8x32x128xf32, #tpu.memory_space<vmem>>, vector<1x1x16xf32>,
        %get3A_994 = vector.shape_cast %get3A_993 : vector<1x1x16xf32> to vector<16xf32>
        %add3A_995 = arith.addf %get3A_994, %get3A_645 : vector<16xf32>
        %swap3A_996 = arith.constant 4 : i32
        %swap3A_997 = arith.index_cast %swap3A_996 : i32 to index
        %swap3A_998 = arith.index_cast %scan3A_933 : i32 to index
        %swap3A_999 = arith.constant 64 : index
        %swap3A_1000 = tpu.vector_load %arg8[%swap3A_997, %swap3A_998, %swap3A_999] {strides = array<i32>} : memref<8x32x128xf32, #tpu.memory_space<vmem>>, vector<1x1x16xf32>,
        %swap3A_1001 = vector.shape_cast %swap3A_1000 : vector<1x1x16xf32> to vector<16xf32>
        %swap3A_1002 = vector.shape_cast %add3A_995 : vector<16xf32> to vector<1x1x16xf32>
        tpu.vector_store %arg8[%swap3A_997, %swap3A_998, %swap3A_999], %swap3A_1002 {strides = array<i32>} : memref<8x32x128xf32, #tpu.memory_space<vmem>>, vector<1x1x16xf32>,
        %get3A_1003 = arith.constant 4 : i32
        %get3A_1004 = arith.index_cast %get3A_1003 : i32 to index
        %get3A_1005 = arith.index_cast %scan3A_933 : i32 to index
        %get3A_1006 = arith.constant 80 : index
        %get3A_1007 = tpu.vector_load %arg8[%get3A_1004, %get3A_1005, %get3A_1006] {strides = array<i32>} : memref<8x32x128xf32, #tpu.memory_space<vmem>>, vector<1x1x16xf32>,
        %get3A_1008 = vector.shape_cast %get3A_1007 : vector<1x1x16xf32> to vector<16xf32>
        %add3A_1009 = arith.addf %get3A_1008, %get3A_649 : vector<16xf32>
        %swap3A_1010 = arith.constant 4 : i32
        %swap3A_1011 = arith.index_cast %swap3A_1010 : i32 to index
        %swap3A_1012 = arith.index_cast %scan3A_933 : i32 to index
        %swap3A_1013 = arith.constant 80 : index
        %swap3A_1014 = tpu.vector_load %arg8[%swap3A_1011, %swap3A_1012, %swap3A_1013] {strides = array<i32>} : memref<8x32x128xf32, #tpu.memory_space<vmem>>, vector<1x1x16xf32>,
        %swap3A_1015 = vector.shape_cast %swap3A_1014 : vector<1x1x16xf32> to vector<16xf32>
        %swap3A_1016 = vector.shape_cast %add3A_1009 : vector<16xf32> to vector<1x1x16xf32>
        tpu.vector_store %arg8[%swap3A_1011, %swap3A_1012, %swap3A_1013], %swap3A_1016 {strides = array<i32>} : memref<8x32x128xf32, #tpu.memory_space<vmem>>, vector<1x1x16xf32>,
        %get3A_1017 = arith.constant 4 : i32
        %get3A_1018 = arith.index_cast %get3A_1017 : i32 to index
        %get3A_1019 = arith.index_cast %scan3A_933 : i32 to index
        %get3A_1020 = arith.constant 96 : index
        %get3A_1021 = tpu.vector_load %arg8[%get3A_1018, %get3A_1019, %get3A_1020] {strides = array<i32>} : memref<8x32x128xf32, #tpu.memory_space<vmem>>, vector<1x1x16xf32>,
        %get3A_1022 = vector.shape_cast %get3A_1021 : vector<1x1x16xf32> to vector<16xf32>
        %add3A_1023 = arith.addf %get3A_1022, %get3A_653 : vector<16xf32>
        %swap3A_1024 = arith.constant 4 : i32
        %swap3A_1025 = arith.index_cast %swap3A_1024 : i32 to index
        %swap3A_1026 = arith.index_cast %scan3A_933 : i32 to index
        %swap3A_1027 = arith.constant 96 : index
        %swap3A_1028 = tpu.vector_load %arg8[%swap3A_1025, %swap3A_1026, %swap3A_1027] {strides = array<i32>} : memref<8x32x128xf32, #tpu.memory_space<vmem>>, vector<1x1x16xf32>,
        %swap3A_1029 = vector.shape_cast %swap3A_1028 : vector<1x1x16xf32> to vector<16xf32>
        %swap3A_1030 = vector.shape_cast %add3A_1023 : vector<16xf32> to vector<1x1x16xf32>
        tpu.vector_store %arg8[%swap3A_1025, %swap3A_1026, %swap3A_1027], %swap3A_1030 {strides = array<i32>} : memref<8x32x128xf32, #tpu.memory_space<vmem>>, vector<1x1x16xf32>,
        %get3A_1031 = arith.constant 4 : i32
        %get3A_1032 = arith.index_cast %get3A_1031 : i32 to index
        %get3A_1033 = arith.index_cast %scan3A_933 : i32 to index
        %get3A_1034 = arith.constant 112 : index
        %get3A_1035 = tpu.vector_load %arg8[%get3A_1032, %get3A_1033, %get3A_1034] {strides = array<i32>} : memref<8x32x128xf32, #tpu.memory_space<vmem>>, vector<1x1x16xf32>,
        %get3A_1036 = vector.shape_cast %get3A_1035 : vector<1x1x16xf32> to vector<16xf32>
        %add3A_1037 = arith.addf %get3A_1036, %get3A_657 : vector<16xf32>
        %swap3A_1038 = arith.constant 4 : i32
        %swap3A_1039 = arith.index_cast %swap3A_1038 : i32 to index
        %swap3A_1040 = arith.index_cast %scan3A_933 : i32 to index
        %swap3A_1041 = arith.constant 112 : index
        %swap3A_1042 = tpu.vector_load %arg8[%swap3A_1039, %swap3A_1040, %swap3A_1041] {strides = array<i32>} : memref<8x32x128xf32, #tpu.memory_space<vmem>>, vector<1x1x16xf32>,
        %swap3A_1043 = vector.shape_cast %swap3A_1042 : vector<1x1x16xf32> to vector<16xf32>
        %swap3A_1044 = vector.shape_cast %add3A_1037 : vector<16xf32> to vector<1x1x16xf32>
        tpu.vector_store %arg8[%swap3A_1039, %swap3A_1040, %swap3A_1041], %swap3A_1044 {strides = array<i32>} : memref<8x32x128xf32, #tpu.memory_space<vmem>>, vector<1x1x16xf32>,
      }
      %scan3A_662 = arith.constant 32 : i32
      %dma_start3A_663 = arith.constant 4 : i32
      %dma_start3A_664 = arith.constant 4 : i32
      %dma_start3A_665 = arith.constant 0 : i32
      %dma_start3A_666 = arith.constant 0 : i32
      %dma_start3A_667 = tpu.memref_slice %arg8[%dma_start3A_663, %dma_start3A_665, %dma_start3A_666] : memref<8x32x128xf32, #tpu.memory_space<vmem>> -> memref<1x32x128xf32, #tpu.memory_space<vmem>>
      %dma_start3A_668 = tpu.memref_squeeze %dma_start3A_667 : memref<1x32x128xf32, #tpu.memory_space<vmem>> -> memref<32x128xf32, #tpu.memory_space<vmem>>
      %dma_start3A_669 = arith.constant 0 : i32
      %dma_start3A_670 = tpu.memref_slice %arg5[%mul3A_2, %add3A_600, %dma_start3A_669] : memref<1024x200x128xf32, #tpu.memory_space<hbm>> -> memref<32x1x128xf32, #tpu.memory_space<hbm>>
      %dma_start3A_671 = tpu.memref_squeeze %dma_start3A_670 : memref<32x1x128xf32, #tpu.memory_space<hbm>> -> memref<32x128xf32, #tpu.memory_space<hbm>>
      %dma_start3A_672 = tpu.memref_slice %arg10[%dma_start3A_664] : memref<8x!tpu.dma_semaphore, #tpu.memory_space<semaphore_mem>> -> memref<1x!tpu.dma_semaphore, #tpu.memory_space<semaphore_mem>>
      %dma_start3A_673 = tpu.memref_squeeze %dma_start3A_672 : memref<1x!tpu.dma_semaphore, #tpu.memory_space<semaphore_mem>> -> memref<!tpu.dma_semaphore, #tpu.memory_space<semaphore_mem>>
      %dma_start3A_674 = arith.constant 0 : i32
      %dma_start3A_675 = tpu.memref_slice %arg5[%mul3A_2, %add3A_600, %dma_start3A_674] : memref<1024x200x128xf32, #tpu.memory_space<hbm>> -> memref<32x1x128xf32, #tpu.memory_space<hbm>>
      %dma_start3A_676 = tpu.memref_squeeze %dma_start3A_675 : memref<32x1x128xf32, #tpu.memory_space<hbm>> -> memref<32x128xf32, #tpu.memory_space<hbm>>
      %dma_start3A_677 = arith.constant 0 : i32
      %dma_start3A_678 = arith.constant 0 : i32
      %dma_start3A_679 = tpu.memref_slice %arg8[%dma_start3A_663, %dma_start3A_677, %dma_start3A_678] : memref<8x32x128xf32, #tpu.memory_space<vmem>> -> memref<1x32x128xf32, #tpu.memory_space<vmem>>
      %dma_start3A_680 = tpu.memref_squeeze %dma_start3A_679 : memref<1x32x128xf32, #tpu.memory_space<vmem>> -> memref<32x128xf32, #tpu.memory_space<vmem>>
      tpu.enqueue_dma source(%dma_start3A_680 : memref<32x128xf32, #tpu.memory_space<vmem>>) target(%dma_start3A_676 : memref<32x128xf32, #tpu.memory_space<hbm>>) target_semaphore(%dma_start3A_673 : memref<!tpu.dma_semaphore, #tpu.memory_space<semaphore_mem>>)
      %mul3A_681 = arith.constant 8 : i32
      %mul3A_682 = arith.muli %scan3A_264, %mul3A_681 : i32
      %add3A_683 = arith.constant 5 : i32
      %add3A_684 = arith.addi %mul3A_682, %add3A_683 : i32
      %add3A_685 = arith.constant 6 : i32
      %add3A_686 = arith.addi %add3A_684, %add3A_685 : i32
      %lt3A_687 = arith.constant 200 : i32
      %lt3A_688 = arith.cmpi slt, %add3A_686, %lt3A_687 : i32
      %convert_element_type3A_689 = arith.extui %lt3A_688 : i1 to i32
      %cond3A_690 = arith.constant 0 : i32
      %cond3A_691 = arith.cmpi ne, %convert_element_type3A_689, %cond3A_690 : i32
      scf.if %cond3A_691 {
        %add3A_933 = arith.constant 6 : i32
        %add3A_934 = arith.addi %add3A_684, %add3A_933 : i32
        %ge3A = arith.constant 8 : i32
        %ge3A_935 = arith.cmpi sge, %add3A_934, %ge3A : i32
        %convert_element_type3A_936 = arith.extui %ge3A_935 : i1 to i32
        %cond3A_937 = arith.constant 0 : i32
        %cond3A_938 = arith.cmpi ne, %convert_element_type3A_936, %cond3A_937 : i32
        scf.if %cond3A_938 {
          %add3A_965 = arith.constant 6 : i32
          %add3A_966 = arith.addi %add3A_684, %add3A_965 : i32
          %jit3A_967 = arith.constant 8 : i32
          %eq3A_968 = arith.constant 0 : i32
          %eq3A_969 = arith.cmpi eq, %jit3A_967, %eq3A_968 : i32
          %jit3A_970 = arith.constant 1 : i32
          %select_n3A_971 = arith.select %eq3A_969, %jit3A_970, %jit3A_967 : i32
          %rem3A_972 = arith.remsi %add3A_966, %select_n3A_971 : i32
          %ne3A_973 = arith.constant 0 : i32
          %ne3A_974 = arith.cmpi ne, %rem3A_972, %ne3A_973 : i32
          %lt3A_975 = arith.constant 0 : i32
          %lt3A_976 = arith.cmpi slt, %rem3A_972, %lt3A_975 : i32
          %lt3A_977 = arith.constant 0 : i32
          %lt3A_978 = arith.cmpi slt, %select_n3A_971, %lt3A_977 : i32
          %ne3A_979 = arith.xori %lt3A_976, %lt3A_978 : i1
          %and3A_980 = arith.andi %ne3A_979, %ne3A_974 : i1
          %add3A_981 = arith.addi %rem3A_972, %select_n3A_971 : i32
          %select_n3A_982 = arith.select %and3A_980, %add3A_981, %rem3A_972 : i32
          %dma_wait3A_983 = arith.constant 0 : i32
          %dma_wait3A_984 = arith.constant 0 : i32
          %dma_wait3A_985 = arith.constant 0 : i32
          %dma_wait3A_986 = tpu.memref_slice %arg8[%select_n3A_982, %dma_wait3A_984, %dma_wait3A_985] : memref<8x32x128xf32, #tpu.memory_space<vmem>> -> memref<1x32x128xf32, #tpu.memory_space<vmem>>
          %dma_wait3A_987 = tpu.memref_squeeze %dma_wait3A_986 : memref<1x32x128xf32, #tpu.memory_space<vmem>> -> memref<32x128xf32, #tpu.memory_space<vmem>>
          %dma_wait3A_988 = arith.constant 0 : i32
          %dma_wait3A_989 = arith.constant 0 : i32
          %dma_wait3A_990 = tpu.memref_slice %arg5[%dma_wait3A_988, %dma_wait3A_983, %dma_wait3A_989] : memref<1024x200x128xf32, #tpu.memory_space<hbm>> -> memref<32x1x128xf32, #tpu.memory_space<hbm>>
          %dma_wait3A_991 = tpu.memref_squeeze %dma_wait3A_990 : memref<32x1x128xf32, #tpu.memory_space<hbm>> -> memref<32x128xf32, #tpu.memory_space<hbm>>
          %dma_wait3A_992 = tpu.memref_slice %arg10[%select_n3A_982] : memref<8x!tpu.dma_semaphore, #tpu.memory_space<semaphore_mem>> -> memref<1x!tpu.dma_semaphore, #tpu.memory_space<semaphore_mem>>
          %dma_wait3A_993 = tpu.memref_squeeze %dma_wait3A_992 : memref<1x!tpu.dma_semaphore, #tpu.memory_space<semaphore_mem>> -> memref<!tpu.dma_semaphore, #tpu.memory_space<semaphore_mem>>
          %dma_wait3A_994 = arith.constant 0 : i32
          %dma_wait3A_995 = arith.constant 0 : i32
          %dma_wait3A_996 = tpu.memref_slice %arg5[%dma_wait3A_994, %dma_wait3A_983, %dma_wait3A_995] : memref<1024x200x128xf32, #tpu.memory_space<hbm>> -> memref<32x1x128xf32, #tpu.memory_space<hbm>>
          %dma_wait3A_997 = tpu.memref_squeeze %dma_wait3A_996 : memref<32x1x128xf32, #tpu.memory_space<hbm>> -> memref<32x128xf32, #tpu.memory_space<hbm>>
          %dma_wait3A_998 = arith.constant 0 : i32
          %dma_wait3A_999 = arith.constant 0 : i32
          %dma_wait3A_1000 = tpu.memref_slice %arg8[%select_n3A_982, %dma_wait3A_998, %dma_wait3A_999] : memref<8x32x128xf32, #tpu.memory_space<vmem>> -> memref<1x32x128xf32, #tpu.memory_space<vmem>>
          %dma_wait3A_1001 = tpu.memref_squeeze %dma_wait3A_1000 : memref<1x32x128xf32, #tpu.memory_space<vmem>> -> memref<32x128xf32, #tpu.memory_space<vmem>>
          tpu.wait_dma2 semaphore(%dma_wait3A_993 : memref<!tpu.dma_semaphore, #tpu.memory_space<semaphore_mem>>) src(%dma_wait3A_1001 : memref<32x128xf32, #tpu.memory_space<vmem>>) dst(%dma_wait3A_997 : memref<32x128xf32, #tpu.memory_space<hbm>>)
        } else {
        }
        %add3A_939 = arith.constant 6 : i32
        %add3A_940 = arith.addi %add3A_684, %add3A_939 : i32
        %add3A_941 = arith.constant 6 : i32
        %add3A_942 = arith.addi %add3A_684, %add3A_941 : i32
        %jit3A = arith.constant 8 : i32
        %eq3A = arith.constant 0 : i32
        %eq3A_943 = arith.cmpi eq, %jit3A, %eq3A : i32
        %jit3A_944 = arith.constant 1 : i32
        %select_n3A = arith.select %eq3A_943, %jit3A_944, %jit3A : i32
        %rem3A = arith.remsi %add3A_942, %select_n3A : i32
        %ne3A = arith.constant 0 : i32
        %ne3A_945 = arith.cmpi ne, %rem3A, %ne3A : i32
        %lt3A_946 = arith.constant 0 : i32
        %lt3A_947 = arith.cmpi slt, %rem3A, %lt3A_946 : i32
        %lt3A_948 = arith.constant 0 : i32
        %lt3A_949 = arith.cmpi slt, %select_n3A, %lt3A_948 : i32
        %ne3A_950 = arith.xori %lt3A_947, %lt3A_949 : i1
        %and3A = arith.andi %ne3A_950, %ne3A_945 : i1
        %add3A_951 = arith.addi %rem3A, %select_n3A : i32
        %select_n3A_952 = arith.select %and3A, %add3A_951, %rem3A : i32
        %dma_start3A_953 = arith.constant 0 : i32
        %dma_start3A_954 = arith.constant 0 : i32
        %dma_start3A_955 = tpu.memref_slice %arg8[%select_n3A_952, %dma_start3A_953, %dma_start3A_954] : memref<8x32x128xf32, #tpu.memory_space<vmem>> -> memref<1x32x128xf32, #tpu.memory_space<vmem>>
        %dma_start3A_956 = tpu.memref_squeeze %dma_start3A_955 : memref<1x32x128xf32, #tpu.memory_space<vmem>> -> memref<32x128xf32, #tpu.memory_space<vmem>>
        %dma_start3A_957 = arith.constant 0 : i32
        %dma_start3A_958 = tpu.memref_slice %arg7[%add3A_940, %dma_start3A_957] : memref<200x32xi32, #tpu.memory_space<vmem>> -> memref<1x32xi32, #tpu.memory_space<vmem>>
        %dma_start3A_959 = tpu.memref_squeeze %dma_start3A_958 : memref<1x32xi32, #tpu.memory_space<vmem>> -> memref<32xi32, #tpu.memory_space<vmem>>
        %dma_start3A_960 = arith.constant 0 : i32
        %dma_start3A_961 = arith.constant 0 : i32
        %dma_start3A_962 = tpu.memref_slice %arg3[%dma_start3A_960, %dma_start3A_961] : memref<100000x128xf32, #tpu.memory_space<hbm>> -> memref<100000x128xf32, #tpu.memory_space<hbm>>
        %dma_start3A_963 = tpu.memref_slice %arg9[%select_n3A_952] : memref<8x!tpu.dma_semaphore, #tpu.memory_space<semaphore_mem>> -> memref<1x!tpu.dma_semaphore, #tpu.memory_space<semaphore_mem>>
        %dma_start3A_964 = tpu.memref_squeeze %dma_start3A_963 : memref<1x!tpu.dma_semaphore, #tpu.memory_space<semaphore_mem>> -> memref<!tpu.dma_semaphore, #tpu.memory_space<semaphore_mem>>
        tpu.enqueue_indirect_dma source(%dma_start3A_962 : memref<100000x128xf32, #tpu.memory_space<hbm>>) target(%dma_start3A_956 : memref<32x128xf32, #tpu.memory_space<vmem>>) offsets(%dma_start3A_959 : memref<32xi32, #tpu.memory_space<vmem>>) semaphore(%dma_start3A_964 : memref<!tpu.dma_semaphore, #tpu.memory_space<semaphore_mem>>)
      } else {
      }
      %dma_wait3A_692 = arith.constant 5 : i32
      %dma_wait3A_693 = arith.constant 5 : i32
      %dma_wait3A_694 = arith.constant 0 : i32
      %dma_wait3A_695 = arith.constant 0 : i32
      %dma_wait3A_696 = tpu.memref_slice %arg8[%dma_wait3A_692, %dma_wait3A_694, %dma_wait3A_695] : memref<8x32x128xf32, #tpu.memory_space<vmem>> -> memref<1x32x128xf32, #tpu.memory_space<vmem>>
      %dma_wait3A_697 = tpu.memref_squeeze %dma_wait3A_696 : memref<1x32x128xf32, #tpu.memory_space<vmem>> -> memref<32x128xf32, #tpu.memory_space<vmem>>
      %dma_wait3A_698 = arith.constant 0 : i32
      %dma_wait3A_699 = arith.constant 0 : i32
      %dma_wait3A_700 = tpu.memref_slice %arg3[%dma_wait3A_698, %dma_wait3A_699] : memref<100000x128xf32, #tpu.memory_space<hbm>> -> memref<32x128xf32, #tpu.memory_space<hbm>>
      %dma_wait3A_701 = tpu.memref_slice %arg9[%dma_wait3A_693] : memref<8x!tpu.dma_semaphore, #tpu.memory_space<semaphore_mem>> -> memref<1x!tpu.dma_semaphore, #tpu.memory_space<semaphore_mem>>
      %dma_wait3A_702 = tpu.memref_squeeze %dma_wait3A_701 : memref<1x!tpu.dma_semaphore, #tpu.memory_space<semaphore_mem>> -> memref<!tpu.dma_semaphore, #tpu.memory_space<semaphore_mem>>
      %dma_wait3A_703 = arith.constant 0 : i32
      %dma_wait3A_704 = arith.constant 0 : i32
      %dma_wait3A_705 = tpu.memref_slice %arg8[%dma_wait3A_692, %dma_wait3A_703, %dma_wait3A_704] : memref<8x32x128xf32, #tpu.memory_space<vmem>> -> memref<1x32x128xf32, #tpu.memory_space<vmem>>
      %dma_wait3A_706 = tpu.memref_squeeze %dma_wait3A_705 : memref<1x32x128xf32, #tpu.memory_space<vmem>> -> memref<32x128xf32, #tpu.memory_space<vmem>>
      %dma_wait3A_707 = arith.constant 0 : i32
      %dma_wait3A_708 = arith.constant 0 : i32
      %dma_wait3A_709 = tpu.memref_slice %arg3[%dma_wait3A_707, %dma_wait3A_708] : memref<100000x128xf32, #tpu.memory_space<hbm>> -> memref<32x128xf32, #tpu.memory_space<hbm>>
      tpu.wait_dma2 semaphore(%dma_wait3A_702 : memref<!tpu.dma_semaphore, #tpu.memory_space<semaphore_mem>>) src(%dma_wait3A_709 : memref<32x128xf32, #tpu.memory_space<hbm>>) dst(%dma_wait3A_706 : memref<32x128xf32, #tpu.memory_space<vmem>>)
      %get3A_710 = arith.index_cast %add3A_684 : i32 to index
      %get3A_711 = arith.constant 0 : index
      %get3A_712 = tpu.vector_load %arg6[%get3A_710, %get3A_711] {strides = array<i32>} : memref<200x128xf32, #tpu.memory_space<vmem>>, vector<1x16xf32>,
      %get3A_713 = vector.shape_cast %get3A_712 : vector<1x16xf32> to vector<16xf32>
      %get3A_714 = arith.index_cast %add3A_684 : i32 to index
      %get3A_715 = arith.constant 16 : index
      %get3A_716 = tpu.vector_load %arg6[%get3A_714, %get3A_715] {strides = array<i32>} : memref<200x128xf32, #tpu.memory_space<vmem>>, vector<1x16xf32>,
      %get3A_717 = vector.shape_cast %get3A_716 : vector<1x16xf32> to vector<16xf32>
      %get3A_718 = arith.index_cast %add3A_684 : i32 to index
      %get3A_719 = arith.constant 32 : index
      %get3A_720 = tpu.vector_load %arg6[%get3A_718, %get3A_719] {strides = array<i32>} : memref<200x128xf32, #tpu.memory_space<vmem>>, vector<1x16xf32>,
      %get3A_721 = vector.shape_cast %get3A_720 : vector<1x16xf32> to vector<16xf32>
      %get3A_722 = arith.index_cast %add3A_684 : i32 to index
      %get3A_723 = arith.constant 48 : index
      %get3A_724 = tpu.vector_load %arg6[%get3A_722, %get3A_723] {strides = array<i32>} : memref<200x128xf32, #tpu.memory_space<vmem>>, vector<1x16xf32>,
      %get3A_725 = vector.shape_cast %get3A_724 : vector<1x16xf32> to vector<16xf32>
      %get3A_726 = arith.index_cast %add3A_684 : i32 to index
      %get3A_727 = arith.constant 64 : index
      %get3A_728 = tpu.vector_load %arg6[%get3A_726, %get3A_727] {strides = array<i32>} : memref<200x128xf32, #tpu.memory_space<vmem>>, vector<1x16xf32>,
      %get3A_729 = vector.shape_cast %get3A_728 : vector<1x16xf32> to vector<16xf32>
      %get3A_730 = arith.index_cast %add3A_684 : i32 to index
      %get3A_731 = arith.constant 80 : index
      %get3A_732 = tpu.vector_load %arg6[%get3A_730, %get3A_731] {strides = array<i32>} : memref<200x128xf32, #tpu.memory_space<vmem>>, vector<1x16xf32>,
      %get3A_733 = vector.shape_cast %get3A_732 : vector<1x16xf32> to vector<16xf32>
      %get3A_734 = arith.index_cast %add3A_684 : i32 to index
      %get3A_735 = arith.constant 96 : index
      %get3A_736 = tpu.vector_load %arg6[%get3A_734, %get3A_735] {strides = array<i32>} : memref<200x128xf32, #tpu.memory_space<vmem>>, vector<1x16xf32>,
      %get3A_737 = vector.shape_cast %get3A_736 : vector<1x16xf32> to vector<16xf32>
      %get3A_738 = arith.index_cast %add3A_684 : i32 to index
      %get3A_739 = arith.constant 112 : index
      %get3A_740 = tpu.vector_load %arg6[%get3A_738, %get3A_739] {strides = array<i32>} : memref<200x128xf32, #tpu.memory_space<vmem>>, vector<1x16xf32>,
      %get3A_741 = vector.shape_cast %get3A_740 : vector<1x16xf32> to vector<16xf32>
      %scan3A_742 = arith.constant 0 : i32
      %scan3A_743 = arith.constant 32 : i32
      %scan3A_744 = arith.addi %scan3A_742, %scan3A_743 : i32
      %scan3A_745 = arith.constant 1 : i32
      scf.for %scan3A_933 = %scan3A_742 to %scan3A_744 step %scan3A_745  : i32 {
        %get3A_934 = arith.constant 5 : i32
        %get3A_935 = arith.index_cast %get3A_934 : i32 to index
        %get3A_936 = arith.index_cast %scan3A_933 : i32 to index
        %get3A_937 = arith.constant 0 : index
        %get3A_938 = tpu.vector_load %arg8[%get3A_935, %get3A_936, %get3A_937] {strides = array<i32>} : memref<8x32x128xf32, #tpu.memory_space<vmem>>, vector<1x1x16xf32>,
        %get3A_939 = vector.shape_cast %get3A_938 : vector<1x1x16xf32> to vector<16xf32>
        %add3A_940 = arith.addf %get3A_939, %get3A_713 : vector<16xf32>
        %swap3A = arith.constant 5 : i32
        %swap3A_941 = arith.index_cast %swap3A : i32 to index
        %swap3A_942 = arith.index_cast %scan3A_933 : i32 to index
        %swap3A_943 = arith.constant 0 : index
        %swap3A_944 = tpu.vector_load %arg8[%swap3A_941, %swap3A_942, %swap3A_943] {strides = array<i32>} : memref<8x32x128xf32, #tpu.memory_space<vmem>>, vector<1x1x16xf32>,
        %swap3A_945 = vector.shape_cast %swap3A_944 : vector<1x1x16xf32> to vector<16xf32>
        %swap3A_946 = vector.shape_cast %add3A_940 : vector<16xf32> to vector<1x1x16xf32>
        tpu.vector_store %arg8[%swap3A_941, %swap3A_942, %swap3A_943], %swap3A_946 {strides = array<i32>} : memref<8x32x128xf32, #tpu.memory_space<vmem>>, vector<1x1x16xf32>,
        %get3A_947 = arith.constant 5 : i32
        %get3A_948 = arith.index_cast %get3A_947 : i32 to index
        %get3A_949 = arith.index_cast %scan3A_933 : i32 to index
        %get3A_950 = arith.constant 16 : index
        %get3A_951 = tpu.vector_load %arg8[%get3A_948, %get3A_949, %get3A_950] {strides = array<i32>} : memref<8x32x128xf32, #tpu.memory_space<vmem>>, vector<1x1x16xf32>,
        %get3A_952 = vector.shape_cast %get3A_951 : vector<1x1x16xf32> to vector<16xf32>
        %add3A_953 = arith.addf %get3A_952, %get3A_717 : vector<16xf32>
        %swap3A_954 = arith.constant 5 : i32
        %swap3A_955 = arith.index_cast %swap3A_954 : i32 to index
        %swap3A_956 = arith.index_cast %scan3A_933 : i32 to index
        %swap3A_957 = arith.constant 16 : index
        %swap3A_958 = tpu.vector_load %arg8[%swap3A_955, %swap3A_956, %swap3A_957] {strides = array<i32>} : memref<8x32x128xf32, #tpu.memory_space<vmem>>, vector<1x1x16xf32>,
        %swap3A_959 = vector.shape_cast %swap3A_958 : vector<1x1x16xf32> to vector<16xf32>
        %swap3A_960 = vector.shape_cast %add3A_953 : vector<16xf32> to vector<1x1x16xf32>
        tpu.vector_store %arg8[%swap3A_955, %swap3A_956, %swap3A_957], %swap3A_960 {strides = array<i32>} : memref<8x32x128xf32, #tpu.memory_space<vmem>>, vector<1x1x16xf32>,
        %get3A_961 = arith.constant 5 : i32
        %get3A_962 = arith.index_cast %get3A_961 : i32 to index
        %get3A_963 = arith.index_cast %scan3A_933 : i32 to index
        %get3A_964 = arith.constant 32 : index
        %get3A_965 = tpu.vector_load %arg8[%get3A_962, %get3A_963, %get3A_964] {strides = array<i32>} : memref<8x32x128xf32, #tpu.memory_space<vmem>>, vector<1x1x16xf32>,
        %get3A_966 = vector.shape_cast %get3A_965 : vector<1x1x16xf32> to vector<16xf32>
        %add3A_967 = arith.addf %get3A_966, %get3A_721 : vector<16xf32>
        %swap3A_968 = arith.constant 5 : i32
        %swap3A_969 = arith.index_cast %swap3A_968 : i32 to index
        %swap3A_970 = arith.index_cast %scan3A_933 : i32 to index
        %swap3A_971 = arith.constant 32 : index
        %swap3A_972 = tpu.vector_load %arg8[%swap3A_969, %swap3A_970, %swap3A_971] {strides = array<i32>} : memref<8x32x128xf32, #tpu.memory_space<vmem>>, vector<1x1x16xf32>,
        %swap3A_973 = vector.shape_cast %swap3A_972 : vector<1x1x16xf32> to vector<16xf32>
        %swap3A_974 = vector.shape_cast %add3A_967 : vector<16xf32> to vector<1x1x16xf32>
        tpu.vector_store %arg8[%swap3A_969, %swap3A_970, %swap3A_971], %swap3A_974 {strides = array<i32>} : memref<8x32x128xf32, #tpu.memory_space<vmem>>, vector<1x1x16xf32>,
        %get3A_975 = arith.constant 5 : i32
        %get3A_976 = arith.index_cast %get3A_975 : i32 to index
        %get3A_977 = arith.index_cast %scan3A_933 : i32 to index
        %get3A_978 = arith.constant 48 : index
        %get3A_979 = tpu.vector_load %arg8[%get3A_976, %get3A_977, %get3A_978] {strides = array<i32>} : memref<8x32x128xf32, #tpu.memory_space<vmem>>, vector<1x1x16xf32>,
        %get3A_980 = vector.shape_cast %get3A_979 : vector<1x1x16xf32> to vector<16xf32>
        %add3A_981 = arith.addf %get3A_980, %get3A_725 : vector<16xf32>
        %swap3A_982 = arith.constant 5 : i32
        %swap3A_983 = arith.index_cast %swap3A_982 : i32 to index
        %swap3A_984 = arith.index_cast %scan3A_933 : i32 to index
        %swap3A_985 = arith.constant 48 : index
        %swap3A_986 = tpu.vector_load %arg8[%swap3A_983, %swap3A_984, %swap3A_985] {strides = array<i32>} : memref<8x32x128xf32, #tpu.memory_space<vmem>>, vector<1x1x16xf32>,
        %swap3A_987 = vector.shape_cast %swap3A_986 : vector<1x1x16xf32> to vector<16xf32>
        %swap3A_988 = vector.shape_cast %add3A_981 : vector<16xf32> to vector<1x1x16xf32>
        tpu.vector_store %arg8[%swap3A_983, %swap3A_984, %swap3A_985], %swap3A_988 {strides = array<i32>} : memref<8x32x128xf32, #tpu.memory_space<vmem>>, vector<1x1x16xf32>,
        %get3A_989 = arith.constant 5 : i32
        %get3A_990 = arith.index_cast %get3A_989 : i32 to index
        %get3A_991 = arith.index_cast %scan3A_933 : i32 to index
        %get3A_992 = arith.constant 64 : index
        %get3A_993 = tpu.vector_load %arg8[%get3A_990, %get3A_991, %get3A_992] {strides = array<i32>} : memref<8x32x128xf32, #tpu.memory_space<vmem>>, vector<1x1x16xf32>,
        %get3A_994 = vector.shape_cast %get3A_993 : vector<1x1x16xf32> to vector<16xf32>
        %add3A_995 = arith.addf %get3A_994, %get3A_729 : vector<16xf32>
        %swap3A_996 = arith.constant 5 : i32
        %swap3A_997 = arith.index_cast %swap3A_996 : i32 to index
        %swap3A_998 = arith.index_cast %scan3A_933 : i32 to index
        %swap3A_999 = arith.constant 64 : index
        %swap3A_1000 = tpu.vector_load %arg8[%swap3A_997, %swap3A_998, %swap3A_999] {strides = array<i32>} : memref<8x32x128xf32, #tpu.memory_space<vmem>>, vector<1x1x16xf32>,
        %swap3A_1001 = vector.shape_cast %swap3A_1000 : vector<1x1x16xf32> to vector<16xf32>
        %swap3A_1002 = vector.shape_cast %add3A_995 : vector<16xf32> to vector<1x1x16xf32>
        tpu.vector_store %arg8[%swap3A_997, %swap3A_998, %swap3A_999], %swap3A_1002 {strides = array<i32>} : memref<8x32x128xf32, #tpu.memory_space<vmem>>, vector<1x1x16xf32>,
        %get3A_1003 = arith.constant 5 : i32
        %get3A_1004 = arith.index_cast %get3A_1003 : i32 to index
        %get3A_1005 = arith.index_cast %scan3A_933 : i32 to index
        %get3A_1006 = arith.constant 80 : index
        %get3A_1007 = tpu.vector_load %arg8[%get3A_1004, %get3A_1005, %get3A_1006] {strides = array<i32>} : memref<8x32x128xf32, #tpu.memory_space<vmem>>, vector<1x1x16xf32>,
        %get3A_1008 = vector.shape_cast %get3A_1007 : vector<1x1x16xf32> to vector<16xf32>
        %add3A_1009 = arith.addf %get3A_1008, %get3A_733 : vector<16xf32>
        %swap3A_1010 = arith.constant 5 : i32
        %swap3A_1011 = arith.index_cast %swap3A_1010 : i32 to index
        %swap3A_1012 = arith.index_cast %scan3A_933 : i32 to index
        %swap3A_1013 = arith.constant 80 : index
        %swap3A_1014 = tpu.vector_load %arg8[%swap3A_1011, %swap3A_1012, %swap3A_1013] {strides = array<i32>} : memref<8x32x128xf32, #tpu.memory_space<vmem>>, vector<1x1x16xf32>,
        %swap3A_1015 = vector.shape_cast %swap3A_1014 : vector<1x1x16xf32> to vector<16xf32>
        %swap3A_1016 = vector.shape_cast %add3A_1009 : vector<16xf32> to vector<1x1x16xf32>
        tpu.vector_store %arg8[%swap3A_1011, %swap3A_1012, %swap3A_1013], %swap3A_1016 {strides = array<i32>} : memref<8x32x128xf32, #tpu.memory_space<vmem>>, vector<1x1x16xf32>,
        %get3A_1017 = arith.constant 5 : i32
        %get3A_1018 = arith.index_cast %get3A_1017 : i32 to index
        %get3A_1019 = arith.index_cast %scan3A_933 : i32 to index
        %get3A_1020 = arith.constant 96 : index
        %get3A_1021 = tpu.vector_load %arg8[%get3A_1018, %get3A_1019, %get3A_1020] {strides = array<i32>} : memref<8x32x128xf32, #tpu.memory_space<vmem>>, vector<1x1x16xf32>,
        %get3A_1022 = vector.shape_cast %get3A_1021 : vector<1x1x16xf32> to vector<16xf32>
        %add3A_1023 = arith.addf %get3A_1022, %get3A_737 : vector<16xf32>
        %swap3A_1024 = arith.constant 5 : i32
        %swap3A_1025 = arith.index_cast %swap3A_1024 : i32 to index
        %swap3A_1026 = arith.index_cast %scan3A_933 : i32 to index
        %swap3A_1027 = arith.constant 96 : index
        %swap3A_1028 = tpu.vector_load %arg8[%swap3A_1025, %swap3A_1026, %swap3A_1027] {strides = array<i32>} : memref<8x32x128xf32, #tpu.memory_space<vmem>>, vector<1x1x16xf32>,
        %swap3A_1029 = vector.shape_cast %swap3A_1028 : vector<1x1x16xf32> to vector<16xf32>
        %swap3A_1030 = vector.shape_cast %add3A_1023 : vector<16xf32> to vector<1x1x16xf32>
        tpu.vector_store %arg8[%swap3A_1025, %swap3A_1026, %swap3A_1027], %swap3A_1030 {strides = array<i32>} : memref<8x32x128xf32, #tpu.memory_space<vmem>>, vector<1x1x16xf32>,
        %get3A_1031 = arith.constant 5 : i32
        %get3A_1032 = arith.index_cast %get3A_1031 : i32 to index
        %get3A_1033 = arith.index_cast %scan3A_933 : i32 to index
        %get3A_1034 = arith.constant 112 : index
        %get3A_1035 = tpu.vector_load %arg8[%get3A_1032, %get3A_1033, %get3A_1034] {strides = array<i32>} : memref<8x32x128xf32, #tpu.memory_space<vmem>>, vector<1x1x16xf32>,
        %get3A_1036 = vector.shape_cast %get3A_1035 : vector<1x1x16xf32> to vector<16xf32>
        %add3A_1037 = arith.addf %get3A_1036, %get3A_741 : vector<16xf32>
        %swap3A_1038 = arith.constant 5 : i32
        %swap3A_1039 = arith.index_cast %swap3A_1038 : i32 to index
        %swap3A_1040 = arith.index_cast %scan3A_933 : i32 to index
        %swap3A_1041 = arith.constant 112 : index
        %swap3A_1042 = tpu.vector_load %arg8[%swap3A_1039, %swap3A_1040, %swap3A_1041] {strides = array<i32>} : memref<8x32x128xf32, #tpu.memory_space<vmem>>, vector<1x1x16xf32>,
        %swap3A_1043 = vector.shape_cast %swap3A_1042 : vector<1x1x16xf32> to vector<16xf32>
        %swap3A_1044 = vector.shape_cast %add3A_1037 : vector<16xf32> to vector<1x1x16xf32>
        tpu.vector_store %arg8[%swap3A_1039, %swap3A_1040, %swap3A_1041], %swap3A_1044 {strides = array<i32>} : memref<8x32x128xf32, #tpu.memory_space<vmem>>, vector<1x1x16xf32>,
      }
      %scan3A_746 = arith.constant 32 : i32
      %dma_start3A_747 = arith.constant 5 : i32
      %dma_start3A_748 = arith.constant 5 : i32
      %dma_start3A_749 = arith.constant 0 : i32
      %dma_start3A_750 = arith.constant 0 : i32
      %dma_start3A_751 = tpu.memref_slice %arg8[%dma_start3A_747, %dma_start3A_749, %dma_start3A_750] : memref<8x32x128xf32, #tpu.memory_space<vmem>> -> memref<1x32x128xf32, #tpu.memory_space<vmem>>
      %dma_start3A_752 = tpu.memref_squeeze %dma_start3A_751 : memref<1x32x128xf32, #tpu.memory_space<vmem>> -> memref<32x128xf32, #tpu.memory_space<vmem>>
      %dma_start3A_753 = arith.constant 0 : i32
      %dma_start3A_754 = tpu.memref_slice %arg5[%mul3A_2, %add3A_684, %dma_start3A_753] : memref<1024x200x128xf32, #tpu.memory_space<hbm>> -> memref<32x1x128xf32, #tpu.memory_space<hbm>>
      %dma_start3A_755 = tpu.memref_squeeze %dma_start3A_754 : memref<32x1x128xf32, #tpu.memory_space<hbm>> -> memref<32x128xf32, #tpu.memory_space<hbm>>
      %dma_start3A_756 = tpu.memref_slice %arg10[%dma_start3A_748] : memref<8x!tpu.dma_semaphore, #tpu.memory_space<semaphore_mem>> -> memref<1x!tpu.dma_semaphore, #tpu.memory_space<semaphore_mem>>
      %dma_start3A_757 = tpu.memref_squeeze %dma_start3A_756 : memref<1x!tpu.dma_semaphore, #tpu.memory_space<semaphore_mem>> -> memref<!tpu.dma_semaphore, #tpu.memory_space<semaphore_mem>>
      %dma_start3A_758 = arith.constant 0 : i32
      %dma_start3A_759 = tpu.memref_slice %arg5[%mul3A_2, %add3A_684, %dma_start3A_758] : memref<1024x200x128xf32, #tpu.memory_space<hbm>> -> memref<32x1x128xf32, #tpu.memory_space<hbm>>
      %dma_start3A_760 = tpu.memref_squeeze %dma_start3A_759 : memref<32x1x128xf32, #tpu.memory_space<hbm>> -> memref<32x128xf32, #tpu.memory_space<hbm>>
      %dma_start3A_761 = arith.constant 0 : i32
      %dma_start3A_762 = arith.constant 0 : i32
      %dma_start3A_763 = tpu.memref_slice %arg8[%dma_start3A_747, %dma_start3A_761, %dma_start3A_762] : memref<8x32x128xf32, #tpu.memory_space<vmem>> -> memref<1x32x128xf32, #tpu.memory_space<vmem>>
      %dma_start3A_764 = tpu.memref_squeeze %dma_start3A_763 : memref<1x32x128xf32, #tpu.memory_space<vmem>> -> memref<32x128xf32, #tpu.memory_space<vmem>>
      tpu.enqueue_dma source(%dma_start3A_764 : memref<32x128xf32, #tpu.memory_space<vmem>>) target(%dma_start3A_760 : memref<32x128xf32, #tpu.memory_space<hbm>>) target_semaphore(%dma_start3A_757 : memref<!tpu.dma_semaphore, #tpu.memory_space<semaphore_mem>>)
      %mul3A_765 = arith.constant 8 : i32
      %mul3A_766 = arith.muli %scan3A_264, %mul3A_765 : i32
      %add3A_767 = arith.constant 6 : i32
      %add3A_768 = arith.addi %mul3A_766, %add3A_767 : i32
      %add3A_769 = arith.constant 6 : i32
      %add3A_770 = arith.addi %add3A_768, %add3A_769 : i32
      %lt3A_771 = arith.constant 200 : i32
      %lt3A_772 = arith.cmpi slt, %add3A_770, %lt3A_771 : i32
      %convert_element_type3A_773 = arith.extui %lt3A_772 : i1 to i32
      %cond3A_774 = arith.constant 0 : i32
      %cond3A_775 = arith.cmpi ne, %convert_element_type3A_773, %cond3A_774 : i32
      scf.if %cond3A_775 {
        %add3A_933 = arith.constant 6 : i32
        %add3A_934 = arith.addi %add3A_768, %add3A_933 : i32
        %ge3A = arith.constant 8 : i32
        %ge3A_935 = arith.cmpi sge, %add3A_934, %ge3A : i32
        %convert_element_type3A_936 = arith.extui %ge3A_935 : i1 to i32
        %cond3A_937 = arith.constant 0 : i32
        %cond3A_938 = arith.cmpi ne, %convert_element_type3A_936, %cond3A_937 : i32
        scf.if %cond3A_938 {
          %add3A_965 = arith.constant 6 : i32
          %add3A_966 = arith.addi %add3A_768, %add3A_965 : i32
          %jit3A_967 = arith.constant 8 : i32
          %eq3A_968 = arith.constant 0 : i32
          %eq3A_969 = arith.cmpi eq, %jit3A_967, %eq3A_968 : i32
          %jit3A_970 = arith.constant 1 : i32
          %select_n3A_971 = arith.select %eq3A_969, %jit3A_970, %jit3A_967 : i32
          %rem3A_972 = arith.remsi %add3A_966, %select_n3A_971 : i32
          %ne3A_973 = arith.constant 0 : i32
          %ne3A_974 = arith.cmpi ne, %rem3A_972, %ne3A_973 : i32
          %lt3A_975 = arith.constant 0 : i32
          %lt3A_976 = arith.cmpi slt, %rem3A_972, %lt3A_975 : i32
          %lt3A_977 = arith.constant 0 : i32
          %lt3A_978 = arith.cmpi slt, %select_n3A_971, %lt3A_977 : i32
          %ne3A_979 = arith.xori %lt3A_976, %lt3A_978 : i1
          %and3A_980 = arith.andi %ne3A_979, %ne3A_974 : i1
          %add3A_981 = arith.addi %rem3A_972, %select_n3A_971 : i32
          %select_n3A_982 = arith.select %and3A_980, %add3A_981, %rem3A_972 : i32
          %dma_wait3A_983 = arith.constant 0 : i32
          %dma_wait3A_984 = arith.constant 0 : i32
          %dma_wait3A_985 = arith.constant 0 : i32
          %dma_wait3A_986 = tpu.memref_slice %arg8[%select_n3A_982, %dma_wait3A_984, %dma_wait3A_985] : memref<8x32x128xf32, #tpu.memory_space<vmem>> -> memref<1x32x128xf32, #tpu.memory_space<vmem>>
          %dma_wait3A_987 = tpu.memref_squeeze %dma_wait3A_986 : memref<1x32x128xf32, #tpu.memory_space<vmem>> -> memref<32x128xf32, #tpu.memory_space<vmem>>
          %dma_wait3A_988 = arith.constant 0 : i32
          %dma_wait3A_989 = arith.constant 0 : i32
          %dma_wait3A_990 = tpu.memref_slice %arg5[%dma_wait3A_988, %dma_wait3A_983, %dma_wait3A_989] : memref<1024x200x128xf32, #tpu.memory_space<hbm>> -> memref<32x1x128xf32, #tpu.memory_space<hbm>>
          %dma_wait3A_991 = tpu.memref_squeeze %dma_wait3A_990 : memref<32x1x128xf32, #tpu.memory_space<hbm>> -> memref<32x128xf32, #tpu.memory_space<hbm>>
          %dma_wait3A_992 = tpu.memref_slice %arg10[%select_n3A_982] : memref<8x!tpu.dma_semaphore, #tpu.memory_space<semaphore_mem>> -> memref<1x!tpu.dma_semaphore, #tpu.memory_space<semaphore_mem>>
          %dma_wait3A_993 = tpu.memref_squeeze %dma_wait3A_992 : memref<1x!tpu.dma_semaphore, #tpu.memory_space<semaphore_mem>> -> memref<!tpu.dma_semaphore, #tpu.memory_space<semaphore_mem>>
          %dma_wait3A_994 = arith.constant 0 : i32
          %dma_wait3A_995 = arith.constant 0 : i32
          %dma_wait3A_996 = tpu.memref_slice %arg5[%dma_wait3A_994, %dma_wait3A_983, %dma_wait3A_995] : memref<1024x200x128xf32, #tpu.memory_space<hbm>> -> memref<32x1x128xf32, #tpu.memory_space<hbm>>
          %dma_wait3A_997 = tpu.memref_squeeze %dma_wait3A_996 : memref<32x1x128xf32, #tpu.memory_space<hbm>> -> memref<32x128xf32, #tpu.memory_space<hbm>>
          %dma_wait3A_998 = arith.constant 0 : i32
          %dma_wait3A_999 = arith.constant 0 : i32
          %dma_wait3A_1000 = tpu.memref_slice %arg8[%select_n3A_982, %dma_wait3A_998, %dma_wait3A_999] : memref<8x32x128xf32, #tpu.memory_space<vmem>> -> memref<1x32x128xf32, #tpu.memory_space<vmem>>
          %dma_wait3A_1001 = tpu.memref_squeeze %dma_wait3A_1000 : memref<1x32x128xf32, #tpu.memory_space<vmem>> -> memref<32x128xf32, #tpu.memory_space<vmem>>
          tpu.wait_dma2 semaphore(%dma_wait3A_993 : memref<!tpu.dma_semaphore, #tpu.memory_space<semaphore_mem>>) src(%dma_wait3A_1001 : memref<32x128xf32, #tpu.memory_space<vmem>>) dst(%dma_wait3A_997 : memref<32x128xf32, #tpu.memory_space<hbm>>)
        } else {
        }
        %add3A_939 = arith.constant 6 : i32
        %add3A_940 = arith.addi %add3A_768, %add3A_939 : i32
        %add3A_941 = arith.constant 6 : i32
        %add3A_942 = arith.addi %add3A_768, %add3A_941 : i32
        %jit3A = arith.constant 8 : i32
        %eq3A = arith.constant 0 : i32
        %eq3A_943 = arith.cmpi eq, %jit3A, %eq3A : i32
        %jit3A_944 = arith.constant 1 : i32
        %select_n3A = arith.select %eq3A_943, %jit3A_944, %jit3A : i32
        %rem3A = arith.remsi %add3A_942, %select_n3A : i32
        %ne3A = arith.constant 0 : i32
        %ne3A_945 = arith.cmpi ne, %rem3A, %ne3A : i32
        %lt3A_946 = arith.constant 0 : i32
        %lt3A_947 = arith.cmpi slt, %rem3A, %lt3A_946 : i32
        %lt3A_948 = arith.constant 0 : i32
        %lt3A_949 = arith.cmpi slt, %select_n3A, %lt3A_948 : i32
        %ne3A_950 = arith.xori %lt3A_947, %lt3A_949 : i1
        %and3A = arith.andi %ne3A_950, %ne3A_945 : i1
        %add3A_951 = arith.addi %rem3A, %select_n3A : i32
        %select_n3A_952 = arith.select %and3A, %add3A_951, %rem3A : i32
        %dma_start3A_953 = arith.constant 0 : i32
        %dma_start3A_954 = arith.constant 0 : i32
        %dma_start3A_955 = tpu.memref_slice %arg8[%select_n3A_952, %dma_start3A_953, %dma_start3A_954] : memref<8x32x128xf32, #tpu.memory_space<vmem>> -> memref<1x32x128xf32, #tpu.memory_space<vmem>>
        %dma_start3A_956 = tpu.memref_squeeze %dma_start3A_955 : memref<1x32x128xf32, #tpu.memory_space<vmem>> -> memref<32x128xf32, #tpu.memory_space<vmem>>
        %dma_start3A_957 = arith.constant 0 : i32
        %dma_start3A_958 = tpu.memref_slice %arg7[%add3A_940, %dma_start3A_957] : memref<200x32xi32, #tpu.memory_space<vmem>> -> memref<1x32xi32, #tpu.memory_space<vmem>>
        %dma_start3A_959 = tpu.memref_squeeze %dma_start3A_958 : memref<1x32xi32, #tpu.memory_space<vmem>> -> memref<32xi32, #tpu.memory_space<vmem>>
        %dma_start3A_960 = arith.constant 0 : i32
        %dma_start3A_961 = arith.constant 0 : i32
        %dma_start3A_962 = tpu.memref_slice %arg3[%dma_start3A_960, %dma_start3A_961] : memref<100000x128xf32, #tpu.memory_space<hbm>> -> memref<100000x128xf32, #tpu.memory_space<hbm>>
        %dma_start3A_963 = tpu.memref_slice %arg9[%select_n3A_952] : memref<8x!tpu.dma_semaphore, #tpu.memory_space<semaphore_mem>> -> memref<1x!tpu.dma_semaphore, #tpu.memory_space<semaphore_mem>>
        %dma_start3A_964 = tpu.memref_squeeze %dma_start3A_963 : memref<1x!tpu.dma_semaphore, #tpu.memory_space<semaphore_mem>> -> memref<!tpu.dma_semaphore, #tpu.memory_space<semaphore_mem>>
        tpu.enqueue_indirect_dma source(%dma_start3A_962 : memref<100000x128xf32, #tpu.memory_space<hbm>>) target(%dma_start3A_956 : memref<32x128xf32, #tpu.memory_space<vmem>>) offsets(%dma_start3A_959 : memref<32xi32, #tpu.memory_space<vmem>>) semaphore(%dma_start3A_964 : memref<!tpu.dma_semaphore, #tpu.memory_space<semaphore_mem>>)
      } else {
      }
      %dma_wait3A_776 = arith.constant 6 : i32
      %dma_wait3A_777 = arith.constant 6 : i32
      %dma_wait3A_778 = arith.constant 0 : i32
      %dma_wait3A_779 = arith.constant 0 : i32
      %dma_wait3A_780 = tpu.memref_slice %arg8[%dma_wait3A_776, %dma_wait3A_778, %dma_wait3A_779] : memref<8x32x128xf32, #tpu.memory_space<vmem>> -> memref<1x32x128xf32, #tpu.memory_space<vmem>>
      %dma_wait3A_781 = tpu.memref_squeeze %dma_wait3A_780 : memref<1x32x128xf32, #tpu.memory_space<vmem>> -> memref<32x128xf32, #tpu.memory_space<vmem>>
      %dma_wait3A_782 = arith.constant 0 : i32
      %dma_wait3A_783 = arith.constant 0 : i32
      %dma_wait3A_784 = tpu.memref_slice %arg3[%dma_wait3A_782, %dma_wait3A_783] : memref<100000x128xf32, #tpu.memory_space<hbm>> -> memref<32x128xf32, #tpu.memory_space<hbm>>
      %dma_wait3A_785 = tpu.memref_slice %arg9[%dma_wait3A_777] : memref<8x!tpu.dma_semaphore, #tpu.memory_space<semaphore_mem>> -> memref<1x!tpu.dma_semaphore, #tpu.memory_space<semaphore_mem>>
      %dma_wait3A_786 = tpu.memref_squeeze %dma_wait3A_785 : memref<1x!tpu.dma_semaphore, #tpu.memory_space<semaphore_mem>> -> memref<!tpu.dma_semaphore, #tpu.memory_space<semaphore_mem>>
      %dma_wait3A_787 = arith.constant 0 : i32
      %dma_wait3A_788 = arith.constant 0 : i32
      %dma_wait3A_789 = tpu.memref_slice %arg8[%dma_wait3A_776, %dma_wait3A_787, %dma_wait3A_788] : memref<8x32x128xf32, #tpu.memory_space<vmem>> -> memref<1x32x128xf32, #tpu.memory_space<vmem>>
      %dma_wait3A_790 = tpu.memref_squeeze %dma_wait3A_789 : memref<1x32x128xf32, #tpu.memory_space<vmem>> -> memref<32x128xf32, #tpu.memory_space<vmem>>
      %dma_wait3A_791 = arith.constant 0 : i32
      %dma_wait3A_792 = arith.constant 0 : i32
      %dma_wait3A_793 = tpu.memref_slice %arg3[%dma_wait3A_791, %dma_wait3A_792] : memref<100000x128xf32, #tpu.memory_space<hbm>> -> memref<32x128xf32, #tpu.memory_space<hbm>>
      tpu.wait_dma2 semaphore(%dma_wait3A_786 : memref<!tpu.dma_semaphore, #tpu.memory_space<semaphore_mem>>) src(%dma_wait3A_793 : memref<32x128xf32, #tpu.memory_space<hbm>>) dst(%dma_wait3A_790 : memref<32x128xf32, #tpu.memory_space<vmem>>)
      %get3A_794 = arith.index_cast %add3A_768 : i32 to index
      %get3A_795 = arith.constant 0 : index
      %get3A_796 = tpu.vector_load %arg6[%get3A_794, %get3A_795] {strides = array<i32>} : memref<200x128xf32, #tpu.memory_space<vmem>>, vector<1x16xf32>,
      %get3A_797 = vector.shape_cast %get3A_796 : vector<1x16xf32> to vector<16xf32>
      %get3A_798 = arith.index_cast %add3A_768 : i32 to index
      %get3A_799 = arith.constant 16 : index
      %get3A_800 = tpu.vector_load %arg6[%get3A_798, %get3A_799] {strides = array<i32>} : memref<200x128xf32, #tpu.memory_space<vmem>>, vector<1x16xf32>,
      %get3A_801 = vector.shape_cast %get3A_800 : vector<1x16xf32> to vector<16xf32>
      %get3A_802 = arith.index_cast %add3A_768 : i32 to index
      %get3A_803 = arith.constant 32 : index
      %get3A_804 = tpu.vector_load %arg6[%get3A_802, %get3A_803] {strides = array<i32>} : memref<200x128xf32, #tpu.memory_space<vmem>>, vector<1x16xf32>,
      %get3A_805 = vector.shape_cast %get3A_804 : vector<1x16xf32> to vector<16xf32>
      %get3A_806 = arith.index_cast %add3A_768 : i32 to index
      %get3A_807 = arith.constant 48 : index
      %get3A_808 = tpu.vector_load %arg6[%get3A_806, %get3A_807] {strides = array<i32>} : memref<200x128xf32, #tpu.memory_space<vmem>>, vector<1x16xf32>,
      %get3A_809 = vector.shape_cast %get3A_808 : vector<1x16xf32> to vector<16xf32>
      %get3A_810 = arith.index_cast %add3A_768 : i32 to index
      %get3A_811 = arith.constant 64 : index
      %get3A_812 = tpu.vector_load %arg6[%get3A_810, %get3A_811] {strides = array<i32>} : memref<200x128xf32, #tpu.memory_space<vmem>>, vector<1x16xf32>,
      %get3A_813 = vector.shape_cast %get3A_812 : vector<1x16xf32> to vector<16xf32>
      %get3A_814 = arith.index_cast %add3A_768 : i32 to index
      %get3A_815 = arith.constant 80 : index
      %get3A_816 = tpu.vector_load %arg6[%get3A_814, %get3A_815] {strides = array<i32>} : memref<200x128xf32, #tpu.memory_space<vmem>>, vector<1x16xf32>,
      %get3A_817 = vector.shape_cast %get3A_816 : vector<1x16xf32> to vector<16xf32>
      %get3A_818 = arith.index_cast %add3A_768 : i32 to index
      %get3A_819 = arith.constant 96 : index
      %get3A_820 = tpu.vector_load %arg6[%get3A_818, %get3A_819] {strides = array<i32>} : memref<200x128xf32, #tpu.memory_space<vmem>>, vector<1x16xf32>,
      %get3A_821 = vector.shape_cast %get3A_820 : vector<1x16xf32> to vector<16xf32>
      %get3A_822 = arith.index_cast %add3A_768 : i32 to index
      %get3A_823 = arith.constant 112 : index
      %get3A_824 = tpu.vector_load %arg6[%get3A_822, %get3A_823] {strides = array<i32>} : memref<200x128xf32, #tpu.memory_space<vmem>>, vector<1x16xf32>,
      %get3A_825 = vector.shape_cast %get3A_824 : vector<1x16xf32> to vector<16xf32>
      %scan3A_826 = arith.constant 0 : i32
      %scan3A_827 = arith.constant 32 : i32
      %scan3A_828 = arith.addi %scan3A_826, %scan3A_827 : i32
      %scan3A_829 = arith.constant 1 : i32
      scf.for %scan3A_933 = %scan3A_826 to %scan3A_828 step %scan3A_829  : i32 {
        %get3A_934 = arith.constant 6 : i32
        %get3A_935 = arith.index_cast %get3A_934 : i32 to index
        %get3A_936 = arith.index_cast %scan3A_933 : i32 to index
        %get3A_937 = arith.constant 0 : index
        %get3A_938 = tpu.vector_load %arg8[%get3A_935, %get3A_936, %get3A_937] {strides = array<i32>} : memref<8x32x128xf32, #tpu.memory_space<vmem>>, vector<1x1x16xf32>,
        %get3A_939 = vector.shape_cast %get3A_938 : vector<1x1x16xf32> to vector<16xf32>
        %add3A_940 = arith.addf %get3A_939, %get3A_797 : vector<16xf32>
        %swap3A = arith.constant 6 : i32
        %swap3A_941 = arith.index_cast %swap3A : i32 to index
        %swap3A_942 = arith.index_cast %scan3A_933 : i32 to index
        %swap3A_943 = arith.constant 0 : index
        %swap3A_944 = tpu.vector_load %arg8[%swap3A_941, %swap3A_942, %swap3A_943] {strides = array<i32>} : memref<8x32x128xf32, #tpu.memory_space<vmem>>, vector<1x1x16xf32>,
        %swap3A_945 = vector.shape_cast %swap3A_944 : vector<1x1x16xf32> to vector<16xf32>
        %swap3A_946 = vector.shape_cast %add3A_940 : vector<16xf32> to vector<1x1x16xf32>
        tpu.vector_store %arg8[%swap3A_941, %swap3A_942, %swap3A_943], %swap3A_946 {strides = array<i32>} : memref<8x32x128xf32, #tpu.memory_space<vmem>>, vector<1x1x16xf32>,
        %get3A_947 = arith.constant 6 : i32
        %get3A_948 = arith.index_cast %get3A_947 : i32 to index
        %get3A_949 = arith.index_cast %scan3A_933 : i32 to index
        %get3A_950 = arith.constant 16 : index
        %get3A_951 = tpu.vector_load %arg8[%get3A_948, %get3A_949, %get3A_950] {strides = array<i32>} : memref<8x32x128xf32, #tpu.memory_space<vmem>>, vector<1x1x16xf32>,
        %get3A_952 = vector.shape_cast %get3A_951 : vector<1x1x16xf32> to vector<16xf32>
        %add3A_953 = arith.addf %get3A_952, %get3A_801 : vector<16xf32>
        %swap3A_954 = arith.constant 6 : i32
        %swap3A_955 = arith.index_cast %swap3A_954 : i32 to index
        %swap3A_956 = arith.index_cast %scan3A_933 : i32 to index
        %swap3A_957 = arith.constant 16 : index
        %swap3A_958 = tpu.vector_load %arg8[%swap3A_955, %swap3A_956, %swap3A_957] {strides = array<i32>} : memref<8x32x128xf32, #tpu.memory_space<vmem>>, vector<1x1x16xf32>,
        %swap3A_959 = vector.shape_cast %swap3A_958 : vector<1x1x16xf32> to vector<16xf32>
        %swap3A_960 = vector.shape_cast %add3A_953 : vector<16xf32> to vector<1x1x16xf32>
        tpu.vector_store %arg8[%swap3A_955, %swap3A_956, %swap3A_957], %swap3A_960 {strides = array<i32>} : memref<8x32x128xf32, #tpu.memory_space<vmem>>, vector<1x1x16xf32>,
        %get3A_961 = arith.constant 6 : i32
        %get3A_962 = arith.index_cast %get3A_961 : i32 to index
        %get3A_963 = arith.index_cast %scan3A_933 : i32 to index
        %get3A_964 = arith.constant 32 : index
        %get3A_965 = tpu.vector_load %arg8[%get3A_962, %get3A_963, %get3A_964] {strides = array<i32>} : memref<8x32x128xf32, #tpu.memory_space<vmem>>, vector<1x1x16xf32>,
        %get3A_966 = vector.shape_cast %get3A_965 : vector<1x1x16xf32> to vector<16xf32>
        %add3A_967 = arith.addf %get3A_966, %get3A_805 : vector<16xf32>
        %swap3A_968 = arith.constant 6 : i32
        %swap3A_969 = arith.index_cast %swap3A_968 : i32 to index
        %swap3A_970 = arith.index_cast %scan3A_933 : i32 to index
        %swap3A_971 = arith.constant 32 : index
        %swap3A_972 = tpu.vector_load %arg8[%swap3A_969, %swap3A_970, %swap3A_971] {strides = array<i32>} : memref<8x32x128xf32, #tpu.memory_space<vmem>>, vector<1x1x16xf32>,
        %swap3A_973 = vector.shape_cast %swap3A_972 : vector<1x1x16xf32> to vector<16xf32>
        %swap3A_974 = vector.shape_cast %add3A_967 : vector<16xf32> to vector<1x1x16xf32>
        tpu.vector_store %arg8[%swap3A_969, %swap3A_970, %swap3A_971], %swap3A_974 {strides = array<i32>} : memref<8x32x128xf32, #tpu.memory_space<vmem>>, vector<1x1x16xf32>,
        %get3A_975 = arith.constant 6 : i32
        %get3A_976 = arith.index_cast %get3A_975 : i32 to index
        %get3A_977 = arith.index_cast %scan3A_933 : i32 to index
        %get3A_978 = arith.constant 48 : index
        %get3A_979 = tpu.vector_load %arg8[%get3A_976, %get3A_977, %get3A_978] {strides = array<i32>} : memref<8x32x128xf32, #tpu.memory_space<vmem>>, vector<1x1x16xf32>,
        %get3A_980 = vector.shape_cast %get3A_979 : vector<1x1x16xf32> to vector<16xf32>
        %add3A_981 = arith.addf %get3A_980, %get3A_809 : vector<16xf32>
        %swap3A_982 = arith.constant 6 : i32
        %swap3A_983 = arith.index_cast %swap3A_982 : i32 to index
        %swap3A_984 = arith.index_cast %scan3A_933 : i32 to index
        %swap3A_985 = arith.constant 48 : index
        %swap3A_986 = tpu.vector_load %arg8[%swap3A_983, %swap3A_984, %swap3A_985] {strides = array<i32>} : memref<8x32x128xf32, #tpu.memory_space<vmem>>, vector<1x1x16xf32>,
        %swap3A_987 = vector.shape_cast %swap3A_986 : vector<1x1x16xf32> to vector<16xf32>
        %swap3A_988 = vector.shape_cast %add3A_981 : vector<16xf32> to vector<1x1x16xf32>
        tpu.vector_store %arg8[%swap3A_983, %swap3A_984, %swap3A_985], %swap3A_988 {strides = array<i32>} : memref<8x32x128xf32, #tpu.memory_space<vmem>>, vector<1x1x16xf32>,
        %get3A_989 = arith.constant 6 : i32
        %get3A_990 = arith.index_cast %get3A_989 : i32 to index
        %get3A_991 = arith.index_cast %scan3A_933 : i32 to index
        %get3A_992 = arith.constant 64 : index
        %get3A_993 = tpu.vector_load %arg8[%get3A_990, %get3A_991, %get3A_992] {strides = array<i32>} : memref<8x32x128xf32, #tpu.memory_space<vmem>>, vector<1x1x16xf32>,
        %get3A_994 = vector.shape_cast %get3A_993 : vector<1x1x16xf32> to vector<16xf32>
        %add3A_995 = arith.addf %get3A_994, %get3A_813 : vector<16xf32>
        %swap3A_996 = arith.constant 6 : i32
        %swap3A_997 = arith.index_cast %swap3A_996 : i32 to index
        %swap3A_998 = arith.index_cast %scan3A_933 : i32 to index
        %swap3A_999 = arith.constant 64 : index
        %swap3A_1000 = tpu.vector_load %arg8[%swap3A_997, %swap3A_998, %swap3A_999] {strides = array<i32>} : memref<8x32x128xf32, #tpu.memory_space<vmem>>, vector<1x1x16xf32>,
        %swap3A_1001 = vector.shape_cast %swap3A_1000 : vector<1x1x16xf32> to vector<16xf32>
        %swap3A_1002 = vector.shape_cast %add3A_995 : vector<16xf32> to vector<1x1x16xf32>
        tpu.vector_store %arg8[%swap3A_997, %swap3A_998, %swap3A_999], %swap3A_1002 {strides = array<i32>} : memref<8x32x128xf32, #tpu.memory_space<vmem>>, vector<1x1x16xf32>,
        %get3A_1003 = arith.constant 6 : i32
        %get3A_1004 = arith.index_cast %get3A_1003 : i32 to index
        %get3A_1005 = arith.index_cast %scan3A_933 : i32 to index
        %get3A_1006 = arith.constant 80 : index
        %get3A_1007 = tpu.vector_load %arg8[%get3A_1004, %get3A_1005, %get3A_1006] {strides = array<i32>} : memref<8x32x128xf32, #tpu.memory_space<vmem>>, vector<1x1x16xf32>,
        %get3A_1008 = vector.shape_cast %get3A_1007 : vector<1x1x16xf32> to vector<16xf32>
        %add3A_1009 = arith.addf %get3A_1008, %get3A_817 : vector<16xf32>
        %swap3A_1010 = arith.constant 6 : i32
        %swap3A_1011 = arith.index_cast %swap3A_1010 : i32 to index
        %swap3A_1012 = arith.index_cast %scan3A_933 : i32 to index
        %swap3A_1013 = arith.constant 80 : index
        %swap3A_1014 = tpu.vector_load %arg8[%swap3A_1011, %swap3A_1012, %swap3A_1013] {strides = array<i32>} : memref<8x32x128xf32, #tpu.memory_space<vmem>>, vector<1x1x16xf32>,
        %swap3A_1015 = vector.shape_cast %swap3A_1014 : vector<1x1x16xf32> to vector<16xf32>
        %swap3A_1016 = vector.shape_cast %add3A_1009 : vector<16xf32> to vector<1x1x16xf32>
        tpu.vector_store %arg8[%swap3A_1011, %swap3A_1012, %swap3A_1013], %swap3A_1016 {strides = array<i32>} : memref<8x32x128xf32, #tpu.memory_space<vmem>>, vector<1x1x16xf32>,
        %get3A_1017 = arith.constant 6 : i32
        %get3A_1018 = arith.index_cast %get3A_1017 : i32 to index
        %get3A_1019 = arith.index_cast %scan3A_933 : i32 to index
        %get3A_1020 = arith.constant 96 : index
        %get3A_1021 = tpu.vector_load %arg8[%get3A_1018, %get3A_1019, %get3A_1020] {strides = array<i32>} : memref<8x32x128xf32, #tpu.memory_space<vmem>>, vector<1x1x16xf32>,
        %get3A_1022 = vector.shape_cast %get3A_1021 : vector<1x1x16xf32> to vector<16xf32>
        %add3A_1023 = arith.addf %get3A_1022, %get3A_821 : vector<16xf32>
        %swap3A_1024 = arith.constant 6 : i32
        %swap3A_1025 = arith.index_cast %swap3A_1024 : i32 to index
        %swap3A_1026 = arith.index_cast %scan3A_933 : i32 to index
        %swap3A_1027 = arith.constant 96 : index
        %swap3A_1028 = tpu.vector_load %arg8[%swap3A_1025, %swap3A_1026, %swap3A_1027] {strides = array<i32>} : memref<8x32x128xf32, #tpu.memory_space<vmem>>, vector<1x1x16xf32>,
        %swap3A_1029 = vector.shape_cast %swap3A_1028 : vector<1x1x16xf32> to vector<16xf32>
        %swap3A_1030 = vector.shape_cast %add3A_1023 : vector<16xf32> to vector<1x1x16xf32>
        tpu.vector_store %arg8[%swap3A_1025, %swap3A_1026, %swap3A_1027], %swap3A_1030 {strides = array<i32>} : memref<8x32x128xf32, #tpu.memory_space<vmem>>, vector<1x1x16xf32>,
        %get3A_1031 = arith.constant 6 : i32
        %get3A_1032 = arith.index_cast %get3A_1031 : i32 to index
        %get3A_1033 = arith.index_cast %scan3A_933 : i32 to index
        %get3A_1034 = arith.constant 112 : index
        %get3A_1035 = tpu.vector_load %arg8[%get3A_1032, %get3A_1033, %get3A_1034] {strides = array<i32>} : memref<8x32x128xf32, #tpu.memory_space<vmem>>, vector<1x1x16xf32>,
        %get3A_1036 = vector.shape_cast %get3A_1035 : vector<1x1x16xf32> to vector<16xf32>
        %add3A_1037 = arith.addf %get3A_1036, %get3A_825 : vector<16xf32>
        %swap3A_1038 = arith.constant 6 : i32
        %swap3A_1039 = arith.index_cast %swap3A_1038 : i32 to index
        %swap3A_1040 = arith.index_cast %scan3A_933 : i32 to index
        %swap3A_1041 = arith.constant 112 : index
        %swap3A_1042 = tpu.vector_load %arg8[%swap3A_1039, %swap3A_1040, %swap3A_1041] {strides = array<i32>} : memref<8x32x128xf32, #tpu.memory_space<vmem>>, vector<1x1x16xf32>,
        %swap3A_1043 = vector.shape_cast %swap3A_1042 : vector<1x1x16xf32> to vector<16xf32>
        %swap3A_1044 = vector.shape_cast %add3A_1037 : vector<16xf32> to vector<1x1x16xf32>
        tpu.vector_store %arg8[%swap3A_1039, %swap3A_1040, %swap3A_1041], %swap3A_1044 {strides = array<i32>} : memref<8x32x128xf32, #tpu.memory_space<vmem>>, vector<1x1x16xf32>,
      }
      %scan3A_830 = arith.constant 32 : i32
      %dma_start3A_831 = arith.constant 6 : i32
      %dma_start3A_832 = arith.constant 6 : i32
      %dma_start3A_833 = arith.constant 0 : i32
      %dma_start3A_834 = arith.constant 0 : i32
      %dma_start3A_835 = tpu.memref_slice %arg8[%dma_start3A_831, %dma_start3A_833, %dma_start3A_834] : memref<8x32x128xf32, #tpu.memory_space<vmem>> -> memref<1x32x128xf32, #tpu.memory_space<vmem>>
      %dma_start3A_836 = tpu.memref_squeeze %dma_start3A_835 : memref<1x32x128xf32, #tpu.memory_space<vmem>> -> memref<32x128xf32, #tpu.memory_space<vmem>>
      %dma_start3A_837 = arith.constant 0 : i32
      %dma_start3A_838 = tpu.memref_slice %arg5[%mul3A_2, %add3A_768, %dma_start3A_837] : memref<1024x200x128xf32, #tpu.memory_space<hbm>> -> memref<32x1x128xf32, #tpu.memory_space<hbm>>
      %dma_start3A_839 = tpu.memref_squeeze %dma_start3A_838 : memref<32x1x128xf32, #tpu.memory_space<hbm>> -> memref<32x128xf32, #tpu.memory_space<hbm>>
      %dma_start3A_840 = tpu.memref_slice %arg10[%dma_start3A_832] : memref<8x!tpu.dma_semaphore, #tpu.memory_space<semaphore_mem>> -> memref<1x!tpu.dma_semaphore, #tpu.memory_space<semaphore_mem>>
      %dma_start3A_841 = tpu.memref_squeeze %dma_start3A_840 : memref<1x!tpu.dma_semaphore, #tpu.memory_space<semaphore_mem>> -> memref<!tpu.dma_semaphore, #tpu.memory_space<semaphore_mem>>
      %dma_start3A_842 = arith.constant 0 : i32
      %dma_start3A_843 = tpu.memref_slice %arg5[%mul3A_2, %add3A_768, %dma_start3A_842] : memref<1024x200x128xf32, #tpu.memory_space<hbm>> -> memref<32x1x128xf32, #tpu.memory_space<hbm>>
      %dma_start3A_844 = tpu.memref_squeeze %dma_start3A_843 : memref<32x1x128xf32, #tpu.memory_space<hbm>> -> memref<32x128xf32, #tpu.memory_space<hbm>>
      %dma_start3A_845 = arith.constant 0 : i32
      %dma_start3A_846 = arith.constant 0 : i32
      %dma_start3A_847 = tpu.memref_slice %arg8[%dma_start3A_831, %dma_start3A_845, %dma_start3A_846] : memref<8x32x128xf32, #tpu.memory_space<vmem>> -> memref<1x32x128xf32, #tpu.memory_space<vmem>>
      %dma_start3A_848 = tpu.memref_squeeze %dma_start3A_847 : memref<1x32x128xf32, #tpu.memory_space<vmem>> -> memref<32x128xf32, #tpu.memory_space<vmem>>
      tpu.enqueue_dma source(%dma_start3A_848 : memref<32x128xf32, #tpu.memory_space<vmem>>) target(%dma_start3A_844 : memref<32x128xf32, #tpu.memory_space<hbm>>) target_semaphore(%dma_start3A_841 : memref<!tpu.dma_semaphore, #tpu.memory_space<semaphore_mem>>)
      %mul3A_849 = arith.constant 8 : i32
      %mul3A_850 = arith.muli %scan3A_264, %mul3A_849 : i32
      %add3A_851 = arith.constant 7 : i32
      %add3A_852 = arith.addi %mul3A_850, %add3A_851 : i32
      %add3A_853 = arith.constant 6 : i32
      %add3A_854 = arith.addi %add3A_852, %add3A_853 : i32
      %lt3A_855 = arith.constant 200 : i32
      %lt3A_856 = arith.cmpi slt, %add3A_854, %lt3A_855 : i32
      %convert_element_type3A_857 = arith.extui %lt3A_856 : i1 to i32
      %cond3A_858 = arith.constant 0 : i32
      %cond3A_859 = arith.cmpi ne, %convert_element_type3A_857, %cond3A_858 : i32
      scf.if %cond3A_859 {
        %add3A_933 = arith.constant 6 : i32
        %add3A_934 = arith.addi %add3A_852, %add3A_933 : i32
        %ge3A = arith.constant 8 : i32
        %ge3A_935 = arith.cmpi sge, %add3A_934, %ge3A : i32
        %convert_element_type3A_936 = arith.extui %ge3A_935 : i1 to i32
        %cond3A_937 = arith.constant 0 : i32
        %cond3A_938 = arith.cmpi ne, %convert_element_type3A_936, %cond3A_937 : i32
        scf.if %cond3A_938 {
          %add3A_965 = arith.constant 6 : i32
          %add3A_966 = arith.addi %add3A_852, %add3A_965 : i32
          %jit3A_967 = arith.constant 8 : i32
          %eq3A_968 = arith.constant 0 : i32
          %eq3A_969 = arith.cmpi eq, %jit3A_967, %eq3A_968 : i32
          %jit3A_970 = arith.constant 1 : i32
          %select_n3A_971 = arith.select %eq3A_969, %jit3A_970, %jit3A_967 : i32
          %rem3A_972 = arith.remsi %add3A_966, %select_n3A_971 : i32
          %ne3A_973 = arith.constant 0 : i32
          %ne3A_974 = arith.cmpi ne, %rem3A_972, %ne3A_973 : i32
          %lt3A_975 = arith.constant 0 : i32
          %lt3A_976 = arith.cmpi slt, %rem3A_972, %lt3A_975 : i32
          %lt3A_977 = arith.constant 0 : i32
          %lt3A_978 = arith.cmpi slt, %select_n3A_971, %lt3A_977 : i32
          %ne3A_979 = arith.xori %lt3A_976, %lt3A_978 : i1
          %and3A_980 = arith.andi %ne3A_979, %ne3A_974 : i1
          %add3A_981 = arith.addi %rem3A_972, %select_n3A_971 : i32
          %select_n3A_982 = arith.select %and3A_980, %add3A_981, %rem3A_972 : i32
          %dma_wait3A_983 = arith.constant 0 : i32
          %dma_wait3A_984 = arith.constant 0 : i32
          %dma_wait3A_985 = arith.constant 0 : i32
          %dma_wait3A_986 = tpu.memref_slice %arg8[%select_n3A_982, %dma_wait3A_984, %dma_wait3A_985] : memref<8x32x128xf32, #tpu.memory_space<vmem>> -> memref<1x32x128xf32, #tpu.memory_space<vmem>>
          %dma_wait3A_987 = tpu.memref_squeeze %dma_wait3A_986 : memref<1x32x128xf32, #tpu.memory_space<vmem>> -> memref<32x128xf32, #tpu.memory_space<vmem>>
          %dma_wait3A_988 = arith.constant 0 : i32
          %dma_wait3A_989 = arith.constant 0 : i32
          %dma_wait3A_990 = tpu.memref_slice %arg5[%dma_wait3A_988, %dma_wait3A_983, %dma_wait3A_989] : memref<1024x200x128xf32, #tpu.memory_space<hbm>> -> memref<32x1x128xf32, #tpu.memory_space<hbm>>
          %dma_wait3A_991 = tpu.memref_squeeze %dma_wait3A_990 : memref<32x1x128xf32, #tpu.memory_space<hbm>> -> memref<32x128xf32, #tpu.memory_space<hbm>>
          %dma_wait3A_992 = tpu.memref_slice %arg10[%select_n3A_982] : memref<8x!tpu.dma_semaphore, #tpu.memory_space<semaphore_mem>> -> memref<1x!tpu.dma_semaphore, #tpu.memory_space<semaphore_mem>>
          %dma_wait3A_993 = tpu.memref_squeeze %dma_wait3A_992 : memref<1x!tpu.dma_semaphore, #tpu.memory_space<semaphore_mem>> -> memref<!tpu.dma_semaphore, #tpu.memory_space<semaphore_mem>>
          %dma_wait3A_994 = arith.constant 0 : i32
          %dma_wait3A_995 = arith.constant 0 : i32
          %dma_wait3A_996 = tpu.memref_slice %arg5[%dma_wait3A_994, %dma_wait3A_983, %dma_wait3A_995] : memref<1024x200x128xf32, #tpu.memory_space<hbm>> -> memref<32x1x128xf32, #tpu.memory_space<hbm>>
          %dma_wait3A_997 = tpu.memref_squeeze %dma_wait3A_996 : memref<32x1x128xf32, #tpu.memory_space<hbm>> -> memref<32x128xf32, #tpu.memory_space<hbm>>
          %dma_wait3A_998 = arith.constant 0 : i32
          %dma_wait3A_999 = arith.constant 0 : i32
          %dma_wait3A_1000 = tpu.memref_slice %arg8[%select_n3A_982, %dma_wait3A_998, %dma_wait3A_999] : memref<8x32x128xf32, #tpu.memory_space<vmem>> -> memref<1x32x128xf32, #tpu.memory_space<vmem>>
          %dma_wait3A_1001 = tpu.memref_squeeze %dma_wait3A_1000 : memref<1x32x128xf32, #tpu.memory_space<vmem>> -> memref<32x128xf32, #tpu.memory_space<vmem>>
          tpu.wait_dma2 semaphore(%dma_wait3A_993 : memref<!tpu.dma_semaphore, #tpu.memory_space<semaphore_mem>>) src(%dma_wait3A_1001 : memref<32x128xf32, #tpu.memory_space<vmem>>) dst(%dma_wait3A_997 : memref<32x128xf32, #tpu.memory_space<hbm>>)
        } else {
        }
        %add3A_939 = arith.constant 6 : i32
        %add3A_940 = arith.addi %add3A_852, %add3A_939 : i32
        %add3A_941 = arith.constant 6 : i32
        %add3A_942 = arith.addi %add3A_852, %add3A_941 : i32
        %jit3A = arith.constant 8 : i32
        %eq3A = arith.constant 0 : i32
        %eq3A_943 = arith.cmpi eq, %jit3A, %eq3A : i32
        %jit3A_944 = arith.constant 1 : i32
        %select_n3A = arith.select %eq3A_943, %jit3A_944, %jit3A : i32
        %rem3A = arith.remsi %add3A_942, %select_n3A : i32
        %ne3A = arith.constant 0 : i32
        %ne3A_945 = arith.cmpi ne, %rem3A, %ne3A : i32
        %lt3A_946 = arith.constant 0 : i32
        %lt3A_947 = arith.cmpi slt, %rem3A, %lt3A_946 : i32
        %lt3A_948 = arith.constant 0 : i32
        %lt3A_949 = arith.cmpi slt, %select_n3A, %lt3A_948 : i32
        %ne3A_950 = arith.xori %lt3A_947, %lt3A_949 : i1
        %and3A = arith.andi %ne3A_950, %ne3A_945 : i1
        %add3A_951 = arith.addi %rem3A, %select_n3A : i32
        %select_n3A_952 = arith.select %and3A, %add3A_951, %rem3A : i32
        %dma_start3A_953 = arith.constant 0 : i32
        %dma_start3A_954 = arith.constant 0 : i32
        %dma_start3A_955 = tpu.memref_slice %arg8[%select_n3A_952, %dma_start3A_953, %dma_start3A_954] : memref<8x32x128xf32, #tpu.memory_space<vmem>> -> memref<1x32x128xf32, #tpu.memory_space<vmem>>
        %dma_start3A_956 = tpu.memref_squeeze %dma_start3A_955 : memref<1x32x128xf32, #tpu.memory_space<vmem>> -> memref<32x128xf32, #tpu.memory_space<vmem>>
        %dma_start3A_957 = arith.constant 0 : i32
        %dma_start3A_958 = tpu.memref_slice %arg7[%add3A_940, %dma_start3A_957] : memref<200x32xi32, #tpu.memory_space<vmem>> -> memref<1x32xi32, #tpu.memory_space<vmem>>
        %dma_start3A_959 = tpu.memref_squeeze %dma_start3A_958 : memref<1x32xi32, #tpu.memory_space<vmem>> -> memref<32xi32, #tpu.memory_space<vmem>>
        %dma_start3A_960 = arith.constant 0 : i32
        %dma_start3A_961 = arith.constant 0 : i32
        %dma_start3A_962 = tpu.memref_slice %arg3[%dma_start3A_960, %dma_start3A_961] : memref<100000x128xf32, #tpu.memory_space<hbm>> -> memref<100000x128xf32, #tpu.memory_space<hbm>>
        %dma_start3A_963 = tpu.memref_slice %arg9[%select_n3A_952] : memref<8x!tpu.dma_semaphore, #tpu.memory_space<semaphore_mem>> -> memref<1x!tpu.dma_semaphore, #tpu.memory_space<semaphore_mem>>
        %dma_start3A_964 = tpu.memref_squeeze %dma_start3A_963 : memref<1x!tpu.dma_semaphore, #tpu.memory_space<semaphore_mem>> -> memref<!tpu.dma_semaphore, #tpu.memory_space<semaphore_mem>>
        tpu.enqueue_indirect_dma source(%dma_start3A_962 : memref<100000x128xf32, #tpu.memory_space<hbm>>) target(%dma_start3A_956 : memref<32x128xf32, #tpu.memory_space<vmem>>) offsets(%dma_start3A_959 : memref<32xi32, #tpu.memory_space<vmem>>) semaphore(%dma_start3A_964 : memref<!tpu.dma_semaphore, #tpu.memory_space<semaphore_mem>>)
      } else {
      }
      %dma_wait3A_860 = arith.constant 7 : i32
      %dma_wait3A_861 = arith.constant 7 : i32
      %dma_wait3A_862 = arith.constant 0 : i32
      %dma_wait3A_863 = arith.constant 0 : i32
      %dma_wait3A_864 = tpu.memref_slice %arg8[%dma_wait3A_860, %dma_wait3A_862, %dma_wait3A_863] : memref<8x32x128xf32, #tpu.memory_space<vmem>> -> memref<1x32x128xf32, #tpu.memory_space<vmem>>
      %dma_wait3A_865 = tpu.memref_squeeze %dma_wait3A_864 : memref<1x32x128xf32, #tpu.memory_space<vmem>> -> memref<32x128xf32, #tpu.memory_space<vmem>>
      %dma_wait3A_866 = arith.constant 0 : i32
      %dma_wait3A_867 = arith.constant 0 : i32
      %dma_wait3A_868 = tpu.memref_slice %arg3[%dma_wait3A_866, %dma_wait3A_867] : memref<100000x128xf32, #tpu.memory_space<hbm>> -> memref<32x128xf32, #tpu.memory_space<hbm>>
      %dma_wait3A_869 = tpu.memref_slice %arg9[%dma_wait3A_861] : memref<8x!tpu.dma_semaphore, #tpu.memory_space<semaphore_mem>> -> memref<1x!tpu.dma_semaphore, #tpu.memory_space<semaphore_mem>>
      %dma_wait3A_870 = tpu.memref_squeeze %dma_wait3A_869 : memref<1x!tpu.dma_semaphore, #tpu.memory_space<semaphore_mem>> -> memref<!tpu.dma_semaphore, #tpu.memory_space<semaphore_mem>>
      %dma_wait3A_871 = arith.constant 0 : i32
      %dma_wait3A_872 = arith.constant 0 : i32
      %dma_wait3A_873 = tpu.memref_slice %arg8[%dma_wait3A_860, %dma_wait3A_871, %dma_wait3A_872] : memref<8x32x128xf32, #tpu.memory_space<vmem>> -> memref<1x32x128xf32, #tpu.memory_space<vmem>>
      %dma_wait3A_874 = tpu.memref_squeeze %dma_wait3A_873 : memref<1x32x128xf32, #tpu.memory_space<vmem>> -> memref<32x128xf32, #tpu.memory_space<vmem>>
      %dma_wait3A_875 = arith.constant 0 : i32
      %dma_wait3A_876 = arith.constant 0 : i32
      %dma_wait3A_877 = tpu.memref_slice %arg3[%dma_wait3A_875, %dma_wait3A_876] : memref<100000x128xf32, #tpu.memory_space<hbm>> -> memref<32x128xf32, #tpu.memory_space<hbm>>
      tpu.wait_dma2 semaphore(%dma_wait3A_870 : memref<!tpu.dma_semaphore, #tpu.memory_space<semaphore_mem>>) src(%dma_wait3A_877 : memref<32x128xf32, #tpu.memory_space<hbm>>) dst(%dma_wait3A_874 : memref<32x128xf32, #tpu.memory_space<vmem>>)
      %get3A_878 = arith.index_cast %add3A_852 : i32 to index
      %get3A_879 = arith.constant 0 : index
      %get3A_880 = tpu.vector_load %arg6[%get3A_878, %get3A_879] {strides = array<i32>} : memref<200x128xf32, #tpu.memory_space<vmem>>, vector<1x16xf32>,
      %get3A_881 = vector.shape_cast %get3A_880 : vector<1x16xf32> to vector<16xf32>
      %get3A_882 = arith.index_cast %add3A_852 : i32 to index
      %get3A_883 = arith.constant 16 : index
      %get3A_884 = tpu.vector_load %arg6[%get3A_882, %get3A_883] {strides = array<i32>} : memref<200x128xf32, #tpu.memory_space<vmem>>, vector<1x16xf32>,
      %get3A_885 = vector.shape_cast %get3A_884 : vector<1x16xf32> to vector<16xf32>
      %get3A_886 = arith.index_cast %add3A_852 : i32 to index
      %get3A_887 = arith.constant 32 : index
      %get3A_888 = tpu.vector_load %arg6[%get3A_886, %get3A_887] {strides = array<i32>} : memref<200x128xf32, #tpu.memory_space<vmem>>, vector<1x16xf32>,
      %get3A_889 = vector.shape_cast %get3A_888 : vector<1x16xf32> to vector<16xf32>
      %get3A_890 = arith.index_cast %add3A_852 : i32 to index
      %get3A_891 = arith.constant 48 : index
      %get3A_892 = tpu.vector_load %arg6[%get3A_890, %get3A_891] {strides = array<i32>} : memref<200x128xf32, #tpu.memory_space<vmem>>, vector<1x16xf32>,
      %get3A_893 = vector.shape_cast %get3A_892 : vector<1x16xf32> to vector<16xf32>
      %get3A_894 = arith.index_cast %add3A_852 : i32 to index
      %get3A_895 = arith.constant 64 : index
      %get3A_896 = tpu.vector_load %arg6[%get3A_894, %get3A_895] {strides = array<i32>} : memref<200x128xf32, #tpu.memory_space<vmem>>, vector<1x16xf32>,
      %get3A_897 = vector.shape_cast %get3A_896 : vector<1x16xf32> to vector<16xf32>
      %get3A_898 = arith.index_cast %add3A_852 : i32 to index
      %get3A_899 = arith.constant 80 : index
      %get3A_900 = tpu.vector_load %arg6[%get3A_898, %get3A_899] {strides = array<i32>} : memref<200x128xf32, #tpu.memory_space<vmem>>, vector<1x16xf32>,
      %get3A_901 = vector.shape_cast %get3A_900 : vector<1x16xf32> to vector<16xf32>
      %get3A_902 = arith.index_cast %add3A_852 : i32 to index
      %get3A_903 = arith.constant 96 : index
      %get3A_904 = tpu.vector_load %arg6[%get3A_902, %get3A_903] {strides = array<i32>} : memref<200x128xf32, #tpu.memory_space<vmem>>, vector<1x16xf32>,
      %get3A_905 = vector.shape_cast %get3A_904 : vector<1x16xf32> to vector<16xf32>
      %get3A_906 = arith.index_cast %add3A_852 : i32 to index
      %get3A_907 = arith.constant 112 : index
      %get3A_908 = tpu.vector_load %arg6[%get3A_906, %get3A_907] {strides = array<i32>} : memref<200x128xf32, #tpu.memory_space<vmem>>, vector<1x16xf32>,
      %get3A_909 = vector.shape_cast %get3A_908 : vector<1x16xf32> to vector<16xf32>
      %scan3A_910 = arith.constant 0 : i32
      %scan3A_911 = arith.constant 32 : i32
      %scan3A_912 = arith.addi %scan3A_910, %scan3A_911 : i32
      %scan3A_913 = arith.constant 1 : i32
      scf.for %scan3A_933 = %scan3A_910 to %scan3A_912 step %scan3A_913  : i32 {
        %get3A_934 = arith.constant 7 : i32
        %get3A_935 = arith.index_cast %get3A_934 : i32 to index
        %get3A_936 = arith.index_cast %scan3A_933 : i32 to index
        %get3A_937 = arith.constant 0 : index
        %get3A_938 = tpu.vector_load %arg8[%get3A_935, %get3A_936, %get3A_937] {strides = array<i32>} : memref<8x32x128xf32, #tpu.memory_space<vmem>>, vector<1x1x16xf32>,
        %get3A_939 = vector.shape_cast %get3A_938 : vector<1x1x16xf32> to vector<16xf32>
        %add3A_940 = arith.addf %get3A_939, %get3A_881 : vector<16xf32>
        %swap3A = arith.constant 7 : i32
        %swap3A_941 = arith.index_cast %swap3A : i32 to index
        %swap3A_942 = arith.index_cast %scan3A_933 : i32 to index
        %swap3A_943 = arith.constant 0 : index
        %swap3A_944 = tpu.vector_load %arg8[%swap3A_941, %swap3A_942, %swap3A_943] {strides = array<i32>} : memref<8x32x128xf32, #tpu.memory_space<vmem>>, vector<1x1x16xf32>,
        %swap3A_945 = vector.shape_cast %swap3A_944 : vector<1x1x16xf32> to vector<16xf32>
        %swap3A_946 = vector.shape_cast %add3A_940 : vector<16xf32> to vector<1x1x16xf32>
        tpu.vector_store %arg8[%swap3A_941, %swap3A_942, %swap3A_943], %swap3A_946 {strides = array<i32>} : memref<8x32x128xf32, #tpu.memory_space<vmem>>, vector<1x1x16xf32>,
        %get3A_947 = arith.constant 7 : i32
        %get3A_948 = arith.index_cast %get3A_947 : i32 to index
        %get3A_949 = arith.index_cast %scan3A_933 : i32 to index
        %get3A_950 = arith.constant 16 : index
        %get3A_951 = tpu.vector_load %arg8[%get3A_948, %get3A_949, %get3A_950] {strides = array<i32>} : memref<8x32x128xf32, #tpu.memory_space<vmem>>, vector<1x1x16xf32>,
        %get3A_952 = vector.shape_cast %get3A_951 : vector<1x1x16xf32> to vector<16xf32>
        %add3A_953 = arith.addf %get3A_952, %get3A_885 : vector<16xf32>
        %swap3A_954 = arith.constant 7 : i32
        %swap3A_955 = arith.index_cast %swap3A_954 : i32 to index
        %swap3A_956 = arith.index_cast %scan3A_933 : i32 to index
        %swap3A_957 = arith.constant 16 : index
        %swap3A_958 = tpu.vector_load %arg8[%swap3A_955, %swap3A_956, %swap3A_957] {strides = array<i32>} : memref<8x32x128xf32, #tpu.memory_space<vmem>>, vector<1x1x16xf32>,
        %swap3A_959 = vector.shape_cast %swap3A_958 : vector<1x1x16xf32> to vector<16xf32>
        %swap3A_960 = vector.shape_cast %add3A_953 : vector<16xf32> to vector<1x1x16xf32>
        tpu.vector_store %arg8[%swap3A_955, %swap3A_956, %swap3A_957], %swap3A_960 {strides = array<i32>} : memref<8x32x128xf32, #tpu.memory_space<vmem>>, vector<1x1x16xf32>,
        %get3A_961 = arith.constant 7 : i32
        %get3A_962 = arith.index_cast %get3A_961 : i32 to index
        %get3A_963 = arith.index_cast %scan3A_933 : i32 to index
        %get3A_964 = arith.constant 32 : index
        %get3A_965 = tpu.vector_load %arg8[%get3A_962, %get3A_963, %get3A_964] {strides = array<i32>} : memref<8x32x128xf32, #tpu.memory_space<vmem>>, vector<1x1x16xf32>,
        %get3A_966 = vector.shape_cast %get3A_965 : vector<1x1x16xf32> to vector<16xf32>
        %add3A_967 = arith.addf %get3A_966, %get3A_889 : vector<16xf32>
        %swap3A_968 = arith.constant 7 : i32
        %swap3A_969 = arith.index_cast %swap3A_968 : i32 to index
        %swap3A_970 = arith.index_cast %scan3A_933 : i32 to index
        %swap3A_971 = arith.constant 32 : index
        %swap3A_972 = tpu.vector_load %arg8[%swap3A_969, %swap3A_970, %swap3A_971] {strides = array<i32>} : memref<8x32x128xf32, #tpu.memory_space<vmem>>, vector<1x1x16xf32>,
        %swap3A_973 = vector.shape_cast %swap3A_972 : vector<1x1x16xf32> to vector<16xf32>
        %swap3A_974 = vector.shape_cast %add3A_967 : vector<16xf32> to vector<1x1x16xf32>
        tpu.vector_store %arg8[%swap3A_969, %swap3A_970, %swap3A_971], %swap3A_974 {strides = array<i32>} : memref<8x32x128xf32, #tpu.memory_space<vmem>>, vector<1x1x16xf32>,
        %get3A_975 = arith.constant 7 : i32
        %get3A_976 = arith.index_cast %get3A_975 : i32 to index
        %get3A_977 = arith.index_cast %scan3A_933 : i32 to index
        %get3A_978 = arith.constant 48 : index
        %get3A_979 = tpu.vector_load %arg8[%get3A_976, %get3A_977, %get3A_978] {strides = array<i32>} : memref<8x32x128xf32, #tpu.memory_space<vmem>>, vector<1x1x16xf32>,
        %get3A_980 = vector.shape_cast %get3A_979 : vector<1x1x16xf32> to vector<16xf32>
        %add3A_981 = arith.addf %get3A_980, %get3A_893 : vector<16xf32>
        %swap3A_982 = arith.constant 7 : i32
        %swap3A_983 = arith.index_cast %swap3A_982 : i32 to index
        %swap3A_984 = arith.index_cast %scan3A_933 : i32 to index
        %swap3A_985 = arith.constant 48 : index
        %swap3A_986 = tpu.vector_load %arg8[%swap3A_983, %swap3A_984, %swap3A_985] {strides = array<i32>} : memref<8x32x128xf32, #tpu.memory_space<vmem>>, vector<1x1x16xf32>,
        %swap3A_987 = vector.shape_cast %swap3A_986 : vector<1x1x16xf32> to vector<16xf32>
        %swap3A_988 = vector.shape_cast %add3A_981 : vector<16xf32> to vector<1x1x16xf32>
        tpu.vector_store %arg8[%swap3A_983, %swap3A_984, %swap3A_985], %swap3A_988 {strides = array<i32>} : memref<8x32x128xf32, #tpu.memory_space<vmem>>, vector<1x1x16xf32>,
        %get3A_989 = arith.constant 7 : i32
        %get3A_990 = arith.index_cast %get3A_989 : i32 to index
        %get3A_991 = arith.index_cast %scan3A_933 : i32 to index
        %get3A_992 = arith.constant 64 : index
        %get3A_993 = tpu.vector_load %arg8[%get3A_990, %get3A_991, %get3A_992] {strides = array<i32>} : memref<8x32x128xf32, #tpu.memory_space<vmem>>, vector<1x1x16xf32>,
        %get3A_994 = vector.shape_cast %get3A_993 : vector<1x1x16xf32> to vector<16xf32>
        %add3A_995 = arith.addf %get3A_994, %get3A_897 : vector<16xf32>
        %swap3A_996 = arith.constant 7 : i32
        %swap3A_997 = arith.index_cast %swap3A_996 : i32 to index
        %swap3A_998 = arith.index_cast %scan3A_933 : i32 to index
        %swap3A_999 = arith.constant 64 : index
        %swap3A_1000 = tpu.vector_load %arg8[%swap3A_997, %swap3A_998, %swap3A_999] {strides = array<i32>} : memref<8x32x128xf32, #tpu.memory_space<vmem>>, vector<1x1x16xf32>,
        %swap3A_1001 = vector.shape_cast %swap3A_1000 : vector<1x1x16xf32> to vector<16xf32>
        %swap3A_1002 = vector.shape_cast %add3A_995 : vector<16xf32> to vector<1x1x16xf32>
        tpu.vector_store %arg8[%swap3A_997, %swap3A_998, %swap3A_999], %swap3A_1002 {strides = array<i32>} : memref<8x32x128xf32, #tpu.memory_space<vmem>>, vector<1x1x16xf32>,
        %get3A_1003 = arith.constant 7 : i32
        %get3A_1004 = arith.index_cast %get3A_1003 : i32 to index
        %get3A_1005 = arith.index_cast %scan3A_933 : i32 to index
        %get3A_1006 = arith.constant 80 : index
        %get3A_1007 = tpu.vector_load %arg8[%get3A_1004, %get3A_1005, %get3A_1006] {strides = array<i32>} : memref<8x32x128xf32, #tpu.memory_space<vmem>>, vector<1x1x16xf32>,
        %get3A_1008 = vector.shape_cast %get3A_1007 : vector<1x1x16xf32> to vector<16xf32>
        %add3A_1009 = arith.addf %get3A_1008, %get3A_901 : vector<16xf32>
        %swap3A_1010 = arith.constant 7 : i32
        %swap3A_1011 = arith.index_cast %swap3A_1010 : i32 to index
        %swap3A_1012 = arith.index_cast %scan3A_933 : i32 to index
        %swap3A_1013 = arith.constant 80 : index
        %swap3A_1014 = tpu.vector_load %arg8[%swap3A_1011, %swap3A_1012, %swap3A_1013] {strides = array<i32>} : memref<8x32x128xf32, #tpu.memory_space<vmem>>, vector<1x1x16xf32>,
        %swap3A_1015 = vector.shape_cast %swap3A_1014 : vector<1x1x16xf32> to vector<16xf32>
        %swap3A_1016 = vector.shape_cast %add3A_1009 : vector<16xf32> to vector<1x1x16xf32>
        tpu.vector_store %arg8[%swap3A_1011, %swap3A_1012, %swap3A_1013], %swap3A_1016 {strides = array<i32>} : memref<8x32x128xf32, #tpu.memory_space<vmem>>, vector<1x1x16xf32>,
        %get3A_1017 = arith.constant 7 : i32
        %get3A_1018 = arith.index_cast %get3A_1017 : i32 to index
        %get3A_1019 = arith.index_cast %scan3A_933 : i32 to index
        %get3A_1020 = arith.constant 96 : index
        %get3A_1021 = tpu.vector_load %arg8[%get3A_1018, %get3A_1019, %get3A_1020] {strides = array<i32>} : memref<8x32x128xf32, #tpu.memory_space<vmem>>, vector<1x1x16xf32>,
        %get3A_1022 = vector.shape_cast %get3A_1021 : vector<1x1x16xf32> to vector<16xf32>
        %add3A_1023 = arith.addf %get3A_1022, %get3A_905 : vector<16xf32>
        %swap3A_1024 = arith.constant 7 : i32
        %swap3A_1025 = arith.index_cast %swap3A_1024 : i32 to index
        %swap3A_1026 = arith.index_cast %scan3A_933 : i32 to index
        %swap3A_1027 = arith.constant 96 : index
        %swap3A_1028 = tpu.vector_load %arg8[%swap3A_1025, %swap3A_1026, %swap3A_1027] {strides = array<i32>} : memref<8x32x128xf32, #tpu.memory_space<vmem>>, vector<1x1x16xf32>,
        %swap3A_1029 = vector.shape_cast %swap3A_1028 : vector<1x1x16xf32> to vector<16xf32>
        %swap3A_1030 = vector.shape_cast %add3A_1023 : vector<16xf32> to vector<1x1x16xf32>
        tpu.vector_store %arg8[%swap3A_1025, %swap3A_1026, %swap3A_1027], %swap3A_1030 {strides = array<i32>} : memref<8x32x128xf32, #tpu.memory_space<vmem>>, vector<1x1x16xf32>,
        %get3A_1031 = arith.constant 7 : i32
        %get3A_1032 = arith.index_cast %get3A_1031 : i32 to index
        %get3A_1033 = arith.index_cast %scan3A_933 : i32 to index
        %get3A_1034 = arith.constant 112 : index
        %get3A_1035 = tpu.vector_load %arg8[%get3A_1032, %get3A_1033, %get3A_1034] {strides = array<i32>} : memref<8x32x128xf32, #tpu.memory_space<vmem>>, vector<1x1x16xf32>,
        %get3A_1036 = vector.shape_cast %get3A_1035 : vector<1x1x16xf32> to vector<16xf32>
        %add3A_1037 = arith.addf %get3A_1036, %get3A_909 : vector<16xf32>
        %swap3A_1038 = arith.constant 7 : i32
        %swap3A_1039 = arith.index_cast %swap3A_1038 : i32 to index
        %swap3A_1040 = arith.index_cast %scan3A_933 : i32 to index
        %swap3A_1041 = arith.constant 112 : index
        %swap3A_1042 = tpu.vector_load %arg8[%swap3A_1039, %swap3A_1040, %swap3A_1041] {strides = array<i32>} : memref<8x32x128xf32, #tpu.memory_space<vmem>>, vector<1x1x16xf32>,
        %swap3A_1043 = vector.shape_cast %swap3A_1042 : vector<1x1x16xf32> to vector<16xf32>
        %swap3A_1044 = vector.shape_cast %add3A_1037 : vector<16xf32> to vector<1x1x16xf32>
        tpu.vector_store %arg8[%swap3A_1039, %swap3A_1040, %swap3A_1041], %swap3A_1044 {strides = array<i32>} : memref<8x32x128xf32, #tpu.memory_space<vmem>>, vector<1x1x16xf32>,
      }
      %scan3A_914 = arith.constant 32 : i32
      %dma_start3A_915 = arith.constant 7 : i32
      %dma_start3A_916 = arith.constant 7 : i32
      %dma_start3A_917 = arith.constant 0 : i32
      %dma_start3A_918 = arith.constant 0 : i32
      %dma_start3A_919 = tpu.memref_slice %arg8[%dma_start3A_915, %dma_start3A_917, %dma_start3A_918] : memref<8x32x128xf32, #tpu.memory_space<vmem>> -> memref<1x32x128xf32, #tpu.memory_space<vmem>>
      %dma_start3A_920 = tpu.memref_squeeze %dma_start3A_919 : memref<1x32x128xf32, #tpu.memory_space<vmem>> -> memref<32x128xf32, #tpu.memory_space<vmem>>
      %dma_start3A_921 = arith.constant 0 : i32
      %dma_start3A_922 = tpu.memref_slice %arg5[%mul3A_2, %add3A_852, %dma_start3A_921] : memref<1024x200x128xf32, #tpu.memory_space<hbm>> -> memref<32x1x128xf32, #tpu.memory_space<hbm>>
      %dma_start3A_923 = tpu.memref_squeeze %dma_start3A_922 : memref<32x1x128xf32, #tpu.memory_space<hbm>> -> memref<32x128xf32, #tpu.memory_space<hbm>>
      %dma_start3A_924 = tpu.memref_slice %arg10[%dma_start3A_916] : memref<8x!tpu.dma_semaphore, #tpu.memory_space<semaphore_mem>> -> memref<1x!tpu.dma_semaphore, #tpu.memory_space<semaphore_mem>>
      %dma_start3A_925 = tpu.memref_squeeze %dma_start3A_924 : memref<1x!tpu.dma_semaphore, #tpu.memory_space<semaphore_mem>> -> memref<!tpu.dma_semaphore, #tpu.memory_space<semaphore_mem>>
      %dma_start3A_926 = arith.constant 0 : i32
      %dma_start3A_927 = tpu.memref_slice %arg5[%mul3A_2, %add3A_852, %dma_start3A_926] : memref<1024x200x128xf32, #tpu.memory_space<hbm>> -> memref<32x1x128xf32, #tpu.memory_space<hbm>>
      %dma_start3A_928 = tpu.memref_squeeze %dma_start3A_927 : memref<32x1x128xf32, #tpu.memory_space<hbm>> -> memref<32x128xf32, #tpu.memory_space<hbm>>
      %dma_start3A_929 = arith.constant 0 : i32
      %dma_start3A_930 = arith.constant 0 : i32
      %dma_start3A_931 = tpu.memref_slice %arg8[%dma_start3A_915, %dma_start3A_929, %dma_start3A_930] : memref<8x32x128xf32, #tpu.memory_space<vmem>> -> memref<1x32x128xf32, #tpu.memory_space<vmem>>
      %dma_start3A_932 = tpu.memref_squeeze %dma_start3A_931 : memref<1x32x128xf32, #tpu.memory_space<vmem>> -> memref<32x128xf32, #tpu.memory_space<vmem>>
      tpu.enqueue_dma source(%dma_start3A_932 : memref<32x128xf32, #tpu.memory_space<vmem>>) target(%dma_start3A_928 : memref<32x128xf32, #tpu.memory_space<hbm>>) target_semaphore(%dma_start3A_925 : memref<!tpu.dma_semaphore, #tpu.memory_space<semaphore_mem>>)
    }
    %scan3A_96 = arith.constant 25 : i32
    %dma_wait3A = arith.constant 0 : i32
    %dma_wait3A_97 = arith.constant 0 : i32
    %dma_wait3A_98 = arith.constant 0 : i32
    %dma_wait3A_99 = arith.constant 0 : i32
    %dma_wait3A_100 = arith.constant 0 : i32
    %dma_wait3A_101 = tpu.memref_slice %arg8[%dma_wait3A, %dma_wait3A_99, %dma_wait3A_100] : memref<8x32x128xf32, #tpu.memory_space<vmem>> -> memref<1x32x128xf32, #tpu.memory_space<vmem>>
    %dma_wait3A_102 = tpu.memref_squeeze %dma_wait3A_101 : memref<1x32x128xf32, #tpu.memory_space<vmem>> -> memref<32x128xf32, #tpu.memory_space<vmem>>
    %dma_wait3A_103 = arith.constant 0 : i32
    %dma_wait3A_104 = arith.constant 0 : i32
    %dma_wait3A_105 = tpu.memref_slice %arg5[%dma_wait3A_103, %dma_wait3A_97, %dma_wait3A_104] : memref<1024x200x128xf32, #tpu.memory_space<hbm>> -> memref<32x1x128xf32, #tpu.memory_space<hbm>>
    %dma_wait3A_106 = tpu.memref_squeeze %dma_wait3A_105 : memref<32x1x128xf32, #tpu.memory_space<hbm>> -> memref<32x128xf32, #tpu.memory_space<hbm>>
    %dma_wait3A_107 = tpu.memref_slice %arg10[%dma_wait3A_98] : memref<8x!tpu.dma_semaphore, #tpu.memory_space<semaphore_mem>> -> memref<1x!tpu.dma_semaphore, #tpu.memory_space<semaphore_mem>>
    %dma_wait3A_108 = tpu.memref_squeeze %dma_wait3A_107 : memref<1x!tpu.dma_semaphore, #tpu.memory_space<semaphore_mem>> -> memref<!tpu.dma_semaphore, #tpu.memory_space<semaphore_mem>>
    %dma_wait3A_109 = arith.constant 0 : i32
    %dma_wait3A_110 = arith.constant 0 : i32
    %dma_wait3A_111 = tpu.memref_slice %arg5[%dma_wait3A_109, %dma_wait3A_97, %dma_wait3A_110] : memref<1024x200x128xf32, #tpu.memory_space<hbm>> -> memref<32x1x128xf32, #tpu.memory_space<hbm>>
    %dma_wait3A_112 = tpu.memref_squeeze %dma_wait3A_111 : memref<32x1x128xf32, #tpu.memory_space<hbm>> -> memref<32x128xf32, #tpu.memory_space<hbm>>
    %dma_wait3A_113 = arith.constant 0 : i32
    %dma_wait3A_114 = arith.constant 0 : i32
    %dma_wait3A_115 = tpu.memref_slice %arg8[%dma_wait3A, %dma_wait3A_113, %dma_wait3A_114] : memref<8x32x128xf32, #tpu.memory_space<vmem>> -> memref<1x32x128xf32, #tpu.memory_space<vmem>>
    %dma_wait3A_116 = tpu.memref_squeeze %dma_wait3A_115 : memref<1x32x128xf32, #tpu.memory_space<vmem>> -> memref<32x128xf32, #tpu.memory_space<vmem>>
    tpu.wait_dma2 semaphore(%dma_wait3A_108 : memref<!tpu.dma_semaphore, #tpu.memory_space<semaphore_mem>>) src(%dma_wait3A_116 : memref<32x128xf32, #tpu.memory_space<vmem>>) dst(%dma_wait3A_112 : memref<32x128xf32, #tpu.memory_space<hbm>>)
    %dma_wait3A_117 = arith.constant 1 : i32
    %dma_wait3A_118 = arith.constant 0 : i32
    %dma_wait3A_119 = arith.constant 1 : i32
    %dma_wait3A_120 = arith.constant 0 : i32
    %dma_wait3A_121 = arith.constant 0 : i32
    %dma_wait3A_122 = tpu.memref_slice %arg8[%dma_wait3A_117, %dma_wait3A_120, %dma_wait3A_121] : memref<8x32x128xf32, #tpu.memory_space<vmem>> -> memref<1x32x128xf32, #tpu.memory_space<vmem>>
    %dma_wait3A_123 = tpu.memref_squeeze %dma_wait3A_122 : memref<1x32x128xf32, #tpu.memory_space<vmem>> -> memref<32x128xf32, #tpu.memory_space<vmem>>
    %dma_wait3A_124 = arith.constant 0 : i32
    %dma_wait3A_125 = arith.constant 0 : i32
    %dma_wait3A_126 = tpu.memref_slice %arg5[%dma_wait3A_124, %dma_wait3A_118, %dma_wait3A_125] : memref<1024x200x128xf32, #tpu.memory_space<hbm>> -> memref<32x1x128xf32, #tpu.memory_space<hbm>>
    %dma_wait3A_127 = tpu.memref_squeeze %dma_wait3A_126 : memref<32x1x128xf32, #tpu.memory_space<hbm>> -> memref<32x128xf32, #tpu.memory_space<hbm>>
    %dma_wait3A_128 = tpu.memref_slice %arg10[%dma_wait3A_119] : memref<8x!tpu.dma_semaphore, #tpu.memory_space<semaphore_mem>> -> memref<1x!tpu.dma_semaphore, #tpu.memory_space<semaphore_mem>>
    %dma_wait3A_129 = tpu.memref_squeeze %dma_wait3A_128 : memref<1x!tpu.dma_semaphore, #tpu.memory_space<semaphore_mem>> -> memref<!tpu.dma_semaphore, #tpu.memory_space<semaphore_mem>>
    %dma_wait3A_130 = arith.constant 0 : i32
    %dma_wait3A_131 = arith.constant 0 : i32
    %dma_wait3A_132 = tpu.memref_slice %arg5[%dma_wait3A_130, %dma_wait3A_118, %dma_wait3A_131] : memref<1024x200x128xf32, #tpu.memory_space<hbm>> -> memref<32x1x128xf32, #tpu.memory_space<hbm>>
    %dma_wait3A_133 = tpu.memref_squeeze %dma_wait3A_132 : memref<32x1x128xf32, #tpu.memory_space<hbm>> -> memref<32x128xf32, #tpu.memory_space<hbm>>
    %dma_wait3A_134 = arith.constant 0 : i32
    %dma_wait3A_135 = arith.constant 0 : i32
    %dma_wait3A_136 = tpu.memref_slice %arg8[%dma_wait3A_117, %dma_wait3A_134, %dma_wait3A_135] : memref<8x32x128xf32, #tpu.memory_space<vmem>> -> memref<1x32x128xf32, #tpu.memory_space<vmem>>
    %dma_wait3A_137 = tpu.memref_squeeze %dma_wait3A_136 : memref<1x32x128xf32, #tpu.memory_space<vmem>> -> memref<32x128xf32, #tpu.memory_space<vmem>>
    tpu.wait_dma2 semaphore(%dma_wait3A_129 : memref<!tpu.dma_semaphore, #tpu.memory_space<semaphore_mem>>) src(%dma_wait3A_137 : memref<32x128xf32, #tpu.memory_space<vmem>>) dst(%dma_wait3A_133 : memref<32x128xf32, #tpu.memory_space<hbm>>)
    %dma_wait3A_138 = arith.constant 2 : i32
    %dma_wait3A_139 = arith.constant 0 : i32
    %dma_wait3A_140 = arith.constant 2 : i32
    %dma_wait3A_141 = arith.constant 0 : i32
    %dma_wait3A_142 = arith.constant 0 : i32
    %dma_wait3A_143 = tpu.memref_slice %arg8[%dma_wait3A_138, %dma_wait3A_141, %dma_wait3A_142] : memref<8x32x128xf32, #tpu.memory_space<vmem>> -> memref<1x32x128xf32, #tpu.memory_space<vmem>>
    %dma_wait3A_144 = tpu.memref_squeeze %dma_wait3A_143 : memref<1x32x128xf32, #tpu.memory_space<vmem>> -> memref<32x128xf32, #tpu.memory_space<vmem>>
    %dma_wait3A_145 = arith.constant 0 : i32
    %dma_wait3A_146 = arith.constant 0 : i32
    %dma_wait3A_147 = tpu.memref_slice %arg5[%dma_wait3A_145, %dma_wait3A_139, %dma_wait3A_146] : memref<1024x200x128xf32, #tpu.memory_space<hbm>> -> memref<32x1x128xf32, #tpu.memory_space<hbm>>
    %dma_wait3A_148 = tpu.memref_squeeze %dma_wait3A_147 : memref<32x1x128xf32, #tpu.memory_space<hbm>> -> memref<32x128xf32, #tpu.memory_space<hbm>>
    %dma_wait3A_149 = tpu.memref_slice %arg10[%dma_wait3A_140] : memref<8x!tpu.dma_semaphore, #tpu.memory_space<semaphore_mem>> -> memref<1x!tpu.dma_semaphore, #tpu.memory_space<semaphore_mem>>
    %dma_wait3A_150 = tpu.memref_squeeze %dma_wait3A_149 : memref<1x!tpu.dma_semaphore, #tpu.memory_space<semaphore_mem>> -> memref<!tpu.dma_semaphore, #tpu.memory_space<semaphore_mem>>
    %dma_wait3A_151 = arith.constant 0 : i32
    %dma_wait3A_152 = arith.constant 0 : i32
    %dma_wait3A_153 = tpu.memref_slice %arg5[%dma_wait3A_151, %dma_wait3A_139, %dma_wait3A_152] : memref<1024x200x128xf32, #tpu.memory_space<hbm>> -> memref<32x1x128xf32, #tpu.memory_space<hbm>>
    %dma_wait3A_154 = tpu.memref_squeeze %dma_wait3A_153 : memref<32x1x128xf32, #tpu.memory_space<hbm>> -> memref<32x128xf32, #tpu.memory_space<hbm>>
    %dma_wait3A_155 = arith.constant 0 : i32
    %dma_wait3A_156 = arith.constant 0 : i32
    %dma_wait3A_157 = tpu.memref_slice %arg8[%dma_wait3A_138, %dma_wait3A_155, %dma_wait3A_156] : memref<8x32x128xf32, #tpu.memory_space<vmem>> -> memref<1x32x128xf32, #tpu.memory_space<vmem>>
    %dma_wait3A_158 = tpu.memref_squeeze %dma_wait3A_157 : memref<1x32x128xf32, #tpu.memory_space<vmem>> -> memref<32x128xf32, #tpu.memory_space<vmem>>
    tpu.wait_dma2 semaphore(%dma_wait3A_150 : memref<!tpu.dma_semaphore, #tpu.memory_space<semaphore_mem>>) src(%dma_wait3A_158 : memref<32x128xf32, #tpu.memory_space<vmem>>) dst(%dma_wait3A_154 : memref<32x128xf32, #tpu.memory_space<hbm>>)
    %dma_wait3A_159 = arith.constant 3 : i32
    %dma_wait3A_160 = arith.constant 0 : i32
    %dma_wait3A_161 = arith.constant 3 : i32
    %dma_wait3A_162 = arith.constant 0 : i32
    %dma_wait3A_163 = arith.constant 0 : i32
    %dma_wait3A_164 = tpu.memref_slice %arg8[%dma_wait3A_159, %dma_wait3A_162, %dma_wait3A_163] : memref<8x32x128xf32, #tpu.memory_space<vmem>> -> memref<1x32x128xf32, #tpu.memory_space<vmem>>
    %dma_wait3A_165 = tpu.memref_squeeze %dma_wait3A_164 : memref<1x32x128xf32, #tpu.memory_space<vmem>> -> memref<32x128xf32, #tpu.memory_space<vmem>>
    %dma_wait3A_166 = arith.constant 0 : i32
    %dma_wait3A_167 = arith.constant 0 : i32
    %dma_wait3A_168 = tpu.memref_slice %arg5[%dma_wait3A_166, %dma_wait3A_160, %dma_wait3A_167] : memref<1024x200x128xf32, #tpu.memory_space<hbm>> -> memref<32x1x128xf32, #tpu.memory_space<hbm>>
    %dma_wait3A_169 = tpu.memref_squeeze %dma_wait3A_168 : memref<32x1x128xf32, #tpu.memory_space<hbm>> -> memref<32x128xf32, #tpu.memory_space<hbm>>
    %dma_wait3A_170 = tpu.memref_slice %arg10[%dma_wait3A_161] : memref<8x!tpu.dma_semaphore, #tpu.memory_space<semaphore_mem>> -> memref<1x!tpu.dma_semaphore, #tpu.memory_space<semaphore_mem>>
    %dma_wait3A_171 = tpu.memref_squeeze %dma_wait3A_170 : memref<1x!tpu.dma_semaphore, #tpu.memory_space<semaphore_mem>> -> memref<!tpu.dma_semaphore, #tpu.memory_space<semaphore_mem>>
    %dma_wait3A_172 = arith.constant 0 : i32
    %dma_wait3A_173 = arith.constant 0 : i32
    %dma_wait3A_174 = tpu.memref_slice %arg5[%dma_wait3A_172, %dma_wait3A_160, %dma_wait3A_173] : memref<1024x200x128xf32, #tpu.memory_space<hbm>> -> memref<32x1x128xf32, #tpu.memory_space<hbm>>
    %dma_wait3A_175 = tpu.memref_squeeze %dma_wait3A_174 : memref<32x1x128xf32, #tpu.memory_space<hbm>> -> memref<32x128xf32, #tpu.memory_space<hbm>>
    %dma_wait3A_176 = arith.constant 0 : i32
    %dma_wait3A_177 = arith.constant 0 : i32
    %dma_wait3A_178 = tpu.memref_slice %arg8[%dma_wait3A_159, %dma_wait3A_176, %dma_wait3A_177] : memref<8x32x128xf32, #tpu.memory_space<vmem>> -> memref<1x32x128xf32, #tpu.memory_space<vmem>>
    %dma_wait3A_179 = tpu.memref_squeeze %dma_wait3A_178 : memref<1x32x128xf32, #tpu.memory_space<vmem>> -> memref<32x128xf32, #tpu.memory_space<vmem>>
    tpu.wait_dma2 semaphore(%dma_wait3A_171 : memref<!tpu.dma_semaphore, #tpu.memory_space<semaphore_mem>>) src(%dma_wait3A_179 : memref<32x128xf32, #tpu.memory_space<vmem>>) dst(%dma_wait3A_175 : memref<32x128xf32, #tpu.memory_space<hbm>>)
    %dma_wait3A_180 = arith.constant 4 : i32
    %dma_wait3A_181 = arith.constant 0 : i32
    %dma_wait3A_182 = arith.constant 4 : i32
    %dma_wait3A_183 = arith.constant 0 : i32
    %dma_wait3A_184 = arith.constant 0 : i32
    %dma_wait3A_185 = tpu.memref_slice %arg8[%dma_wait3A_180, %dma_wait3A_183, %dma_wait3A_184] : memref<8x32x128xf32, #tpu.memory_space<vmem>> -> memref<1x32x128xf32, #tpu.memory_space<vmem>>
    %dma_wait3A_186 = tpu.memref_squeeze %dma_wait3A_185 : memref<1x32x128xf32, #tpu.memory_space<vmem>> -> memref<32x128xf32, #tpu.memory_space<vmem>>
    %dma_wait3A_187 = arith.constant 0 : i32
    %dma_wait3A_188 = arith.constant 0 : i32
    %dma_wait3A_189 = tpu.memref_slice %arg5[%dma_wait3A_187, %dma_wait3A_181, %dma_wait3A_188] : memref<1024x200x128xf32, #tpu.memory_space<hbm>> -> memref<32x1x128xf32, #tpu.memory_space<hbm>>
    %dma_wait3A_190 = tpu.memref_squeeze %dma_wait3A_189 : memref<32x1x128xf32, #tpu.memory_space<hbm>> -> memref<32x128xf32, #tpu.memory_space<hbm>>
    %dma_wait3A_191 = tpu.memref_slice %arg10[%dma_wait3A_182] : memref<8x!tpu.dma_semaphore, #tpu.memory_space<semaphore_mem>> -> memref<1x!tpu.dma_semaphore, #tpu.memory_space<semaphore_mem>>
    %dma_wait3A_192 = tpu.memref_squeeze %dma_wait3A_191 : memref<1x!tpu.dma_semaphore, #tpu.memory_space<semaphore_mem>> -> memref<!tpu.dma_semaphore, #tpu.memory_space<semaphore_mem>>
    %dma_wait3A_193 = arith.constant 0 : i32
    %dma_wait3A_194 = arith.constant 0 : i32
    %dma_wait3A_195 = tpu.memref_slice %arg5[%dma_wait3A_193, %dma_wait3A_181, %dma_wait3A_194] : memref<1024x200x128xf32, #tpu.memory_space<hbm>> -> memref<32x1x128xf32, #tpu.memory_space<hbm>>
    %dma_wait3A_196 = tpu.memref_squeeze %dma_wait3A_195 : memref<32x1x128xf32, #tpu.memory_space<hbm>> -> memref<32x128xf32, #tpu.memory_space<hbm>>
    %dma_wait3A_197 = arith.constant 0 : i32
    %dma_wait3A_198 = arith.constant 0 : i32
    %dma_wait3A_199 = tpu.memref_slice %arg8[%dma_wait3A_180, %dma_wait3A_197, %dma_wait3A_198] : memref<8x32x128xf32, #tpu.memory_space<vmem>> -> memref<1x32x128xf32, #tpu.memory_space<vmem>>
    %dma_wait3A_200 = tpu.memref_squeeze %dma_wait3A_199 : memref<1x32x128xf32, #tpu.memory_space<vmem>> -> memref<32x128xf32, #tpu.memory_space<vmem>>
    tpu.wait_dma2 semaphore(%dma_wait3A_192 : memref<!tpu.dma_semaphore, #tpu.memory_space<semaphore_mem>>) src(%dma_wait3A_200 : memref<32x128xf32, #tpu.memory_space<vmem>>) dst(%dma_wait3A_196 : memref<32x128xf32, #tpu.memory_space<hbm>>)
    %dma_wait3A_201 = arith.constant 5 : i32
    %dma_wait3A_202 = arith.constant 0 : i32
    %dma_wait3A_203 = arith.constant 5 : i32
    %dma_wait3A_204 = arith.constant 0 : i32
    %dma_wait3A_205 = arith.constant 0 : i32
    %dma_wait3A_206 = tpu.memref_slice %arg8[%dma_wait3A_201, %dma_wait3A_204, %dma_wait3A_205] : memref<8x32x128xf32, #tpu.memory_space<vmem>> -> memref<1x32x128xf32, #tpu.memory_space<vmem>>
    %dma_wait3A_207 = tpu.memref_squeeze %dma_wait3A_206 : memref<1x32x128xf32, #tpu.memory_space<vmem>> -> memref<32x128xf32, #tpu.memory_space<vmem>>
    %dma_wait3A_208 = arith.constant 0 : i32
    %dma_wait3A_209 = arith.constant 0 : i32
    %dma_wait3A_210 = tpu.memref_slice %arg5[%dma_wait3A_208, %dma_wait3A_202, %dma_wait3A_209] : memref<1024x200x128xf32, #tpu.memory_space<hbm>> -> memref<32x1x128xf32, #tpu.memory_space<hbm>>
    %dma_wait3A_211 = tpu.memref_squeeze %dma_wait3A_210 : memref<32x1x128xf32, #tpu.memory_space<hbm>> -> memref<32x128xf32, #tpu.memory_space<hbm>>
    %dma_wait3A_212 = tpu.memref_slice %arg10[%dma_wait3A_203] : memref<8x!tpu.dma_semaphore, #tpu.memory_space<semaphore_mem>> -> memref<1x!tpu.dma_semaphore, #tpu.memory_space<semaphore_mem>>
    %dma_wait3A_213 = tpu.memref_squeeze %dma_wait3A_212 : memref<1x!tpu.dma_semaphore, #tpu.memory_space<semaphore_mem>> -> memref<!tpu.dma_semaphore, #tpu.memory_space<semaphore_mem>>
    %dma_wait3A_214 = arith.constant 0 : i32
    %dma_wait3A_215 = arith.constant 0 : i32
    %dma_wait3A_216 = tpu.memref_slice %arg5[%dma_wait3A_214, %dma_wait3A_202, %dma_wait3A_215] : memref<1024x200x128xf32, #tpu.memory_space<hbm>> -> memref<32x1x128xf32, #tpu.memory_space<hbm>>
    %dma_wait3A_217 = tpu.memref_squeeze %dma_wait3A_216 : memref<32x1x128xf32, #tpu.memory_space<hbm>> -> memref<32x128xf32, #tpu.memory_space<hbm>>
    %dma_wait3A_218 = arith.constant 0 : i32
    %dma_wait3A_219 = arith.constant 0 : i32
    %dma_wait3A_220 = tpu.memref_slice %arg8[%dma_wait3A_201, %dma_wait3A_218, %dma_wait3A_219] : memref<8x32x128xf32, #tpu.memory_space<vmem>> -> memref<1x32x128xf32, #tpu.memory_space<vmem>>
    %dma_wait3A_221 = tpu.memref_squeeze %dma_wait3A_220 : memref<1x32x128xf32, #tpu.memory_space<vmem>> -> memref<32x128xf32, #tpu.memory_space<vmem>>
    tpu.wait_dma2 semaphore(%dma_wait3A_213 : memref<!tpu.dma_semaphore, #tpu.memory_space<semaphore_mem>>) src(%dma_wait3A_221 : memref<32x128xf32, #tpu.memory_space<vmem>>) dst(%dma_wait3A_217 : memref<32x128xf32, #tpu.memory_space<hbm>>)
    %dma_wait3A_222 = arith.constant 6 : i32
    %dma_wait3A_223 = arith.constant 0 : i32
    %dma_wait3A_224 = arith.constant 6 : i32
    %dma_wait3A_225 = arith.constant 0 : i32
    %dma_wait3A_226 = arith.constant 0 : i32
    %dma_wait3A_227 = tpu.memref_slice %arg8[%dma_wait3A_222, %dma_wait3A_225, %dma_wait3A_226] : memref<8x32x128xf32, #tpu.memory_space<vmem>> -> memref<1x32x128xf32, #tpu.memory_space<vmem>>
    %dma_wait3A_228 = tpu.memref_squeeze %dma_wait3A_227 : memref<1x32x128xf32, #tpu.memory_space<vmem>> -> memref<32x128xf32, #tpu.memory_space<vmem>>
    %dma_wait3A_229 = arith.constant 0 : i32
    %dma_wait3A_230 = arith.constant 0 : i32
    %dma_wait3A_231 = tpu.memref_slice %arg5[%dma_wait3A_229, %dma_wait3A_223, %dma_wait3A_230] : memref<1024x200x128xf32, #tpu.memory_space<hbm>> -> memref<32x1x128xf32, #tpu.memory_space<hbm>>
    %dma_wait3A_232 = tpu.memref_squeeze %dma_wait3A_231 : memref<32x1x128xf32, #tpu.memory_space<hbm>> -> memref<32x128xf32, #tpu.memory_space<hbm>>
    %dma_wait3A_233 = tpu.memref_slice %arg10[%dma_wait3A_224] : memref<8x!tpu.dma_semaphore, #tpu.memory_space<semaphore_mem>> -> memref<1x!tpu.dma_semaphore, #tpu.memory_space<semaphore_mem>>
    %dma_wait3A_234 = tpu.memref_squeeze %dma_wait3A_233 : memref<1x!tpu.dma_semaphore, #tpu.memory_space<semaphore_mem>> -> memref<!tpu.dma_semaphore, #tpu.memory_space<semaphore_mem>>
    %dma_wait3A_235 = arith.constant 0 : i32
    %dma_wait3A_236 = arith.constant 0 : i32
    %dma_wait3A_237 = tpu.memref_slice %arg5[%dma_wait3A_235, %dma_wait3A_223, %dma_wait3A_236] : memref<1024x200x128xf32, #tpu.memory_space<hbm>> -> memref<32x1x128xf32, #tpu.memory_space<hbm>>
    %dma_wait3A_238 = tpu.memref_squeeze %dma_wait3A_237 : memref<32x1x128xf32, #tpu.memory_space<hbm>> -> memref<32x128xf32, #tpu.memory_space<hbm>>
    %dma_wait3A_239 = arith.constant 0 : i32
    %dma_wait3A_240 = arith.constant 0 : i32
    %dma_wait3A_241 = tpu.memref_slice %arg8[%dma_wait3A_222, %dma_wait3A_239, %dma_wait3A_240] : memref<8x32x128xf32, #tpu.memory_space<vmem>> -> memref<1x32x128xf32, #tpu.memory_space<vmem>>
    %dma_wait3A_242 = tpu.memref_squeeze %dma_wait3A_241 : memref<1x32x128xf32, #tpu.memory_space<vmem>> -> memref<32x128xf32, #tpu.memory_space<vmem>>
    tpu.wait_dma2 semaphore(%dma_wait3A_234 : memref<!tpu.dma_semaphore, #tpu.memory_space<semaphore_mem>>) src(%dma_wait3A_242 : memref<32x128xf32, #tpu.memory_space<vmem>>) dst(%dma_wait3A_238 : memref<32x128xf32, #tpu.memory_space<hbm>>)
    %dma_wait3A_243 = arith.constant 7 : i32
    %dma_wait3A_244 = arith.constant 0 : i32
    %dma_wait3A_245 = arith.constant 7 : i32
    %dma_wait3A_246 = arith.constant 0 : i32
    %dma_wait3A_247 = arith.constant 0 : i32
    %dma_wait3A_248 = tpu.memref_slice %arg8[%dma_wait3A_243, %dma_wait3A_246, %dma_wait3A_247] : memref<8x32x128xf32, #tpu.memory_space<vmem>> -> memref<1x32x128xf32, #tpu.memory_space<vmem>>
    %dma_wait3A_249 = tpu.memref_squeeze %dma_wait3A_248 : memref<1x32x128xf32, #tpu.memory_space<vmem>> -> memref<32x128xf32, #tpu.memory_space<vmem>>
    %dma_wait3A_250 = arith.constant 0 : i32
    %dma_wait3A_251 = arith.constant 0 : i32
    %dma_wait3A_252 = tpu.memref_slice %arg5[%dma_wait3A_250, %dma_wait3A_244, %dma_wait3A_251] : memref<1024x200x128xf32, #tpu.memory_space<hbm>> -> memref<32x1x128xf32, #tpu.memory_space<hbm>>
    %dma_wait3A_253 = tpu.memref_squeeze %dma_wait3A_252 : memref<32x1x128xf32, #tpu.memory_space<hbm>> -> memref<32x128xf32, #tpu.memory_space<hbm>>
    %dma_wait3A_254 = tpu.memref_slice %arg10[%dma_wait3A_245] : memref<8x!tpu.dma_semaphore, #tpu.memory_space<semaphore_mem>> -> memref<1x!tpu.dma_semaphore, #tpu.memory_space<semaphore_mem>>
    %dma_wait3A_255 = tpu.memref_squeeze %dma_wait3A_254 : memref<1x!tpu.dma_semaphore, #tpu.memory_space<semaphore_mem>> -> memref<!tpu.dma_semaphore, #tpu.memory_space<semaphore_mem>>
    %dma_wait3A_256 = arith.constant 0 : i32
    %dma_wait3A_257 = arith.constant 0 : i32
    %dma_wait3A_258 = tpu.memref_slice %arg5[%dma_wait3A_256, %dma_wait3A_244, %dma_wait3A_257] : memref<1024x200x128xf32, #tpu.memory_space<hbm>> -> memref<32x1x128xf32, #tpu.memory_space<hbm>>
    %dma_wait3A_259 = tpu.memref_squeeze %dma_wait3A_258 : memref<32x1x128xf32, #tpu.memory_space<hbm>> -> memref<32x128xf32, #tpu.memory_space<hbm>>
    %dma_wait3A_260 = arith.constant 0 : i32
    %dma_wait3A_261 = arith.constant 0 : i32
    %dma_wait3A_262 = tpu.memref_slice %arg8[%dma_wait3A_243, %dma_wait3A_260, %dma_wait3A_261] : memref<8x32x128xf32, #tpu.memory_space<vmem>> -> memref<1x32x128xf32, #tpu.memory_space<vmem>>
    %dma_wait3A_263 = tpu.memref_squeeze %dma_wait3A_262 : memref<1x32x128xf32, #tpu.memory_space<vmem>> -> memref<32x128xf32, #tpu.memory_space<vmem>>
    tpu.wait_dma2 semaphore(%dma_wait3A_255 : memref<!tpu.dma_semaphore, #tpu.memory_space<semaphore_mem>>) src(%dma_wait3A_263 : memref<32x128xf32, #tpu.memory_space<vmem>>) dst(%dma_wait3A_259 : memref<32x128xf32, #tpu.memory_space<hbm>>)
    return
  }
}

</mosaic_0001>

<sc_bundles>
// kernel: kernel.3.cloned.1.call-start
scs
__scs_entry_jumppad:
0x0: {  	(pc) =	sbr.rel $0x88, $3  }
0x1: {  	(tag) =	ssettag $0x0;
	lr =	simm.s32 $0x1  }
0x2: {  	[smem:$0x3F9E] =	sst lr;
	_ =	strace $0xD0000000  }
0x3: {  	_ = 	snop  }
0x4: {  	_ = 	snop  }
0x5: {  	_ = 	snop  }
0x6: {  	_ = 	snop  }
0x7: {  	_ = 	snop  }
__scs_overlays_trampoline_lowered:
0x8: {  	[smem:$0x3FAD] =	sst s0  }
0x9: {  	[smem:$0x3FAE] =	sst s1  }
0xa: {  	[smem:$0x3FAF] =	sst s2  }
0xb: {  	[smem:$0x3FB0] =	sst s3  }
0xc: {  	[smem:$0x3FB1] =	sst s4  }
0xd: {  	[smem:$0x3FB2] =	sst s5  }
0xe: {  	[smem:$0x3FB3] =	sst s6  }
0xf: {  	[smem:$0x3FB4] =	sst s7  }
0x10: {  	[smem:$0x3FB5] =	sst s8  }
0x11: {  	[smem:$0x3FB6] =	sst s9;
	s0 =	simm.s32 @!p0 $0x0  }
0x12: {  	s1 =	sld [smem:$0x3F9C];
	s0 =	simm.s32 @p0 $0x1  }
0x13: {  	[smem:$0x3FB7] =	sst s0;
	s0 =	simm.s32 @!p1 $0x0  }
0x14: {  	s2 =	sld [smem:$0x3F9B];
	s0 =	simm.s32 @p1 $0x1  }
0x15: {  	[smem:$0x3FB8] =	sst s0;
	s0 =	simm.s32 @!p2 $0x0  }
0x16: {  	s3 =	sld [smem:$0x3FDB];
	s0 =	simm.s32 @p2 $0x1  }
0x17: {  	s4 =	simm.s32 $0x1BF5;
	[smem:$0x3FBA] =	sst s0  }
0x18: {  	s0 =	sld [smem:$0x3F9D];
	_ =	swait.ge [sflag:s4], $0x0  }
0x19: {  	s7 =	sld [smem:$0x3F9E]  }
0x1a: {  	s8 =	sadd.s32 $0xFFFFE003, lr  }
0x1b: {  	s9 =	sadd.s32 $0xFFFFFEF7, lr;
	s5 =	simm.s32 $0xFFFFFFFF;
	p2 =	slt.u32 s8, $0xFFFFF086  }
0x1c: {  	p1 =	slt.u32 s9, $0xF7A;
	s5 =	simm.s32 @!p2 $0x0  }
0x1d: {  	s5 =	simm.s32 @p1 $0x1;
	p0 =	seq.s32 s7, s2  }
0x1e: {  	s7 =	smul.u32 @!p0 $0xF7A, s2;
	p2 =	seq.s32 @!p0 s5, $0x0  }
0x1f: {  	s9 =	smul.u32 $0xF7A, s1;
	s8 =	simm.s32 @!p0 $0x1BF5;
	p2 =	por !p2, p0  }
0x20: {  	[sflag:s8] =	ssyncset.s32 @!p0 $0xFFFFF086;
	s6 =	sadd.s32 @!p0 s3, s7;
	s7 =	simm.s32 @!p0 $0x108  }
0x21: {  	s3 =	sadd.s32 s3, s9;
	s6 =	sadd.s32 @!p0 $0x88, s6;
	s7 =	simm.s32 @p2 $0x1082  }
0x22: {  	[simem:s7], [sflag:s8] =	dma.local @!p0 [hbm:s6], $0xF7A  }
0x23: {  	s9 =	sor.u32 $0xD0000000, s2;
	s6 =	simm.s32 $0x108;
	_ =	swait.ge @!p0 [sflag:s8], $0x0  }
0x24: {  	s3 =	sadd.s32 $0x88, s3;
	s6 =	simm.s32 @!p1 $0x1082;
	[sflag:s4] =	ssyncset.s32 $0xFFFFF086  }
0x25: {  	[simem:s6], [sflag:s4] =	dma.local [hbm:s3], $0xF7A  }
0x26: {  	[smem:$0x3F9E] =	sst s1;
	(tag) =	ssettag s2;
	_ =	strace s9  }
0x27: {  	s1 =	sld [smem:$0x3FAE]  }
0x28: {  	s2 =	sld [smem:$0x3FAF]  }
0x29: {  	s4 =	sld [smem:$0x3FB1]  }
0x2a: {  	p0 =	seq.s32 s5, $0x0;
	s5 =	sld [smem:$0x3FB2]  }
0x2b: {  	s6 =	sld [smem:$0x3FB3]  }
0x2c: {  	s7 =	sld [smem:$0x3FB4]  }
0x2d: {  	s3 =	simm.s32 $0x108;
	s8 =	sld [smem:$0x3FB5]  }
0x2e: {  	s3 =	simm.s32 @!p0 $0x1082;
	s9 =	sld [smem:$0x3FB6]  }
0x2f: {  	lr =	sadd.s32 s0, s3;
	s0 =	sld [smem:$0x3FAD]  }
0x30: {  	s3 =	sld [smem:$0x3FB0]  }
0x31: {  	[smem:$0x3FB9] =	sst s10  }
0x32: {  	s10 =	sld [smem:$0x3FB7];
	_ =	sdelay $0x3  }
0x33: {  	p0 =	seq.s32 s10, $0x1;
	s10 =	sld [smem:$0x3FB9];
	_ =	sdelay $0x3  }
0x34: {  	[smem:$0x3FB9] =	sst s10  }
0x35: {  	s10 =	sld [smem:$0x3FB8];
	_ =	sdelay $0x3  }
0x36: {  	p1 =	seq.s32 s10, $0x1;
	s10 =	sld [smem:$0x3FB9];
	_ =	sdelay $0x3  }
0x37: {  	[smem:$0x3FB9] =	sst s10  }
0x38: {  	s10 =	sld [smem:$0x3FBA]  }
0x39: {  	_ = 	snop;
	(pc) =	sbr.ind lr, $3  }
0x3a: {  	_ = 	snop  }
0x3b: {  	_ = 	snop  }
0x3c: {  	p2 =	seq.s32 s10, $0x1;
	s10 =	sld [smem:$0x3FB9]  }
0x3d: {  	_ =	shalt  }
0x3e: {  	_ =	shalt  }
0x3f: {  	_ =	shalt  }
0x40: {  	_ =	shalt  }
0x41: {  	_ =	shalt  }
0x42: {  	_ =	shalt  }
0x43: {  	_ =	shalt  }
0x44: {  	_ =	shalt  }
0x45: {  	_ =	shalt  }
0x46: {  	_ =	shalt  }
0x47: {  	_ =	shalt  }
0x48: {  	_ =	shalt  }
0x49: {  	_ =	shalt  }
0x4a: {  	_ =	shalt  }
0x4b: {  	_ =	shalt  }
0x4c: {  	_ =	shalt  }
0x4d: {  	_ =	shalt  }
0x4e: {  	_ =	shalt  }
0x4f: {  	_ =	shalt  }
0x50: {  	_ =	shalt  }
0x51: {  	_ =	shalt  }
0x52: {  	_ =	shalt  }
0x53: {  	_ =	shalt  }
0x54: {  	_ =	shalt  }
0x55: {  	_ =	shalt  }
0x56: {  	_ =	shalt  }
0x57: {  	_ =	shalt  }
0x58: {  	_ =	shalt  }
0x59: {  	_ =	shalt  }
0x5a: {  	_ =	shalt  }
0x5b: {  	_ =	shalt  }
0x5c: {  	_ =	shalt  }
0x5d: {  	_ =	shalt  }
0x5e: {  	_ =	shalt  }
0x5f: {  	_ =	shalt  }
0x60: {  	_ =	shalt  }
0x61: {  	_ =	shalt  }
0x62: {  	_ =	shalt  }
0x63: {  	_ =	shalt  }
0x64: {  	_ =	shalt  }
0x65: {  	_ =	shalt  }
0x66: {  	_ =	shalt  }
0x67: {  	_ =	shalt  }
0x68: {  	_ =	shalt  }
0x69: {  	_ =	shalt  }
0x6a: {  	_ =	shalt  }
0x6b: {  	_ =	shalt  }
0x6c: {  	_ =	shalt  }
0x6d: {  	_ =	shalt  }
0x6e: {  	_ =	shalt  }
0x6f: {  	_ =	shalt  }
0x70: {  	_ =	shalt  }
0x71: {  	_ =	shalt  }
0x72: {  	_ =	shalt  }
0x73: {  	_ =	shalt  }
0x74: {  	_ =	shalt  }
0x75: {  	_ =	shalt  }
0x76: {  	_ =	shalt  }
0x77: {  	_ =	shalt  }
0x78: {  	_ =	shalt  }
0x79: {  	_ =	shalt  }
0x7a: {  	_ =	shalt  }
0x7b: {  	_ =	shalt  }
0x7c: {  	_ =	shalt  }
0x7d: {  	_ =	shalt  }
0x7e: {  	_ =	shalt  }
0x7f: {  	_ =	shalt  }
0x80: {  	_ =	shalt  }
0x81: {  	_ =	shalt  }
0x82: {  	_ =	shalt  }
0x83: {  	_ =	shalt  }
0x84: {  	_ =	shalt  }
0x85: {  	_ =	shalt  }
0x86: {  	_ =	shalt  }
0x87: {  	_ =	shalt  }
.Lfunc_end0:
.L_simem_size_0:
called_computation_lowered:
.L_overlay_start_0:
0x88: {  	s2 =	sld [smem:$0x3FD9]  }
0x89: {  	s3 =	sld [smem:$0x3FFE];
	_ =	sdelay $0x1  }
0x8a: {  	s1 =	srdreg.scid  }
0x8b: {  	s0 =	sand.u32 $0x1, s1  }
0x8c: {  	s17 =	sshll.u32 s0, $0xA;
	s2 =	sadd.s32 s3, s2  }
0x8d: {  	s2 =	sadd.s32 s2, s17  }
0x8e: {  	[smem:$0x3FC5] =	sst s2  }
0x8f: {  	_ = 	snop  }
0x90: {  	s2 =	sld [smem:$0x3FC8]  }
0x91: {  	s18 =	sld [smem:$0x3FC7]  }
0x92: {  	s4 =	sld [smem:$0x3FD0];
	(tm) =	ssettm $0x1  }
0x93: {  	s5 =	sld [smem:$0x3FFB];
	_ =	sdelay $0x3  }
0x94: {  	_ =	strace s5  }
0x95: {  	s5 =	sld [smem:$0x3FFC];
	_ =	sdelay $0x3  }
0x96: {  	_ =	strace s5  }
0x97: {  	s5 =	sld [smem:$0x3FFD];
	_ =	sdelay $0x3  }
0x98: {  	_ =	strace s5  }
0x99: {  	_ =	strace $0x8FFFFFFF  }
0x9a: {  	s19 =	sld [smem:$0x3FDB];
	_ =	sdelay $0x1  }
0x9b: {  	s6 =	simm.s32 $_scs_section_size  }
0x9c: {  	s7 =	simm.s32 $_size__tile_overlayer_lowered;
	s8 =	simm.s32 $_tile_overlayer_lowered  }
0x9d: {  	s22 =	simm.s32 $0x1BFF;
	s21 =	sshll.u32 s8, $0x1;
	s5 =	sadd.s32 s6, s19  }
0x9e: {  	s9 =	simm.s32 $0x0;
	s20 =	sshll.u32 s7, $0x1;
	s7 =	sadd.s32 s21, s5  }
0x9f: {  	[timem:s9], [sflag:s22] =	dma.local [hbm:s7], s20  }
0xa0: {  	_ =	swait.ge [sflag:s22], s20  }
0xa1: {  	s6 =	ssub.s32 $0x0, s20;
	[sflag:s22] =	ssyncset.done $0x0  }
0xa2: {  	[sflag:s22] =	ssyncadd.s32 s6;
	_ =	sdelay $0x1  }
0xa3: {  	s23 =	simm.s32 $0x1B8B  }
0xa4: {  	_ =	swait.ge [sflag:s23], $0x1  }
0xa5: {  	[sflag:s23] =	ssyncset.done $0x0  }
0xa6: {  	s25 =	simm.s32 $0x1B8E;
	s24 =	sld [smem:$0x3FFE];
	[sflag:s23] =	ssyncadd.s32 $0xFFFFFFFF  }
0xa7: {  	s26 =	simm.s32 $execute0_lowered;
	[smem:$0x3FD2] =	sst s25  }
0xa8: {  	s7 =	sshll.u32 s26, $0x1;
	_ =	strace $0x80000046;
	[dreg:$0x1] =	wrdreg $0xFFFFFFFF  }
0xa9: {  	s28 =	simm.s32 $_size_execute0_lowered;
	s5 =	sadd.s32 s5, s7;
	[dreg:$0x0] =	wrdreg $0x0  }
0xaa: {  	s7 =	sshll.u32 s28, $0x1;
	[dreg:$0x2] =	wrdreg s5  }
0xab: {  	[dreg:$0x3] =	wrdreg s7  }
0xac: {  	[dreg:$0x4] =	wrdreg $0xC0  }
0xad: {  	_ =	task [dreg:s9], $0x5FFFF  }
0xae: {  	[dreg:$0x1] =	wrdreg $0xFFFFFFFF  }
0xaf: {  	[dreg:$0x0] =	wrdreg $0x60  }
0xb0: {  	[dreg:$0x2] =	wrdreg s24  }
0xb1: {  	[dreg:$0x3] =	wrdreg s2  }
0xb2: {  	[dreg:$0x4] =	wrdreg s18  }
0xb3: {  	[dreg:$0x5] =	wrdreg s4  }
0xb4: {  	[dreg:$0x6] =	wrdreg $0x9  }
0xb5: {  	_ =	task.clear_ibuf [dreg:s9], $0x7FFFF;
	_ =	strace $0x90000046  }
0xb6: {  	s29 =	simm.s32 $0x9;
	_ =	strace $0x80000048  }
0xb7: {  	_ =	swait.ge [sflag:s29], $0x1  }
0xb8: {  	[sflag:s29] =	ssyncadd.s32 $0xFFFFFFFF  }
0xb9: {  	_ =	strace $0x90000048  }
0xba: {  	_ =	sfence  }
0xbb: {  	s30 =	sld [smem:$0x0];
	_ =	sdelay $0x2  }
0xbc: {  	s31 =	sshll.u32 s1, $0xD;
	s1 =	sshrl.u32 s1, $0x2  }
0xbd: {  	s3 =	sand.u32 $0x4000, s31;
	s1 =	sadd.s32 s1, s30  }
0xbe: {  	s0 =	sor.u32 s3, s0;
	s1 =	sshll.u32 s1, $0x11  }
0xbf: {  	s0 =	sor.u32 s1, s0  }
0xc0: {  	s0 =	sadd.s32 $0x8F2B, s0  }
0xc1: {  	[sflag:s0] =	ssyncadd.remote.s32 $0x1  }
0xc2: {  	_ =	sfence.sel $0xFFFF  }
0xc3: {  	[dreg:$0x0] =	wrdreg $0xFFFFFFFF;
	(pc) =	sbr.abs _section_cstart, $3  }
0xc4: {  	[dreg:$0x1] =	wrdreg $0xFFFFFFFF  }
0xc5: {  	_ =	task.clear_ibuf [dreg:s9], $0x2FFFF;
	_ =	strace $0x9FFFFFFF  }
0xc6: {  	(tm) =	ssettm $0x7FFFFFFF  }
0xc7: {  	_ =	shalt  }
tec
execute0_lowered:
.L_overlay_start_1:
0x0: {  	(tag) =	ssettag $0x1  }
0x1: {  	s0 =	rddreg [dreg:$0x0]  }
0x2: {  	s1 =	rddreg [dreg:$0x1];
	s2 =	srdreg.scid  }
0x3: {  	s3 =	stileid.u32;
	s6 =	rddreg [dreg:$0x3];
	s5 =	simm.s32 $0x0  }
0x4: {  	s16 =	simm.s32 $0x6400;
	s18 =	simm.s32 $0x20;
	s20 =	simm.s32 $0x13800  }
0x5: {  	s22 =	simm.s32 $0x2;
	s24 =	simm.s32 $0x3;
	s26 =	simm.s32 $0x4  }
0x6: {  	s29 =	simm.s32 $0x5;
	s15 =	simm.s32 $0x8;
	s19 =	simm.s32 $0x0  }
0x7: {  	s2 =	sand.u32 $0x1, s2;
	s3 =	sshll.u32 s3, $0x1;
	[smem:$0x7FF] =	sst s5  }
0x8: {  	s8 =	sadd.s32 $0x10, s6;
	s9 =	sadd.s32 $0x20, s6;
	s10 =	sadd.s32 $0x30, s6  }
0x9: {  	s11 =	sadd.s32 $0x40, s6;
	s12 =	sadd.s32 $0x50, s6;
	s13 =	sadd.s32 $0x60, s6  }
0xa: {  	s14 =	sadd.s32 $0x70, s6;
	s3 =	sor.u32 s2, s3;
	s2 =	ssub.s32 $0x2, s2  }
0xb: {  	s5 =	simm.s32 $0x6;
	s4 =	smul.u32 $0xC80, s3;
	s30 =	sshrl.u32 s2, $0x1  }
0xc: {  	s6 =	simm.s32 $0x7;
	_ =	strace $0x80000047;
	s2 =	ssub.s32 s2, s30  }
0xd: {  	s7 =	smul.u32 $0xC8000, s3;
	s0 =	sadd.s32 s4, s0;
	s31 =	smax.u32 s2, $0x1  }
0xe: {  	s3 =	simm.s32 $0x80;
	s0 =	sadd.s32 $0x400, s0;
	[dreg:$0x6] =	wrdreg s31  }
0xf: {  	s2 =	simm.s32 $0x12800;
	[dreg:$0x5] =	wrdreg s0;
	s0 =	simm.s32 $0x1  }
.LBB2_1:
0x10: {  	[dreg:$0x7] =	wrdreg s19  }
0x11: {  	s17 =	simm.s32 $0x0;
	s4 =	rddreg [dreg:$0x5];
	s19 =	simm.s32 $0x12  }
0x12: {  	[tilespmem:s16], [sflag:$0x12] =	stream.linear.gather [hbm4b:s4+s17], $0x6400, $0x38;
	[tilespmem:$0x14800] =	vst v63  }
0x13: {  	_ =	swait.ge [sflag:s19], $0x6400  }
0x14: {  	[sflag:s19] =	ssyncset.done $0x0  }
0x15: {  	[sflag:s19] =	ssyncadd.s32 $0xFFFF9C00  }
0x16: {  	s4 =	rddreg [dreg:$0x2]  }
0x17: {  	[tilespmem:s17], [sflag:$0x11] =	stream.linear.gather [hbm4b:s4+s17], $0x6400, $0x38;
	[tilespmem:$0x14800] =	vst v63  }
0x18: {  	s21 =	simm.s32 $0xC800  }
0x19: {  	[tilespmem:s21], [sflag:$0x1] =	stream.indirect.gather [hbm4b:s1+s18], $0x80, s16, s18, $0xb8;
	[tilespmem:$0x14800] =	vst v63  }
0x1a: {  	s23 =	simm.s32 $0x6480;
	s25 =	simm.s32 $0xD800  }
0x1b: {  	[tilespmem:s25], [sflag:$0x2] =	stream.indirect.gather [hbm4b:s1+s18], $0x80, s23, s18, $0xb8;
	[tilespmem:$0x14800] =	vst v63  }
0x1c: {  	s28 =	simm.s32 $0x6500;
	s30 =	simm.s32 $0xE800  }
0x1d: {  	[tilespmem:s30], [sflag:$0x3] =	stream.indirect.gather [hbm4b:s1+s18], $0x80, s28, s18, $0xb8;
	[tilespmem:$0x14800] =	vst v63  }
0x1e: {  	s19 =	simm.s32 $0xF800;
	s17 =	simm.s32 $0x6580  }
0x1f: {  	[tilespmem:s19], [sflag:$0x4] =	stream.indirect.gather [hbm4b:s1+s18], $0x80, s17, s18, $0xb8;
	[tilespmem:$0x14800] =	vst v63  }
0x20: {  	s21 =	simm.s32 $0x6600;
	s23 =	simm.s32 $0x10800  }
0x21: {  	[tilespmem:s23], [sflag:$0x5] =	stream.indirect.gather [hbm4b:s1+s18], $0x80, s21, s18, $0xb8;
	[tilespmem:$0x14800] =	vst v63  }
0x22: {  	s25 =	simm.s32 $0x6680;
	s28 =	simm.s32 $0x11800;
	s30 =	simm.s32 $0x11  }
0x23: {  	[tilespmem:s28], [sflag:$0x6] =	stream.indirect.gather [hbm4b:s1+s18], $0x80, s25, s18, $0xb8;
	[tilespmem:$0x14800] =	vst v63  }
0x24: {  	_ =	swait.ge [sflag:s30], $0x6400  }
0x25: {  	[sflag:s30] =	ssyncset.done $0x0  }
0x26: {  	s31 =	simm.s32 $0x0;
	[sflag:s30] =	ssyncadd.s32 $0xFFFF9C00  }
.LBB2_2:
0x27: {  	p0 =	seq.s32 s31, $0x0  }
0x28: {  	s23 =	sshll.u32 s31, $0xC;
	s17 =	simm.s32 @!p0 $0xF  }
0x29: {  	s4 =	sor.u32 $0xC00, s23;
	_ =	swait.ge @!p0 [sflag:s17], $0x1000  }
0x2a: {  	s4 =	sshra.s32 s4, $0x2;
	[sflag:s17] =	ssyncset.done @!p0 $0x0  }
0x2b: {  	s30 =	sadd.s32 $0x6400, s4;
	[sflag:s17] =	ssyncadd.s32 @!p0 $0xFFFFF000  }
0x2c: {  	[tilespmem:s2], [sflag:$0x7] =	stream.indirect.gather [hbm4b:s1+s18], $0x80, s30, s18, $0xb8;
	[tilespmem:$0x14800] =	vst v63  }
0x2d: {  	_ =	swait.ge [sflag:s0], $0x1000  }
0x2e: {  	[sflag:s0] =	ssyncset.done $0x0  }
0x2f: {  	s21 =	sshll.u32 s31, $0xA;
	[sflag:s0] =	ssyncadd.s32 $0xFFFFF000  }
0x30: {  	v6 =	vld [tilespmem:s21+$0x0]  }
0x31: {  	v7 =	vld [tilespmem:s21+$0x10]  }
0x32: {  	v5 =	vld [tilespmem:s21+$0x20]  }
0x33: {  	v4 =	vld [tilespmem:s21+$0x30]  }
0x34: {  	v3 =	vld [tilespmem:s21+$0x40]  }
0x35: {  	v2 =	vld [tilespmem:s21+$0x50]  }
0x36: {  	v1 =	vld [tilespmem:s21+$0x60]  }
0x37: {  	s19 =	simm.s32 $0x0;
	v0 =	vld [tilespmem:s21+$0x70]  }
0x38: {  	v11 =	vld [tilespmem:s19+$0xC800]  }
0x39: {  	v13 =	vld [tilespmem:s19+$0xC810]  }
0x3a: {  	v12 =	vld [tilespmem:s19+$0xC820]  }
0x3b: {  	v10 =	vld [tilespmem:s19+$0xC830]  }
0x3c: {  	v8 =	vld [tilespmem:s19+$0xC840]  }
0x3d: {  	v9 =	vld [tilespmem:s19+$0xC850];
	v14 =	vadd.f32 v11, v6  }
0x3e: {  	s17 =	simm.s32 $0x200;
	v13 =	vadd.f32 v13, v7;
	v11 =	vld [tilespmem:s19+$0xC860]  }
.LBB2_3:
0x3f: {  	s25 =	sshra.s32 s17, $0x2;
	p1 =	sne.s32 s17, $0x3E00;
	[tilespmem:s19+$0xC800] =	vst v14;
	v12 =	vadd.f32 v12, v5;
	v14 =	vld [tilespmem:s19+$0xC870]  }
0x40: {  	v15 =	vld [tilespmem:s25+$0xC800];
	[tilespmem:s19+$0xC810] =	vst v13;
	v10 =	vadd.f32 v10, v4  }
0x41: {  	v13 =	vld [tilespmem:s25+$0xC810];
	[tilespmem:s19+$0xC820] =	vst v12;
	v8 =	vadd.f32 v8, v3  }
.Ltmp0:
0x42: {  	v12 =	vld [tilespmem:s25+$0xC820];
	[tilespmem:s19+$0xC830] =	vst v10;
	v9 =	vadd.f32 v9, v2;
	(pc) =	sbr.rel @p1 .LBB2_3-.Ltmp0, $4  }
0x43: {  	v10 =	vld [tilespmem:s25+$0xC830];
	[tilespmem:s19+$0xC840] =	vst v8;
	v11 =	vadd.f32 v11, v1  }
0x44: {  	v8 =	vld [tilespmem:s25+$0xC840];
	[tilespmem:s19+$0xC850] =	vst v9;
	v16 =	vadd.f32 v14, v0  }
0x45: {  	v14 =	vadd.f32 v15, v6;
	v9 =	vld [tilespmem:s25+$0xC850];
	[tilespmem:s19+$0xC860] =	vst v11  }
0x46: {  	s17 =	sadd.s32 $0x200, s17;
	v13 =	vadd.f32 v13, v7;
	v11 =	vld [tilespmem:s25+$0xC860];
	[tilespmem:s19+$0xC870] =	vst v16;
	s19 =	smov.u32 s25  }
0x47: {  	[tilespmem:s19+$0xC800] =	vst v14;
	v5 =	vadd.f32 v12, v5;
	v6 =	vld [tilespmem:s19+$0xC870]  }
0x48: {  	[tilespmem:s19+$0xC810] =	vst v13;
	v4 =	vadd.f32 v10, v4  }
0x49: {  	[tilespmem:s19+$0xC820] =	vst v5;
	v3 =	vadd.f32 v8, v3  }
0x4a: {  	[tilespmem:s19+$0xC830] =	vst v4;
	v2 =	vadd.f32 v9, v2  }
0x4b: {  	[tilespmem:s19+$0xC840] =	vst v3;
	v1 =	vadd.f32 v11, v1  }
0x4c: {  	s17 =	sadd.s32 s7, s21;
	[tilespmem:s19+$0xC850] =	vst v2;
	v0 =	vadd.f32 v6, v0  }
0x4d: {  	s25 =	rddreg [dreg:$0x3];
	s17 =	sshrl.u32 s17, $0x3;
	[tilespmem:s19+$0xC860] =	vst v1  }
0x4e: {  	[tilespmem:s19+$0xC870] =	vst v0;
	s19 =	sadd.s32 s25, s17;
	s25 =	simm.s32 $0xC800  }
0x4f: {  	[hbm4b:s19+s3] =	stream.strided.scatter [tilespmem:s25], [sflag:$0x9], $0x1000, s16, s3, $0x38;
	[tilespmem:$0x14800] =	vst v63  }
0x50: {  	s25 =	simm.s32 @!p0 $0x10  }
0x51: {  	s30 =	sor.u32 $0xE00, s23;
	_ =	swait.ge @!p0 [sflag:s25], $0x1000  }
0x52: {  	s19 =	sshra.s32 s30, $0x2;
	[sflag:s25] =	ssyncset.done @!p0 $0x0  }
0x53: {  	s30 =	sadd.s32 $0x6400, s19;
	[sflag:s25] =	ssyncadd.s32 @!p0 $0xFFFFF000  }
0x54: {  	[tilespmem:s20], [sflag:$0x8] =	stream.indirect.gather [hbm4b:s1+s18], $0x80, s30, s18, $0xb8;
	[tilespmem:$0x14800] =	vst v63  }
0x55: {  	_ =	swait.ge [sflag:s22], $0x1000  }
0x56: {  	[sflag:s22] =	ssyncset.done $0x0  }
0x57: {  	[sflag:s22] =	ssyncadd.s32 $0xFFFFF000  }
0x58: {  	v6 =	vld [tilespmem:s21+$0x80]  }
0x59: {  	v7 =	vld [tilespmem:s21+$0x90]  }
0x5a: {  	v5 =	vld [tilespmem:s21+$0xA0]  }
0x5b: {  	v4 =	vld [tilespmem:s21+$0xB0]  }
0x5c: {  	v3 =	vld [tilespmem:s21+$0xC0]  }
0x5d: {  	v2 =	vld [tilespmem:s21+$0xD0]  }
0x5e: {  	v1 =	vld [tilespmem:s21+$0xE0]  }
0x5f: {  	s25 =	simm.s32 $0x0;
	v0 =	vld [tilespmem:s21+$0xF0]  }
0x60: {  	v11 =	vld [tilespmem:s25+$0xD800]  }
0x61: {  	v13 =	vld [tilespmem:s25+$0xD810]  }
0x62: {  	v12 =	vld [tilespmem:s25+$0xD820]  }
0x63: {  	v10 =	vld [tilespmem:s25+$0xD830]  }
0x64: {  	v8 =	vld [tilespmem:s25+$0xD840]  }
0x65: {  	v9 =	vld [tilespmem:s25+$0xD850];
	v14 =	vadd.f32 v11, v6  }
0x66: {  	s28 =	simm.s32 $0x200;
	v13 =	vadd.f32 v13, v7;
	v11 =	vld [tilespmem:s25+$0xD860]  }
.LBB2_5:
0x67: {  	s30 =	sshra.s32 s28, $0x2;
	p0 =	sne.s32 s28, $0x3E00;
	[tilespmem:s25+$0xD800] =	vst v14;
	v12 =	vadd.f32 v12, v5;
	v14 =	vld [tilespmem:s25+$0xD870]  }
0x68: {  	v15 =	vld [tilespmem:s30+$0xD800];
	[tilespmem:s25+$0xD810] =	vst v13;
	v10 =	vadd.f32 v10, v4  }
0x69: {  	v13 =	vld [tilespmem:s30+$0xD810];
	[tilespmem:s25+$0xD820] =	vst v12;
	v8 =	vadd.f32 v8, v3  }
.Ltmp1:
0x6a: {  	v12 =	vld [tilespmem:s30+$0xD820];
	[tilespmem:s25+$0xD830] =	vst v10;
	v9 =	vadd.f32 v9, v2;
	(pc) =	sbr.rel @p0 .LBB2_5-.Ltmp1, $4  }
0x6b: {  	v10 =	vld [tilespmem:s30+$0xD830];
	[tilespmem:s25+$0xD840] =	vst v8;
	v11 =	vadd.f32 v11, v1  }
0x6c: {  	v8 =	vld [tilespmem:s30+$0xD840];
	[tilespmem:s25+$0xD850] =	vst v9;
	v16 =	vadd.f32 v14, v0  }
0x6d: {  	v14 =	vadd.f32 v15, v6;
	v9 =	vld [tilespmem:s30+$0xD850];
	[tilespmem:s25+$0xD860] =	vst v11  }
0x6e: {  	s28 =	sadd.s32 $0x200, s28;
	v13 =	vadd.f32 v13, v7;
	v11 =	vld [tilespmem:s30+$0xD860];
	[tilespmem:s25+$0xD870] =	vst v16;
	s25 =	smov.u32 s30  }
0x6f: {  	[tilespmem:s25+$0xD800] =	vst v14;
	v5 =	vadd.f32 v12, v5;
	v6 =	vld [tilespmem:s25+$0xD870]  }
0x70: {  	[tilespmem:s25+$0xD810] =	vst v13;
	v4 =	vadd.f32 v10, v4  }
0x71: {  	[tilespmem:s25+$0xD820] =	vst v5;
	v3 =	vadd.f32 v8, v3  }
0x72: {  	[tilespmem:s25+$0xD830] =	vst v4;
	v2 =	vadd.f32 v9, v2  }
0x73: {  	[tilespmem:s25+$0xD840] =	vst v3;
	v1 =	vadd.f32 v11, v1  }
0x74: {  	[tilespmem:s25+$0xD850] =	vst v2;
	v0 =	vadd.f32 v6, v0  }
0x75: {  	p0 =	seq.s32 s31, $0x18;
	[tilespmem:s25+$0xD860] =	vst v1  }
0x76: {  	s30 =	sadd.s32 s17, s8;
	s28 =	simm.s32 $0xD800;
	[tilespmem:s25+$0xD870] =	vst v0;
	s25 =	simm.s32 @!p0 $0x9  }
0x77: {  	[hbm4b:s30+s3] =	stream.strided.scatter [tilespmem:s28], [sflag:$0xA], $0x1000, s16, s3, $0x38;
	[tilespmem:$0x14800] =	vst v63  }
0x78: {  	_ =	swait.ge @!p0 [sflag:s25], $0x1000  }
0x79: {  	s23 =	sshra.s32 @!p0 s23, $0x2;
	s28 =	simm.s32 @!p0 $0x20;
	[sflag:s25] =	ssyncset.done @!p0 $0x0  }
0x7a: {  	s30 =	simm.s32 @!p0 $0xC800;
	[sflag:s25] =	ssyncadd.s32 @!p0 $0xFFFFF000;
	s25 =	sadd.s32 @!p0 $0x6800, s23  }
0x7b: {  	[tilespmem:s30], [sflag:$0x1] =	stream.indirect.gather @!p0 [hbm4b:s1+s28], $0x80, s25, s28, $0xb8;
	[tilespmem:$0x14800] =	vst v63  }
0x7c: {  	_ =	swait.ge [sflag:s24], $0x1000  }
0x7d: {  	[sflag:s24] =	ssyncset.done $0x0  }
0x7e: {  	[sflag:s24] =	ssyncadd.s32 $0xFFFFF000  }
0x7f: {  	v6 =	vld [tilespmem:s21+$0x100]  }
0x80: {  	v7 =	vld [tilespmem:s21+$0x110]  }
0x81: {  	v5 =	vld [tilespmem:s21+$0x120]  }
0x82: {  	v4 =	vld [tilespmem:s21+$0x130]  }
0x83: {  	v3 =	vld [tilespmem:s21+$0x140]  }
0x84: {  	v2 =	vld [tilespmem:s21+$0x150]  }
0x85: {  	v1 =	vld [tilespmem:s21+$0x160]  }
0x86: {  	s25 =	simm.s32 $0x0;
	v0 =	vld [tilespmem:s21+$0x170]  }
0x87: {  	v11 =	vld [tilespmem:s25+$0xE800]  }
0x88: {  	v13 =	vld [tilespmem:s25+$0xE810]  }
0x89: {  	v12 =	vld [tilespmem:s25+$0xE820]  }
0x8a: {  	v10 =	vld [tilespmem:s25+$0xE830]  }
0x8b: {  	v8 =	vld [tilespmem:s25+$0xE840]  }
0x8c: {  	v9 =	vld [tilespmem:s25+$0xE850];
	v14 =	vadd.f32 v11, v6  }
0x8d: {  	s28 =	simm.s32 $0x200;
	v13 =	vadd.f32 v13, v7;
	v11 =	vld [tilespmem:s25+$0xE860]  }
.LBB2_7:
0x8e: {  	s30 =	sshra.s32 s28, $0x2;
	p1 =	sne.s32 s28, $0x3E00;
	[tilespmem:s25+$0xE800] =	vst v14;
	v12 =	vadd.f32 v12, v5;
	v14 =	vld [tilespmem:s25+$0xE870]  }
0x8f: {  	v15 =	vld [tilespmem:s30+$0xE800];
	[tilespmem:s25+$0xE810] =	vst v13;
	v10 =	vadd.f32 v10, v4  }
0x90: {  	v13 =	vld [tilespmem:s30+$0xE810];
	[tilespmem:s25+$0xE820] =	vst v12;
	v8 =	vadd.f32 v8, v3  }
.Ltmp2:
0x91: {  	v12 =	vld [tilespmem:s30+$0xE820];
	[tilespmem:s25+$0xE830] =	vst v10;
	v9 =	vadd.f32 v9, v2;
	(pc) =	sbr.rel @p1 .LBB2_7-.Ltmp2, $4  }
0x92: {  	v10 =	vld [tilespmem:s30+$0xE830];
	[tilespmem:s25+$0xE840] =	vst v8;
	v11 =	vadd.f32 v11, v1  }
0x93: {  	v8 =	vld [tilespmem:s30+$0xE840];
	[tilespmem:s25+$0xE850] =	vst v9;
	v16 =	vadd.f32 v14, v0  }
0x94: {  	v14 =	vadd.f32 v15, v6;
	v9 =	vld [tilespmem:s30+$0xE850];
	[tilespmem:s25+$0xE860] =	vst v11  }
0x95: {  	s28 =	sadd.s32 $0x200, s28;
	v13 =	vadd.f32 v13, v7;
	v11 =	vld [tilespmem:s30+$0xE860];
	[tilespmem:s25+$0xE870] =	vst v16;
	s25 =	smov.u32 s30  }
0x96: {  	[tilespmem:s25+$0xE800] =	vst v14;
	v5 =	vadd.f32 v12, v5;
	v6 =	vld [tilespmem:s25+$0xE870]  }
0x97: {  	[tilespmem:s25+$0xE810] =	vst v13;
	v4 =	vadd.f32 v10, v4  }
0x98: {  	[tilespmem:s25+$0xE820] =	vst v5;
	v3 =	vadd.f32 v8, v3  }
0x99: {  	[tilespmem:s25+$0xE830] =	vst v4;
	v2 =	vadd.f32 v9, v2  }
0x9a: {  	[tilespmem:s25+$0xE840] =	vst v3;
	v1 =	vadd.f32 v11, v1  }
0x9b: {  	[tilespmem:s25+$0xE850] =	vst v2;
	v0 =	vadd.f32 v6, v0  }
0x9c: {  	[tilespmem:s25+$0xE860] =	vst v1  }
0x9d: {  	s30 =	sadd.s32 s17, s9;
	s28 =	simm.s32 $0xE800;
	[tilespmem:s25+$0xE870] =	vst v0;
	s25 =	simm.s32 @!p0 $0xA  }
0x9e: {  	[hbm4b:s30+s3] =	stream.strided.scatter [tilespmem:s28], [sflag:$0xB], $0x1000, s16, s3, $0x38;
	[tilespmem:$0x14800] =	vst v63  }
0x9f: {  	_ =	swait.ge @!p0 [sflag:s25], $0x1000  }
0xa0: {  	s28 =	simm.s32 @!p0 $0x20;
	[sflag:s25] =	ssyncset.done @!p0 $0x0  }
0xa1: {  	s30 =	simm.s32 @!p0 $0xD800;
	[sflag:s25] =	ssyncadd.s32 @!p0 $0xFFFFF000;
	s25 =	sadd.s32 @!p0 $0x6880, s23  }
0xa2: {  	[tilespmem:s30], [sflag:$0x2] =	stream.indirect.gather @!p0 [hbm4b:s1+s28], $0x80, s25, s28, $0xb8;
	[tilespmem:$0x14800] =	vst v63  }
0xa3: {  	_ =	swait.ge [sflag:s26], $0x1000  }
0xa4: {  	[sflag:s26] =	ssyncset.done $0x0  }
0xa5: {  	[sflag:s26] =	ssyncadd.s32 $0xFFFFF000  }
0xa6: {  	v6 =	vld [tilespmem:s21+$0x180]  }
0xa7: {  	v7 =	vld [tilespmem:s21+$0x190]  }
0xa8: {  	v5 =	vld [tilespmem:s21+$0x1A0]  }
0xa9: {  	v4 =	vld [tilespmem:s21+$0x1B0]  }
0xaa: {  	v3 =	vld [tilespmem:s21+$0x1C0]  }
0xab: {  	v2 =	vld [tilespmem:s21+$0x1D0]  }
0xac: {  	v1 =	vld [tilespmem:s21+$0x1E0]  }
0xad: {  	s25 =	simm.s32 $0x0;
	v0 =	vld [tilespmem:s21+$0x1F0]  }
0xae: {  	v11 =	vld [tilespmem:s25+$0xF800]  }
0xaf: {  	v13 =	vld [tilespmem:s25+$0xF810]  }
0xb0: {  	v12 =	vld [tilespmem:s25+$0xF820]  }
0xb1: {  	v10 =	vld [tilespmem:s25+$0xF830]  }
0xb2: {  	v8 =	vld [tilespmem:s25+$0xF840]  }
0xb3: {  	v9 =	vld [tilespmem:s25+$0xF850];
	v14 =	vadd.f32 v11, v6  }
0xb4: {  	s28 =	simm.s32 $0x200;
	v13 =	vadd.f32 v13, v7;
	v11 =	vld [tilespmem:s25+$0xF860]  }
.LBB2_9:
0xb5: {  	s30 =	sshra.s32 s28, $0x2;
	p1 =	sne.s32 s28, $0x3E00;
	[tilespmem:s25+$0xF800] =	vst v14;
	v12 =	vadd.f32 v12, v5;
	v14 =	vld [tilespmem:s25+$0xF870]  }
0xb6: {  	v15 =	vld [tilespmem:s30+$0xF800];
	[tilespmem:s25+$0xF810] =	vst v13;
	v10 =	vadd.f32 v10, v4  }
0xb7: {  	v13 =	vld [tilespmem:s30+$0xF810];
	[tilespmem:s25+$0xF820] =	vst v12;
	v8 =	vadd.f32 v8, v3  }
.Ltmp3:
0xb8: {  	v12 =	vld [tilespmem:s30+$0xF820];
	[tilespmem:s25+$0xF830] =	vst v10;
	v9 =	vadd.f32 v9, v2;
	(pc) =	sbr.rel @p1 .LBB2_9-.Ltmp3, $4  }
0xb9: {  	v10 =	vld [tilespmem:s30+$0xF830];
	[tilespmem:s25+$0xF840] =	vst v8;
	v11 =	vadd.f32 v11, v1  }
0xba: {  	v8 =	vld [tilespmem:s30+$0xF840];
	[tilespmem:s25+$0xF850] =	vst v9;
	v16 =	vadd.f32 v14, v0  }
0xbb: {  	v14 =	vadd.f32 v15, v6;
	v9 =	vld [tilespmem:s30+$0xF850];
	[tilespmem:s25+$0xF860] =	vst v11  }
0xbc: {  	s28 =	sadd.s32 $0x200, s28;
	v13 =	vadd.f32 v13, v7;
	v11 =	vld [tilespmem:s30+$0xF860];
	[tilespmem:s25+$0xF870] =	vst v16;
	s25 =	smov.u32 s30  }
0xbd: {  	[tilespmem:s25+$0xF800] =	vst v14;
	v5 =	vadd.f32 v12, v5;
	v6 =	vld [tilespmem:s25+$0xF870]  }
0xbe: {  	[tilespmem:s25+$0xF810] =	vst v13;
	v4 =	vadd.f32 v10, v4  }
0xbf: {  	[tilespmem:s25+$0xF820] =	vst v5;
	v3 =	vadd.f32 v8, v3  }
0xc0: {  	[tilespmem:s25+$0xF830] =	vst v4;
	v2 =	vadd.f32 v9, v2  }
0xc1: {  	[tilespmem:s25+$0xF840] =	vst v3;
	v1 =	vadd.f32 v11, v1  }
0xc2: {  	[tilespmem:s25+$0xF850] =	vst v2;
	v0 =	vadd.f32 v6, v0  }
0xc3: {  	[tilespmem:s25+$0xF860] =	vst v1  }
0xc4: {  	s30 =	sadd.s32 s17, s10;
	s28 =	simm.s32 $0xF800;
	[tilespmem:s25+$0xF870] =	vst v0;
	s25 =	simm.s32 @!p0 $0xB  }
0xc5: {  	[hbm4b:s30+s3] =	stream.strided.scatter [tilespmem:s28], [sflag:$0xC], $0x1000, s16, s3, $0x38;
	[tilespmem:$0x14800] =	vst v63  }
0xc6: {  	_ =	swait.ge @!p0 [sflag:s25], $0x1000  }
0xc7: {  	s28 =	simm.s32 @!p0 $0x20;
	[sflag:s25] =	ssyncset.done @!p0 $0x0  }
0xc8: {  	s30 =	simm.s32 @!p0 $0xE800;
	[sflag:s25] =	ssyncadd.s32 @!p0 $0xFFFFF000;
	s25 =	sadd.s32 @!p0 $0x6900, s23  }
0xc9: {  	[tilespmem:s30], [sflag:$0x3] =	stream.indirect.gather @!p0 [hbm4b:s1+s28], $0x80, s25, s28, $0xb8;
	[tilespmem:$0x14800] =	vst v63  }
0xca: {  	_ =	swait.ge [sflag:s29], $0x1000  }
0xcb: {  	[sflag:s29] =	ssyncset.done $0x0  }
0xcc: {  	[sflag:s29] =	ssyncadd.s32 $0xFFFFF000  }
0xcd: {  	v6 =	vld [tilespmem:s21+$0x200]  }
0xce: {  	v7 =	vld [tilespmem:s21+$0x210]  }
0xcf: {  	v5 =	vld [tilespmem:s21+$0x220]  }
0xd0: {  	v4 =	vld [tilespmem:s21+$0x230]  }
0xd1: {  	v3 =	vld [tilespmem:s21+$0x240]  }
0xd2: {  	v2 =	vld [tilespmem:s21+$0x250]  }
0xd3: {  	v1 =	vld [tilespmem:s21+$0x260]  }
0xd4: {  	s25 =	simm.s32 $0x0;
	v0 =	vld [tilespmem:s21+$0x270]  }
0xd5: {  	v11 =	vld [tilespmem:s25+$0x10800]  }
0xd6: {  	v13 =	vld [tilespmem:s25+$0x10810]  }
0xd7: {  	v12 =	vld [tilespmem:s25+$0x10820]  }
0xd8: {  	v10 =	vld [tilespmem:s25+$0x10830]  }
0xd9: {  	v8 =	vld [tilespmem:s25+$0x10840]  }
0xda: {  	v9 =	vld [tilespmem:s25+$0x10850];
	v14 =	vadd.f32 v11, v6  }
0xdb: {  	s28 =	simm.s32 $0x200;
	v13 =	vadd.f32 v13, v7;
	v11 =	vld [tilespmem:s25+$0x10860]  }
.LBB2_11:
0xdc: {  	s30 =	sshra.s32 s28, $0x2;
	p1 =	sne.s32 s28, $0x3E00;
	[tilespmem:s25+$0x10800] =	vst v14;
	v12 =	vadd.f32 v12, v5;
	v14 =	vld [tilespmem:s25+$0x10870]  }
0xdd: {  	v15 =	vld [tilespmem:s30+$0x10800];
	[tilespmem:s25+$0x10810] =	vst v13;
	v10 =	vadd.f32 v10, v4  }
0xde: {  	v13 =	vld [tilespmem:s30+$0x10810];
	[tilespmem:s25+$0x10820] =	vst v12;
	v8 =	vadd.f32 v8, v3  }
.Ltmp4:
0xdf: {  	v12 =	vld [tilespmem:s30+$0x10820];
	[tilespmem:s25+$0x10830] =	vst v10;
	v9 =	vadd.f32 v9, v2;
	(pc) =	sbr.rel @p1 .LBB2_11-.Ltmp4, $4  }
0xe0: {  	v10 =	vld [tilespmem:s30+$0x10830];
	[tilespmem:s25+$0x10840] =	vst v8;
	v11 =	vadd.f32 v11, v1  }
0xe1: {  	v8 =	vld [tilespmem:s30+$0x10840];
	[tilespmem:s25+$0x10850] =	vst v9;
	v16 =	vadd.f32 v14, v0  }
0xe2: {  	v14 =	vadd.f32 v15, v6;
	v9 =	vld [tilespmem:s30+$0x10850];
	[tilespmem:s25+$0x10860] =	vst v11  }
0xe3: {  	s28 =	sadd.s32 $0x200, s28;
	v13 =	vadd.f32 v13, v7;
	v11 =	vld [tilespmem:s30+$0x10860];
	[tilespmem:s25+$0x10870] =	vst v16;
	s25 =	smov.u32 s30  }
0xe4: {  	[tilespmem:s25+$0x10800] =	vst v14;
	v5 =	vadd.f32 v12, v5;
	v6 =	vld [tilespmem:s25+$0x10870]  }
0xe5: {  	[tilespmem:s25+$0x10810] =	vst v13;
	v4 =	vadd.f32 v10, v4  }
0xe6: {  	[tilespmem:s25+$0x10820] =	vst v5;
	v3 =	vadd.f32 v8, v3  }
0xe7: {  	[tilespmem:s25+$0x10830] =	vst v4;
	v2 =	vadd.f32 v9, v2  }
0xe8: {  	[tilespmem:s25+$0x10840] =	vst v3;
	v1 =	vadd.f32 v11, v1  }
0xe9: {  	[tilespmem:s25+$0x10850] =	vst v2;
	v0 =	vadd.f32 v6, v0  }
0xea: {  	[tilespmem:s25+$0x10860] =	vst v1  }
0xeb: {  	s30 =	sadd.s32 s17, s11;
	s28 =	simm.s32 $0x10800;
	[tilespmem:s25+$0x10870] =	vst v0;
	s25 =	simm.s32 @!p0 $0xC  }
0xec: {  	[hbm4b:s30+s3] =	stream.strided.scatter [tilespmem:s28], [sflag:$0xD], $0x1000, s16, s3, $0x38;
	[tilespmem:$0x14800] =	vst v63  }
0xed: {  	_ =	swait.ge @!p0 [sflag:s25], $0x1000  }
0xee: {  	s28 =	simm.s32 @!p0 $0x20;
	[sflag:s25] =	ssyncset.done @!p0 $0x0  }
0xef: {  	s30 =	simm.s32 @!p0 $0xF800;
	[sflag:s25] =	ssyncadd.s32 @!p0 $0xFFFFF000;
	s25 =	sadd.s32 @!p0 $0x6980, s23  }
0xf0: {  	[tilespmem:s30], [sflag:$0x4] =	stream.indirect.gather @!p0 [hbm4b:s1+s28], $0x80, s25, s28, $0xb8;
	[tilespmem:$0x14800] =	vst v63  }
0xf1: {  	_ =	swait.ge [sflag:s5], $0x1000  }
0xf2: {  	[sflag:s5] =	ssyncset.done $0x0  }
0xf3: {  	[sflag:s5] =	ssyncadd.s32 $0xFFFFF000  }
0xf4: {  	v6 =	vld [tilespmem:s21+$0x280]  }
0xf5: {  	v7 =	vld [tilespmem:s21+$0x290]  }
0xf6: {  	v5 =	vld [tilespmem:s21+$0x2A0]  }
0xf7: {  	v4 =	vld [tilespmem:s21+$0x2B0]  }
0xf8: {  	v3 =	vld [tilespmem:s21+$0x2C0]  }
0xf9: {  	v2 =	vld [tilespmem:s21+$0x2D0]  }
0xfa: {  	v1 =	vld [tilespmem:s21+$0x2E0]  }
0xfb: {  	v0 =	vld [tilespmem:s21+$0x2F0];
	s21 =	simm.s32 $0x0  }
0xfc: {  	v11 =	vld [tilespmem:s21+$0x11800]  }
0xfd: {  	v13 =	vld [tilespmem:s21+$0x11810]  }
0xfe: {  	v12 =	vld [tilespmem:s21+$0x11820]  }
0xff: {  	v10 =	vld [tilespmem:s21+$0x11830]  }
0x100: {  	v8 =	vld [tilespmem:s21+$0x11840]  }
0x101: {  	v9 =	vld [tilespmem:s21+$0x11850];
	v14 =	vadd.f32 v11, v6  }
0x102: {  	s25 =	simm.s32 $0x200;
	v13 =	vadd.f32 v13, v7;
	v11 =	vld [tilespmem:s21+$0x11860]  }
.LBB2_13:
0x103: {  	s28 =	sshra.s32 s25, $0x2;
	p1 =	sne.s32 s25, $0x3E00;
	[tilespmem:s21+$0x11800] =	vst v14;
	v12 =	vadd.f32 v12, v5;
	v14 =	vld [tilespmem:s21+$0x11870]  }
0x104: {  	v15 =	vld [tilespmem:s28+$0x11800];
	[tilespmem:s21+$0x11810] =	vst v13;
	v10 =	vadd.f32 v10, v4  }
0x105: {  	v13 =	vld [tilespmem:s28+$0x11810];
	[tilespmem:s21+$0x11820] =	vst v12;
	v8 =	vadd.f32 v8, v3  }
.Ltmp5:
0x106: {  	v12 =	vld [tilespmem:s28+$0x11820];
	[tilespmem:s21+$0x11830] =	vst v10;
	v9 =	vadd.f32 v9, v2;
	(pc) =	sbr.rel @p1 .LBB2_13-.Ltmp5, $4  }
0x107: {  	v10 =	vld [tilespmem:s28+$0x11830];
	[tilespmem:s21+$0x11840] =	vst v8;
	v11 =	vadd.f32 v11, v1  }
0x108: {  	v8 =	vld [tilespmem:s28+$0x11840];
	[tilespmem:s21+$0x11850] =	vst v9;
	v16 =	vadd.f32 v14, v0  }
0x109: {  	v14 =	vadd.f32 v15, v6;
	v9 =	vld [tilespmem:s28+$0x11850];
	[tilespmem:s21+$0x11860] =	vst v11  }
0x10a: {  	s25 =	sadd.s32 $0x200, s25;
	v13 =	vadd.f32 v13, v7;
	v11 =	vld [tilespmem:s28+$0x11860];
	[tilespmem:s21+$0x11870] =	vst v16;
	s21 =	smov.u32 s28  }
0x10b: {  	[tilespmem:s21+$0x11800] =	vst v14;
	v5 =	vadd.f32 v12, v5;
	v6 =	vld [tilespmem:s21+$0x11870]  }
0x10c: {  	[tilespmem:s21+$0x11810] =	vst v13;
	v4 =	vadd.f32 v10, v4  }
0x10d: {  	[tilespmem:s21+$0x11820] =	vst v5;
	v3 =	vadd.f32 v8, v3  }
0x10e: {  	[tilespmem:s21+$0x11830] =	vst v4;
	v2 =	vadd.f32 v9, v2  }
0x10f: {  	[tilespmem:s21+$0x11840] =	vst v3;
	v1 =	vadd.f32 v11, v1  }
0x110: {  	[tilespmem:s21+$0x11850] =	vst v2;
	v0 =	vadd.f32 v6, v0  }
0x111: {  	[tilespmem:s21+$0x11860] =	vst v1  }
0x112: {  	s30 =	sadd.s32 s17, s12;
	s25 =	simm.s32 $0x11800;
	[tilespmem:s21+$0x11870] =	vst v0;
	s21 =	simm.s32 @!p0 $0xD  }
0x113: {  	[hbm4b:s30+s3] =	stream.strided.scatter [tilespmem:s25], [sflag:$0xE], $0x1000, s16, s3, $0x38;
	[tilespmem:$0x14800] =	vst v63  }
0x114: {  	_ =	swait.ge @!p0 [sflag:s21], $0x1000  }
0x115: {  	s28 =	simm.s32 @!p0 $0x10800;
	[sflag:s21] =	ssyncset.done @!p0 $0x0  }
0x116: {  	s25 =	simm.s32 @!p0 $0x20;
	[sflag:s21] =	ssyncadd.s32 @!p0 $0xFFFFF000;
	s21 =	sadd.s32 @!p0 $0x6A00, s23  }
0x117: {  	[tilespmem:s28], [sflag:$0x5] =	stream.indirect.gather @!p0 [hbm4b:s1+s25], $0x80, s21, s25, $0xb8;
	[tilespmem:$0x14800] =	vst v63  }
0x118: {  	_ =	swait.ge [sflag:s6], $0x1000  }
0x119: {  	[sflag:s6] =	ssyncset.done $0x0  }
0x11a: {  	[sflag:s6] =	ssyncadd.s32 $0xFFFFF000  }
0x11b: {  	v6 =	vld [tilespmem:s4+$0x0]  }
0x11c: {  	v7 =	vld [tilespmem:s4+$0x10]  }
0x11d: {  	v5 =	vld [tilespmem:s4+$0x20]  }
0x11e: {  	v4 =	vld [tilespmem:s4+$0x30]  }
0x11f: {  	v3 =	vld [tilespmem:s4+$0x40]  }
0x120: {  	v2 =	vld [tilespmem:s4+$0x50]  }
0x121: {  	v1 =	vld [tilespmem:s4+$0x60]  }
0x122: {  	v0 =	vld [tilespmem:s4+$0x70];
	s4 =	simm.s32 $0x0  }
0x123: {  	v11 =	vld [tilespmem:s4+$0x12800]  }
0x124: {  	v13 =	vld [tilespmem:s4+$0x12810]  }
0x125: {  	v12 =	vld [tilespmem:s4+$0x12820]  }
0x126: {  	v10 =	vld [tilespmem:s4+$0x12830]  }
0x127: {  	v8 =	vld [tilespmem:s4+$0x12840]  }
0x128: {  	v9 =	vld [tilespmem:s4+$0x12850];
	v14 =	vadd.f32 v11, v6  }
0x129: {  	s21 =	simm.s32 $0x200;
	v13 =	vadd.f32 v13, v7;
	v11 =	vld [tilespmem:s4+$0x12860]  }
.LBB2_15:
0x12a: {  	s25 =	sshra.s32 s21, $0x2;
	p1 =	sne.s32 s21, $0x3E00;
	[tilespmem:s4+$0x12800] =	vst v14;
	v12 =	vadd.f32 v12, v5;
	v14 =	vld [tilespmem:s4+$0x12870]  }
0x12b: {  	v15 =	vld [tilespmem:s25+$0x12800];
	[tilespmem:s4+$0x12810] =	vst v13;
	v10 =	vadd.f32 v10, v4  }
0x12c: {  	v13 =	vld [tilespmem:s25+$0x12810];
	[tilespmem:s4+$0x12820] =	vst v12;
	v8 =	vadd.f32 v8, v3  }
.Ltmp6:
0x12d: {  	v12 =	vld [tilespmem:s25+$0x12820];
	[tilespmem:s4+$0x12830] =	vst v10;
	v9 =	vadd.f32 v9, v2;
	(pc) =	sbr.rel @p1 .LBB2_15-.Ltmp6, $4  }
0x12e: {  	v10 =	vld [tilespmem:s25+$0x12830];
	[tilespmem:s4+$0x12840] =	vst v8;
	v11 =	vadd.f32 v11, v1  }
0x12f: {  	v8 =	vld [tilespmem:s25+$0x12840];
	[tilespmem:s4+$0x12850] =	vst v9;
	v16 =	vadd.f32 v14, v0  }
0x130: {  	v14 =	vadd.f32 v15, v6;
	v9 =	vld [tilespmem:s25+$0x12850];
	[tilespmem:s4+$0x12860] =	vst v11  }
0x131: {  	s21 =	sadd.s32 $0x200, s21;
	v13 =	vadd.f32 v13, v7;
	v11 =	vld [tilespmem:s25+$0x12860];
	[tilespmem:s4+$0x12870] =	vst v16;
	s4 =	smov.u32 s25  }
0x132: {  	[tilespmem:s4+$0x12800] =	vst v14;
	v5 =	vadd.f32 v12, v5;
	v6 =	vld [tilespmem:s4+$0x12870]  }
0x133: {  	[tilespmem:s4+$0x12810] =	vst v13;
	v4 =	vadd.f32 v10, v4  }
0x134: {  	[tilespmem:s4+$0x12820] =	vst v5;
	v3 =	vadd.f32 v8, v3  }
0x135: {  	[tilespmem:s4+$0x12830] =	vst v4;
	v2 =	vadd.f32 v9, v2  }
0x136: {  	[tilespmem:s4+$0x12840] =	vst v3;
	v1 =	vadd.f32 v11, v1  }
0x137: {  	[tilespmem:s4+$0x12850] =	vst v2;
	v0 =	vadd.f32 v6, v0  }
0x138: {  	[tilespmem:s4+$0x12860] =	vst v1  }
0x139: {  	s30 =	sadd.s32 s17, s13;
	[tilespmem:s4+$0x12870] =	vst v0;
	s4 =	simm.s32 @!p0 $0xE  }
0x13a: {  	[hbm4b:s30+s3] =	stream.strided.scatter [tilespmem:s2], [sflag:$0xF], $0x1000, s16, s3, $0x38;
	[tilespmem:$0x14800] =	vst v63  }
0x13b: {  	_ =	swait.ge @!p0 [sflag:s4], $0x1000  }
0x13c: {  	s21 =	simm.s32 @!p0 $0x20;
	[sflag:s4] =	ssyncset.done @!p0 $0x0  }
0x13d: {  	[sflag:s4] =	ssyncadd.s32 @!p0 $0xFFFFF000;
	s4 =	sadd.s32 @!p0 $0x6A80, s23;
	s23 =	simm.s32 @!p0 $0x11800  }
0x13e: {  	[tilespmem:s23], [sflag:$0x6] =	stream.indirect.gather @!p0 [hbm4b:s1+s21], $0x80, s4, s21, $0xb8;
	[tilespmem:$0x14800] =	vst v63  }
0x13f: {  	_ =	swait.ge [sflag:s15], $0x1000  }
0x140: {  	[sflag:s15] =	ssyncset.done $0x0  }
0x141: {  	[sflag:s15] =	ssyncadd.s32 $0xFFFFF000  }
0x142: {  	v6 =	vld [tilespmem:s19+$0x0]  }
0x143: {  	v7 =	vld [tilespmem:s19+$0x10]  }
0x144: {  	v5 =	vld [tilespmem:s19+$0x20]  }
0x145: {  	v4 =	vld [tilespmem:s19+$0x30]  }
0x146: {  	v3 =	vld [tilespmem:s19+$0x40]  }
0x147: {  	v2 =	vld [tilespmem:s19+$0x50]  }
0x148: {  	v1 =	vld [tilespmem:s19+$0x60]  }
0x149: {  	s4 =	simm.s32 $0x0;
	v0 =	vld [tilespmem:s19+$0x70]  }
0x14a: {  	v11 =	vld [tilespmem:s4+$0x13800]  }
0x14b: {  	v13 =	vld [tilespmem:s4+$0x13810]  }
0x14c: {  	v12 =	vld [tilespmem:s4+$0x13820]  }
0x14d: {  	v10 =	vld [tilespmem:s4+$0x13830]  }
0x14e: {  	v8 =	vld [tilespmem:s4+$0x13840]  }
0x14f: {  	v9 =	vld [tilespmem:s4+$0x13850];
	v14 =	vadd.f32 v11, v6  }
0x150: {  	s19 =	simm.s32 $0x200;
	v13 =	vadd.f32 v13, v7;
	v11 =	vld [tilespmem:s4+$0x13860]  }
.LBB2_17:
0x151: {  	s21 =	sshra.s32 s19, $0x2;
	p0 =	sne.s32 s19, $0x3E00;
	[tilespmem:s4+$0x13800] =	vst v14;
	v12 =	vadd.f32 v12, v5;
	v14 =	vld [tilespmem:s4+$0x13870]  }
0x152: {  	v15 =	vld [tilespmem:s21+$0x13800];
	[tilespmem:s4+$0x13810] =	vst v13;
	v10 =	vadd.f32 v10, v4  }
0x153: {  	v13 =	vld [tilespmem:s21+$0x13810];
	[tilespmem:s4+$0x13820] =	vst v12;
	v8 =	vadd.f32 v8, v3  }
.Ltmp7:
0x154: {  	v12 =	vld [tilespmem:s21+$0x13820];
	[tilespmem:s4+$0x13830] =	vst v10;
	v9 =	vadd.f32 v9, v2;
	(pc) =	sbr.rel @p0 .LBB2_17-.Ltmp7, $4  }
0x155: {  	v10 =	vld [tilespmem:s21+$0x13830];
	[tilespmem:s4+$0x13840] =	vst v8;
	v11 =	vadd.f32 v11, v1  }
0x156: {  	v8 =	vld [tilespmem:s21+$0x13840];
	[tilespmem:s4+$0x13850] =	vst v9;
	v16 =	vadd.f32 v14, v0  }
0x157: {  	v14 =	vadd.f32 v15, v6;
	v9 =	vld [tilespmem:s21+$0x13850];
	[tilespmem:s4+$0x13860] =	vst v11  }
0x158: {  	s19 =	sadd.s32 $0x200, s19;
	v13 =	vadd.f32 v13, v7;
	v11 =	vld [tilespmem:s21+$0x13860];
	[tilespmem:s4+$0x13870] =	vst v16;
	s4 =	smov.u32 s21  }
0x159: {  	[tilespmem:s4+$0x13800] =	vst v14;
	v5 =	vadd.f32 v12, v5;
	v6 =	vld [tilespmem:s4+$0x13870]  }
0x15a: {  	[tilespmem:s4+$0x13810] =	vst v13;
	v4 =	vadd.f32 v10, v4  }
0x15b: {  	s31 =	sadd.s32 $0x1, s31;
	[tilespmem:s4+$0x13820] =	vst v5;
	v3 =	vadd.f32 v8, v3  }
0x15c: {  	p0 =	sne.s32 s31, $0x19;
	[tilespmem:s4+$0x13830] =	vst v4;
	v2 =	vadd.f32 v9, v2  }
.Ltmp8:
0x15d: {  	[tilespmem:s4+$0x13840] =	vst v3;
	v1 =	vadd.f32 v11, v1;
	(pc) =	sbr.rel @p0 .LBB2_2-.Ltmp8, $4  }
0x15e: {  	[tilespmem:s4+$0x13850] =	vst v2;
	v0 =	vadd.f32 v6, v0  }
0x15f: {  	[tilespmem:s4+$0x13860] =	vst v1  }
0x160: {  	s30 =	sadd.s32 s17, s14;
	[tilespmem:s4+$0x13870] =	vst v0  }
0x161: {  	[hbm4b:s30+s3] =	stream.strided.scatter [tilespmem:s20], [sflag:$0x10], $0x1000, s16, s3, $0x38;
	[tilespmem:$0x14800] =	vst v63  }
0x162: {  	s4 =	simm.s32 $0x9  }
0x163: {  	_ =	swait.ge [sflag:s4], $0x1000  }
0x164: {  	[sflag:s4] =	ssyncset.done $0x0  }
0x165: {  	s19 =	simm.s32 $0xA;
	[sflag:s4] =	ssyncadd.s32 $0xFFFFF000  }
0x166: {  	_ =	swait.ge [sflag:s19], $0x1000  }
0x167: {  	[sflag:s19] =	ssyncset.done $0x0  }
0x168: {  	s21 =	simm.s32 $0xB;
	[sflag:s19] =	ssyncadd.s32 $0xFFFFF000  }
0x169: {  	_ =	swait.ge [sflag:s21], $0x1000  }
0x16a: {  	[sflag:s21] =	ssyncset.done $0x0  }
0x16b: {  	s23 =	simm.s32 $0xC;
	[sflag:s21] =	ssyncadd.s32 $0xFFFFF000  }
0x16c: {  	_ =	swait.ge [sflag:s23], $0x1000  }
0x16d: {  	[sflag:s23] =	ssyncset.done $0x0  }
0x16e: {  	s25 =	simm.s32 $0xD;
	[sflag:s23] =	ssyncadd.s32 $0xFFFFF000  }
0x16f: {  	_ =	swait.ge [sflag:s25], $0x1000  }
0x170: {  	[sflag:s25] =	ssyncset.done $0x0  }
0x171: {  	s28 =	simm.s32 $0xE;
	[sflag:s25] =	ssyncadd.s32 $0xFFFFF000  }
0x172: {  	_ =	swait.ge [sflag:s28], $0x1000  }
0x173: {  	[sflag:s28] =	ssyncset.done $0x0  }
0x174: {  	s30 =	simm.s32 $0xF;
	[sflag:s28] =	ssyncadd.s32 $0xFFFFF000  }
0x175: {  	_ =	swait.ge [sflag:s30], $0x1000  }
0x176: {  	[sflag:s30] =	ssyncset.done $0x0  }
0x177: {  	s17 =	simm.s32 $0x10;
	[sflag:s30] =	ssyncadd.s32 $0xFFFFF000  }
0x178: {  	_ =	swait.ge [sflag:s17], $0x1000  }
0x179: {  	s19 =	rddreg [dreg:$0x7]  }
0x17a: {  	s31 =	rddreg [dreg:$0x6];
	s19 =	sadd.s32 $0x1, s19  }
0x17b: {  	p0 =	sne.s32 s19, s31  }
.Ltmp9:
0x17c: {  	_ = 	snop;
	(pc) =	sbr.rel @p0 .LBB2_1-.Ltmp9, $3  }
0x17d: {  	_ =	sdelay $0x1  }
0x17e: {  	[sflag:s17] =	ssyncset.done $0x0  }
0x17f: {  	[sflag:s17] =	ssyncadd.s32 $0xFFFFF000  }
0x180: {  	_ =	sfence.sel $0x180000  }
0x181: {  	[bflag:$0x0] =	sbarrier.arrive $0xFFFF  }
0x182: {  	_ =	strace $0x90000047  }
0x183: {  	s0 =	stileid.u32;
	[bflag:$0x2] =	sbarrier.arrive $0xFFFF  }
0x184: {  	p0 =	sne.s32 s0, $0x0;
	s0 =	rddreg [dreg:$0x4]  }
0x185: {  	s0 =	sadd.s32 @!p0 $0x100000, s0  }
0x186: {  	[sflag:s0] =	ssyncadd.tile.s32 @!p0 $0x1;
	_ =	shalt  }
.Lfunc_end2:
_tile_overlayer_lowered:
.L_overlay_start_2:
0x187: {  	(tag) =	ssettag $0x2  }
0x188: {  	s0 =	rddreg [dreg:$0x0];
	s2 =	stileid.u32  }
0x189: {  	s1 =	rddreg [dreg:$0x1];
	p0 =	sne.s32 s2, $0x0  }
0x18a: {  	s3 =	rddreg [dreg:$0x2];
	[bflag:$0x3] =	sbarrier.arrive $0xFFFF;
	s2 =	simm.s32 @!p0 $0x1C12  }
0x18b: {  	[timem:s3], [sflag:s2] =	dma.local @!p0 [hbm:s0], s1  }
0x18c: {  	s0 =	simm.s32 @!p0 $0x12  }
0x18d: {  	_ =	swait.ge @!p0 [sflag:s0], s1  }
0x18e: {  	s1 =	ssub.s32 @!p0 $0x0, s1;
	[sflag:s0] =	ssyncset.done @!p0 $0x0  }
0x18f: {  	[sflag:s0] =	ssyncadd.s32 @!p0 s1  }
0x190: {  	[bflag:$0x3] =	sbarrier.arrive $0xFFFF  }
0x191: {  	_ =	shalt  }

</sc_bundles>
